<compile_context>
chip_gen: v7x
topology: tpu7x:2x2x1
jax: 0.10.2.dev20260603
libtpu: 0.0.44.dev20260713+nightly
codegen_flags: <defaults>
</compile_context>

<pallas_src>
import functools

import jax
import jax.numpy as jnp
import numpy as np
from jax import lax
from jax.experimental import pallas as pl
from jax.experimental.pallas import tpu as pltpu
from jax.experimental.pallas import tpu_sc as plsc

NROWS = 1000000
K = 100
INT_MIN = np.int32(-2147483648)
INT_MAX = np.int32(2147483647)

RBLK = 2048
NBLK = 62
P = NBLK * RBLK * 8

NSUB = 16
HALF = P // 2
SH = HALF // NSUB
NV = SH // 16
B0, B1, B2 = 1024, 2048, 2048
CMAX = 128
EMAX = 128


def _score_body(x_ref, s2_ref, o_ref):
    o_ref[...] = jnp.dot(x_ref[...], s2_ref[...],
                         precision=jax.lax.Precision.HIGHEST,
                         preferred_element_type=jnp.float32)


def _zero_range(ref, nelem):
    zeros = jnp.zeros((16,), jnp.int32)

    def body(g, _):
        ref[pl.ds(g * 16, 16)] = zeros
        return 0

    lax.fori_loop(0, nelem // 16, body, 0)


def _thresh_scan(ghist_v, gs_v, nbins, g_in, k, iota):
    ngrp = nbins // 16

    def ga(g, _):
        v = ghist_v[pl.ds(g * 16, 16)]
        gs_v[g] = jnp.sum(v)
        return 0

    lax.fori_loop(0, ngrp, ga, 0)

    def gb(t, c):
        acc, grp, accab, found = c
        g = ngrp - 1 - t
        s = gs_v[g]
        hit = jnp.where(found == 0,
                        jnp.where(g_in + acc + s >= k, 1, 0), 0)
        grp = jnp.where(hit == 1, g, grp)
        accab = jnp.where(hit == 1, acc, accab)
        found = found | hit
        return (acc + s, grp, accab, found)

    _, grp, accab, _ = lax.fori_loop(
        0, ngrp, gb, (jnp.int32(0), jnp.int32(0), jnp.int32(0), jnp.int32(0)))

    hv = ghist_v[pl.ds(grp * 16, 16)]
    cumv = plsc.cumsum(hv)
    tot = jnp.sum(hv)
    from_top = tot - cumv + hv
    cond = (g_in + accab + from_top) >= k
    tl = jnp.max(jnp.where(cond, iota, -1))
    above = jnp.sum(jnp.where(iota > tl, hv, 0))
    return grp * 16 + tl, g_in + accab + above


def _sc_body(scores_hbm, outk_hbm, outi_hbm,
             stage_f, keys_v, hist_v, ghist_v, gs_v, acc_v, comb_v,
             candk_v, candi_v, eq_v, cnts_v,
             gathk_v, gathi_v, gathe_v, cntall_v, outk_v, outi_v,
             histS, ghistS, candkS, candiS, eqS, cntS):
    cid = lax.axis_index("c")
    wid = lax.axis_index("s")
    base = cid * HALF + wid * SH
    limit = jnp.where(jnp.logical_and(cid == 1, wid == NSUB - 1),
                      jnp.int32(996), jnp.int32(NV))
    iota = lax.iota(jnp.int32, 16)

    pltpu.sync_copy(scores_hbm.at[pl.ds(base, SH)], stage_f)

    _zero_range(hist_v, B0)

    def p1(j, _):
        f = stage_f[pl.ds(j * 16, 16)]
        b = lax.bitcast_convert_type(f, jnp.int32)
        bkey = jnp.where(b >= 0, b | INT_MIN, ~b)
        keys_v[pl.ds(j * 16, 16)] = bkey
        d0 = lax.shift_right_logical(bkey, 22)
        cnt, lastm = plsc.scan_count(d0, mask=jnp.full((16,), True) & (j < limit))
        plsc.addupdate_scatter(hist_v, [d0], cnt, mask=lastm)
        return 0

    lax.fori_loop(0, NV, p1, 0, unroll=8)

    def _combine(nbins, bpw):
        pltpu.sync_copy(hist_v.at[pl.ds(0, nbins)],
                        histS.at[wid, pl.ds(0, nbins)])
        plsc.subcore_barrier()
        _zero_range(acc_v, bpw)

        def comb(ww, _):
            pltpu.sync_copy(histS.at[ww, pl.ds(wid * bpw, bpw)],
                            comb_v.at[pl.ds(0, bpw)])
            for g in range(bpw // 16):
                sl = pl.ds(g * 16, 16)
                acc_v[sl] = acc_v[sl] + comb_v[sl]
            return 0

        lax.fori_loop(0, NSUB, comb, 0)
        pltpu.sync_copy(acc_v.at[pl.ds(0, bpw)],
                        ghistS.at[pl.ds(wid * bpw, bpw)])
        plsc.subcore_barrier()
        pltpu.sync_copy(ghistS.at[pl.ds(0, nbins)],
                        ghist_v.at[pl.ds(0, nbins)])

    _combine(B0, B0 // NSUB)
    b0, g0 = _thresh_scan(ghist_v, gs_v, B0, jnp.int32(0), K, iota)

    _zero_range(hist_v, B1)

    def p2(j, _):
        bkey = keys_v[pl.ds(j * 16, 16)]
        m = lax.shift_right_logical(bkey, 22) == b0
        d1 = lax.shift_right_logical(bkey, 11) & 0x7FF
        cnt, lastm = plsc.scan_count(d1, mask=m & (j < limit))
        plsc.addupdate_scatter(hist_v, [d1], cnt, mask=lastm)
        return 0

    lax.fori_loop(0, NV, p2, 0, unroll=8)
    _combine(B1, B1 // NSUB)
    b1, g1 = _thresh_scan(ghist_v, gs_v, B1, g0, K, iota)

    _zero_range(hist_v, B2)
    pfx = (b0 << 11) | b1

    def p3(j, _):
        bkey = keys_v[pl.ds(j * 16, 16)]
        m = lax.shift_right_logical(bkey, 11) == pfx
        d2 = bkey & 0x7FF
        cnt, lastm = plsc.scan_count(d2, mask=m & (j < limit))
        plsc.addupdate_scatter(hist_v, [d2], cnt, mask=lastm)
        return 0

    lax.fori_loop(0, NV, p3, 0, unroll=8)
    _combine(B2, B2 // NSUB)
    b2, g_final = _thresh_scan(ghist_v, gs_v, B2, g1, K, iota)

    bkstar = (b0 << 22) | (b1 << 11) | b2
    tstar = bkstar ^ INT_MIN
    eneed = K - g_final

    def pc(j, c):
        goff, eoff = c
        bkey = keys_v[pl.ds(j * 16, 16)]
        sk = bkey ^ INT_MIN
        gidx = base + j * 16 + iota
        valid = j < limit
        mgt = (sk > tstar) & valid
        cgt = plsc.cumsum(mgt.astype(jnp.int32))
        pos = goff + cgt - 1
        mg_st = jnp.logical_and(mgt,
                                jnp.logical_and(pos >= 0, pos < CMAX))
        plsc.store_scatter(candk_v, [pos], sk, mask=mg_st)
        plsc.store_scatter(candi_v, [pos], gidx, mask=mg_st)
        goff = goff + jnp.sum(mgt.astype(jnp.int32))
        meq = (sk == tstar) & valid
        ceq = plsc.cumsum(meq.astype(jnp.int32))
        epos = eoff + ceq - 1
        me_st = jnp.logical_and(meq,
                                jnp.logical_and(epos >= 0, epos < EMAX))
        plsc.store_scatter(eq_v, [epos], gidx, mask=me_st)
        eoff = eoff + jnp.sum(meq.astype(jnp.int32))
        return (goff, eoff)

    g_w, e_w = lax.fori_loop(0, NV, pc, (jnp.int32(0), jnp.int32(0)),
                             unroll=8)
    e_w = jnp.minimum(e_w, EMAX)

    cnts_v[pl.ds(0, 16)] = jnp.where(iota == 0, g_w,
                                     jnp.where(iota == 1, e_w, 0))
    for g in range(1, 8):
        cnts_v[pl.ds(g * 16, 16)] = jnp.zeros((16,), jnp.int32)
    pltpu.sync_copy(cnts_v, cntS.at[wid])
    pltpu.sync_copy(candk_v, candkS.at[wid])
    pltpu.sync_copy(candi_v, candiS.at[wid])
    pltpu.sync_copy(eq_v, eqS.at[wid])
    plsc.subcore_barrier()

    @pl.when(wid == 0)
    def _():
        pltpu.sync_copy(cntS, cntall_v)
        pltpu.sync_copy(candkS, gathk_v)
        pltpu.sync_copy(candiS, gathi_v)
        pltpu.sync_copy(eqS, gathe_v)
        for g in range(8):
            sl = pl.ds(g * 16, 16)
            outk_v[sl] = jnp.full((16,), INT_MIN, jnp.int32)
            outi_v[sl] = jnp.full((16,), INT_MAX, jnp.int32)

        def asm(w, c):
            gpre, epre = c
            cv = cntall_v[w, pl.ds(0, 16)]
            gw = cv[0]
            ew = cv[1]

            def gv(j, _):
                lane = j * 16 + iota
                pos = gpre + lane
                m = jnp.logical_and(
                    lane < gw,
                    jnp.logical_and(pos >= 0, pos < 128))
                kv = gathk_v[w, pl.ds(j * 16, 16)]
                iv = gathi_v[w, pl.ds(j * 16, 16)]
                plsc.store_scatter(outk_v, [pos], kv, mask=m)
                plsc.store_scatter(outi_v, [pos], iv, mask=m)
                return 0

            lax.fori_loop(0, CMAX // 16, gv, 0)

            def ev(j, _):
                lane = j * 16 + iota
                erank = epre + lane
                pos = g_final + erank
                m = jnp.logical_and(
                    jnp.logical_and(lane < ew, erank < eneed),
                    jnp.logical_and(pos >= 0, pos < 128))
                iv = gathe_v[w, pl.ds(j * 16, 16)]
                plsc.store_scatter(outi_v, [pos], iv, mask=m)
                plsc.store_scatter(outk_v, [pos],
                                   jnp.full((16,), 0, jnp.int32) + tstar,
                                   mask=m)
                return 0

            lax.fori_loop(0, EMAX // 16, ev, 0)
            return (gpre + gw, epre + ew)

        lax.fori_loop(0, NSUB, asm, (jnp.int32(0), jnp.int32(0)))
        pltpu.sync_copy(outk_v, outk_hbm.at[cid])
        pltpu.sync_copy(outi_v, outi_hbm.at[cid])


@functools.cache
def _get_sc_select():
    return functools.partial(
        pl.kernel,
        out_type=[
            jax.ShapeDtypeStruct((2, 128), jnp.int32),
            jax.ShapeDtypeStruct((2, 128), jnp.int32),
        ],
        mesh=plsc.VectorSubcoreMesh(core_axis_name="c", subcore_axis_name="s",
                                    num_cores=2, num_subcores=NSUB),
        compiler_params=pltpu.CompilerParams(needs_layout_passes=False),
        scratch_types=[
            pltpu.VMEM((SH,), jnp.float32),
            pltpu.VMEM((SH,), jnp.int32),
            pltpu.VMEM((B2,), jnp.int32),
            pltpu.VMEM((B2,), jnp.int32),
            pltpu.SMEM((B2 // 16,), jnp.int32),
            pltpu.VMEM((B2 // NSUB,), jnp.int32),
            pltpu.VMEM((B2 // NSUB,), jnp.int32),
            pltpu.VMEM((CMAX,), jnp.int32),
            pltpu.VMEM((CMAX,), jnp.int32),
            pltpu.VMEM((EMAX,), jnp.int32),
            pltpu.VMEM((128,), jnp.int32),
            pltpu.VMEM((NSUB, CMAX), jnp.int32),
            pltpu.VMEM((NSUB, CMAX), jnp.int32),
            pltpu.VMEM((NSUB, EMAX), jnp.int32),
            pltpu.VMEM((NSUB, 128), jnp.int32),
            pltpu.VMEM((128,), jnp.int32),
            pltpu.VMEM((128,), jnp.int32),
            pltpu.VMEM_SHARED((NSUB, B2), jnp.int32),
            pltpu.VMEM_SHARED((B2,), jnp.int32),
            pltpu.VMEM_SHARED((NSUB, CMAX), jnp.int32),
            pltpu.VMEM_SHARED((NSUB, CMAX), jnp.int32),
            pltpu.VMEM_SHARED((NSUB, EMAX), jnp.int32),
            pltpu.VMEM_SHARED((NSUB, 128), jnp.int32),
        ],
    )(_sc_body)


def _final_body(k_ref, i_ref, ov_ref, oi_ref):
    keys = k_ref[...]
    idxs = i_ref[...]
    lane = lax.broadcasted_iota(jnp.int32, (1, 128), 1)
    accv0 = jnp.full((1, 128), INT_MIN, jnp.int32)
    acci0 = jnp.full((1, 128), INT_MAX, jnp.int32)

    def it(t, c):
        kc, accv, acci = c
        m = jnp.max(kc)
        sel = jnp.min(jnp.where(kc == m, idxs, INT_MAX))
        accv = jnp.where(lane == t, m, accv)
        acci = jnp.where(lane == t, sel, acci)
        kc = jnp.where(jnp.logical_and(kc == m, idxs == sel), INT_MIN, kc)
        return (kc, accv, acci)

    _, accv, acci = lax.fori_loop(0, K, it, (keys, accv0, acci0))
    bits = jnp.where(accv >= 0, accv, accv ^ 0x7FFFFFFF)
    vals = lax.bitcast_convert_type(bits, jnp.float32)
    ov_ref[...] = vals[:, :K]
    oi_ref[...] = acci[:, :K]


def kernel(theta, X, N):
    xf = X.reshape(NROWS // 8, 128)
    th = theta[0]
    li = jnp.arange(128)
    ji = jnp.arange(8)
    s2 = jnp.where((li[:, None] // 16) == ji[None, :],
                   jnp.tile(th, 8)[:, None], 0.0).astype(jnp.float32)

    scores2d = pl.pallas_call(
        _score_body,
        grid=(NBLK,),
        in_specs=[
            pl.BlockSpec((RBLK, 128), lambda b: (b, 0)),
            pl.BlockSpec((128, 8), lambda b: (0, 0)),
        ],
        out_specs=pl.BlockSpec((RBLK, 8), lambda b: (b, 0)),
        out_shape=jax.ShapeDtypeStruct((NBLK * RBLK, 8), jnp.float32),
    )(xf, s2)
    scores = scores2d.reshape(P)

    outk, outi = _get_sc_select()(scores)

    vals, idx = pl.pallas_call(
        _final_body,
        in_specs=[
            pl.BlockSpec((1, 256), lambda: (0, 0)),
            pl.BlockSpec((1, 256), lambda: (0, 0)),
        ],
        out_specs=[
            pl.BlockSpec((1, K), lambda: (0, 0)),
            pl.BlockSpec((1, K), lambda: (0, 0)),
        ],
        out_shape=[
            jax.ShapeDtypeStruct((1, K), jnp.float32),
            jax.ShapeDtypeStruct((1, K), jnp.int32),
        ],
    )(outk.reshape(1, 256), outi.reshape(1, 256))

    return vals[0], idx[0]

# --- scband reference (transcript-rebuilt; emitter-appended) ---
"""Pipeline reference for scband-new-user-50002009260133 (READ-ONLY COPY).

The authoritative reference and input builder live on the scoring server;
editing this copy changes nothing except your own understanding.
"""

import jax, jax.numpy as jnp
import numpy as np


def setup_inputs(seed: int = 0) -> dict:
    key = jax.random.key(seed)
    k1, k2 = jax.random.split(key)
    # user latent vector initialized uniform(-0.1, 0.1) like initialize_new_user_model
    theta = jax.random.uniform(k1, (1, 16), dtype=jnp.float32, minval=-0.1, maxval=0.1)
    # trained item factor matrix X (loaded from pickle in the original module)
    X = jax.random.normal(k2, (1000000, 16), dtype=jnp.float32)
    return {"theta": theta, "X": X, "N": 100}


def reference(theta, X, N):
    # get_top_N: broadcast theta over all items, per-item dot product, then top-N
    # theta.repeat(K, 1) * X summed over latent dim == row-wise dot product
    predictions = jnp.sum(theta * X, axis=1)  # [K]
    top_vals, top_idx = jax.lax.top_k(predictions, 100)
    top_idx = top_idx + (N - N)
    return top_vals, top_idx

if __name__ == "__main__":
    import jax
    _d = setup_inputs()
    print(jax.jit(kernel)(*tuple(_d.values())))

</pallas_src>

<mosaic_0001>
#map = affine_map<(d0, d1) -> (0)>
#map1 = affine_map<(d0, d1) -> (0, 0)>
module attributes {stable_mosaic.version = 14 : i64} {
  func.func @_sc_body(%arg0: i32, %arg1: i32, %arg2: memref<1015808xf32, #tpu.memory_space<hbm>>, %arg3: memref<2x128xi32, #tpu.memory_space<hbm>>, %arg4: memref<2x128xi32, #tpu.memory_space<hbm>>, %arg5: memref<31744xf32, #tpu.memory_space<vmem>>, %arg6: memref<31744xi32, #tpu.memory_space<vmem>>, %arg7: memref<2048xi32, #tpu.memory_space<vmem>>, %arg8: memref<2048xi32, #tpu.memory_space<vmem>>, %arg9: memref<128xi32, #tpu.memory_space<smem>>, %arg10: memref<128xi32, #tpu.memory_space<vmem>>, %arg11: memref<128xi32, #tpu.memory_space<vmem>>, %arg12: memref<128xi32, #tpu.memory_space<vmem>>, %arg13: memref<128xi32, #tpu.memory_space<vmem>>, %arg14: memref<128xi32, #tpu.memory_space<vmem>>, %arg15: memref<128xi32, #tpu.memory_space<vmem>>, %arg16: memref<16x128xi32, #tpu.memory_space<vmem>>, %arg17: memref<16x128xi32, #tpu.memory_space<vmem>>, %arg18: memref<16x128xi32, #tpu.memory_space<vmem>>, %arg19: memref<16x128xi32, #tpu.memory_space<vmem>>, %arg20: memref<128xi32, #tpu.memory_space<vmem>>, %arg21: memref<128xi32, #tpu.memory_space<vmem>>, %arg22: memref<16x2048xi32, #tpu.memory_space<vmem_shared>>, %arg23: memref<2048xi32, #tpu.memory_space<vmem_shared>>, %arg24: memref<16x128xi32, #tpu.memory_space<vmem_shared>>, %arg25: memref<16x128xi32, #tpu.memory_space<vmem_shared>>, %arg26: memref<16x128xi32, #tpu.memory_space<vmem_shared>>, %arg27: memref<16x128xi32, #tpu.memory_space<vmem_shared>>) attributes {dimension_semantics = [#tpu.dimension_semantics<core_parallel>, #tpu.dimension_semantics<subcore_parallel>], iteration_bounds = array<i64: 2, 16>, scalar_prefetch = 0 : i64, scratch_operands = 23 : i64, tpu.core_type = #tpu.core_type<sc_vector_subcore>, window_params = [{transform_indices = #map}, {transform_indices = #map1}, {transform_indices = #map1}]} {
    %mul3A = arith.constant 507904 : i32
    %mul3A_0 = arith.muli %arg0, %mul3A : i32
    %mul3A_1 = arith.constant 31744 : i32
    %mul3A_2 = arith.muli %arg1, %mul3A_1 : i32
    %add3A = arith.addi %mul3A_0, %mul3A_2 : i32
    %eq3A = arith.constant 1 : i32
    %eq3A_3 = arith.cmpi eq, %arg0, %eq3A : i32
    %eq3A_4 = arith.constant 15 : i32
    %eq3A_5 = arith.cmpi eq, %arg1, %eq3A_4 : i32
    %and3A = arith.andi %eq3A_3, %eq3A_5 : i1
    %jit3A = arith.constant 996 : i32
    %jit3A_6 = arith.constant 1984 : i32
    %select_n3A = arith.select %and3A, %jit3A, %jit3A_6 : i32
    %iota3A = tpu.iota {dimensions = array<i32: 0>} : vector<16xi32>
    "tpu.region"() ({
      %run_scoped3A = tpu.sem_alloc : memref<!tpu.dma_semaphore, #tpu.memory_space<semaphore_mem>>
      %dma_start3A = tpu.memref_slice %arg2[%add3A] : memref<1015808xf32, #tpu.memory_space<hbm>> -> memref<31744xf32, #tpu.memory_space<hbm>>
      %dma_start3A_358 = tpu.memref_slice %arg2[%add3A] : memref<1015808xf32, #tpu.memory_space<hbm>> -> memref<31744xf32, #tpu.memory_space<hbm>>
      tpu.enqueue_dma source(%dma_start3A_358 : memref<31744xf32, #tpu.memory_space<hbm>>) target(%arg5 : memref<31744xf32, #tpu.memory_space<vmem>>) target_semaphore(%run_scoped3A : memref<!tpu.dma_semaphore, #tpu.memory_space<semaphore_mem>>)
      %dma_wait3A = tpu.memref_slice %arg2[%add3A] : memref<1015808xf32, #tpu.memory_space<hbm>> -> memref<31744xf32, #tpu.memory_space<hbm>>
      %dma_wait3A_359 = tpu.memref_slice %arg2[%add3A] : memref<1015808xf32, #tpu.memory_space<hbm>> -> memref<31744xf32, #tpu.memory_space<hbm>>
      tpu.wait_dma2 semaphore(%run_scoped3A : memref<!tpu.dma_semaphore, #tpu.memory_space<semaphore_mem>>) src(%dma_wait3A_359 : memref<31744xf32, #tpu.memory_space<hbm>>) dst(%arg5 : memref<31744xf32, #tpu.memory_space<vmem>>)
      tpu.yield
    }) : () -> ()
    %broadcast_in_dim3A = arith.constant 0 : i32
    %broadcast_in_dim3A_7 = vector.broadcast %broadcast_in_dim3A : i32 to vector<16xi32>
    %scan3A = arith.constant 0 : i32
    %scan3A_8 = arith.constant 0 : i32
    %scan3A_9 = arith.constant 64 : i32
    %scan3A_10 = arith.addi %scan3A_8, %scan3A_9 : i32
    %scan3A_11 = arith.constant 1 : i32
    %scan3A_12 = scf.for %scan3A_358 = %scan3A_8 to %scan3A_10 step %scan3A_11 iter_args(%scan3A_359 = %scan3A) -> (i32)  : i32 {
      %mul3A_360 = arith.constant 16 : i32
      %mul3A_361 = arith.muli %scan3A_358, %mul3A_360 : i32
      %swap3A_362 = arith.index_cast %mul3A_361 : i32 to index
      %swap3A_363 = tpu.vector_load %arg7[%swap3A_362] {strides = array<i32>} : memref<2048xi32, #tpu.memory_space<vmem>>, vector<16xi32>,
      tpu.vector_store %arg7[%swap3A_362], %broadcast_in_dim3A_7 {strides = array<i32>} : memref<2048xi32, #tpu.memory_space<vmem>>, vector<16xi32>,
      %scan3A_364 = arith.constant 0 : i32
      scf.yield %scan3A_364 : i32
    }
    %scan3A_13 = arith.constant 64 : i32
    %scan3A_14 = arith.constant 0 : i32
    %scan3A_15 = arith.constant 0 : i32
    %scan3A_16 = arith.constant 1984 : i32
    %scan3A_17 = arith.addi %scan3A_15, %scan3A_16 : i32
    %scan3A_18 = arith.constant 8 : i32
    %scan3A_19 = scf.for %scan3A_358 = %scan3A_15 to %scan3A_17 step %scan3A_18 iter_args(%scan3A_359 = %scan3A_14) -> (i32)  : i32 {
      %mul3A_360 = arith.constant 16 : i32
      %mul3A_361 = arith.muli %scan3A_358, %mul3A_360 : i32
      %get3A_362 = arith.index_cast %mul3A_361 : i32 to index
      %get3A_363 = tpu.vector_load %arg5[%get3A_362] {strides = array<i32>} : memref<31744xf32, #tpu.memory_space<vmem>>, vector<16xf32>,
      %bitcast_convert_type3A = tpu.bitcast %get3A_363 : vector<16xf32> -> vector<16xi32>
      %ge3A_364 = arith.constant 0 : i32
      %ge3A_365 = vector.broadcast %ge3A_364 : i32 to vector<16xi32>
      %ge3A_366 = arith.cmpi sge, %bitcast_convert_type3A, %ge3A_365 : vector<16xi32>
      %or3A_367 = arith.constant -2147483648 : i32
      %or3A_368 = vector.broadcast %or3A_367 : i32 to vector<16xi32>
      %or3A_369 = arith.ori %bitcast_convert_type3A, %or3A_368 : vector<16xi32>
      %not3A = arith.constant dense<-1> : vector<16xi32>
      %not3A_370 = arith.xori %bitcast_convert_type3A, %not3A : vector<16xi32>
      %select_n3A_371 = arith.select %ge3A_366, %or3A_369, %not3A_370 : vector<16xi1>, vector<16xi32>
      %mul3A_372 = arith.constant 16 : i32
      %mul3A_373 = arith.muli %scan3A_358, %mul3A_372 : i32
      %swap3A_374 = arith.index_cast %mul3A_373 : i32 to index
      %swap3A_375 = tpu.vector_load %arg6[%swap3A_374] {strides = array<i32>} : memref<31744xi32, #tpu.memory_space<vmem>>, vector<16xi32>,
      tpu.vector_store %arg6[%swap3A_374], %select_n3A_371 {strides = array<i32>} : memref<31744xi32, #tpu.memory_space<vmem>>, vector<16xi32>,
      %shift_right_logical3A = arith.constant 22 : i32
      %shift_right_logical3A_376 = vector.broadcast %shift_right_logical3A : i32 to vector<16xi32>
      %shift_right_logical3A_377 = arith.shrui %select_n3A_371, %shift_right_logical3A_376 : vector<16xi32>
      %broadcast_in_dim3A_378 = arith.constant true
      %broadcast_in_dim3A_379 = vector.broadcast %broadcast_in_dim3A_378 : i1 to vector<16xi1>
      %lt3A = arith.cmpi slt, %scan3A_358, %select_n3A : i32
      %and3A_380 = vector.broadcast %lt3A : i1 to vector<16xi1>
      %and3A_381 = arith.andi %broadcast_in_dim3A_379, %and3A_380 : vector<16xi1>
      %unique3A, %unique3A_382 = tpu.scan_count mask(%and3A_381 : vector<16xi1>) value(%shift_right_logical3A_377 : vector<16xi32>) : vector<16xi1>, vector<16xi32>
      tpu.vector_store_idx %arg7[%shift_right_logical3A_377], %unique3A_382 masked %unique3A {add = true} : memref<2048xi32, #tpu.memory_space<vmem>>[vector<16xi32>], vector<16xi32>, vector<16xi1>
      %scan3A_383 = arith.constant 0 : i32
      %scan3A_384 = arith.constant 1 : i32
      %scan3A_385 = arith.addi %scan3A_358, %scan3A_384 : i32
      %mul3A_386 = arith.constant 16 : i32
      %mul3A_387 = arith.muli %scan3A_385, %mul3A_386 : i32
      %get3A_388 = arith.index_cast %mul3A_387 : i32 to index
      %get3A_389 = tpu.vector_load %arg5[%get3A_388] {strides = array<i32>} : memref<31744xf32, #tpu.memory_space<vmem>>, vector<16xf32>,
      %bitcast_convert_type3A_390 = tpu.bitcast %get3A_389 : vector<16xf32> -> vector<16xi32>
      %ge3A_391 = arith.constant 0 : i32
      %ge3A_392 = vector.broadcast %ge3A_391 : i32 to vector<16xi32>
      %ge3A_393 = arith.cmpi sge, %bitcast_convert_type3A_390, %ge3A_392 : vector<16xi32>
      %or3A_394 = arith.constant -2147483648 : i32
      %or3A_395 = vector.broadcast %or3A_394 : i32 to vector<16xi32>
      %or3A_396 = arith.ori %bitcast_convert_type3A_390, %or3A_395 : vector<16xi32>
      %not3A_397 = arith.constant dense<-1> : vector<16xi32>
      %not3A_398 = arith.xori %bitcast_convert_type3A_390, %not3A_397 : vector<16xi32>
      %select_n3A_399 = arith.select %ge3A_393, %or3A_396, %not3A_398 : vector<16xi1>, vector<16xi32>
      %mul3A_400 = arith.constant 16 : i32
      %mul3A_401 = arith.muli %scan3A_385, %mul3A_400 : i32
      %swap3A_402 = arith.index_cast %mul3A_401 : i32 to index
      %swap3A_403 = tpu.vector_load %arg6[%swap3A_402] {strides = array<i32>} : memref<31744xi32, #tpu.memory_space<vmem>>, vector<16xi32>,
      tpu.vector_store %arg6[%swap3A_402], %select_n3A_399 {strides = array<i32>} : memref<31744xi32, #tpu.memory_space<vmem>>, vector<16xi32>,
      %shift_right_logical3A_404 = arith.constant 22 : i32
      %shift_right_logical3A_405 = vector.broadcast %shift_right_logical3A_404 : i32 to vector<16xi32>
      %shift_right_logical3A_406 = arith.shrui %select_n3A_399, %shift_right_logical3A_405 : vector<16xi32>
      %broadcast_in_dim3A_407 = arith.constant true
      %broadcast_in_dim3A_408 = vector.broadcast %broadcast_in_dim3A_407 : i1 to vector<16xi1>
      %lt3A_409 = arith.cmpi slt, %scan3A_385, %select_n3A : i32
      %and3A_410 = vector.broadcast %lt3A_409 : i1 to vector<16xi1>
      %and3A_411 = arith.andi %broadcast_in_dim3A_408, %and3A_410 : vector<16xi1>
      %unique3A_412, %unique3A_413 = tpu.scan_count mask(%and3A_411 : vector<16xi1>) value(%shift_right_logical3A_406 : vector<16xi32>) : vector<16xi1>, vector<16xi32>
      tpu.vector_store_idx %arg7[%shift_right_logical3A_406], %unique3A_413 masked %unique3A_412 {add = true} : memref<2048xi32, #tpu.memory_space<vmem>>[vector<16xi32>], vector<16xi32>, vector<16xi1>
      %scan3A_414 = arith.constant 0 : i32
      %scan3A_415 = arith.constant 2 : i32
      %scan3A_416 = arith.addi %scan3A_358, %scan3A_415 : i32
      %mul3A_417 = arith.constant 16 : i32
      %mul3A_418 = arith.muli %scan3A_416, %mul3A_417 : i32
      %get3A_419 = arith.index_cast %mul3A_418 : i32 to index
      %get3A_420 = tpu.vector_load %arg5[%get3A_419] {strides = array<i32>} : memref<31744xf32, #tpu.memory_space<vmem>>, vector<16xf32>,
      %bitcast_convert_type3A_421 = tpu.bitcast %get3A_420 : vector<16xf32> -> vector<16xi32>
      %ge3A_422 = arith.constant 0 : i32
      %ge3A_423 = vector.broadcast %ge3A_422 : i32 to vector<16xi32>
      %ge3A_424 = arith.cmpi sge, %bitcast_convert_type3A_421, %ge3A_423 : vector<16xi32>
      %or3A_425 = arith.constant -2147483648 : i32
      %or3A_426 = vector.broadcast %or3A_425 : i32 to vector<16xi32>
      %or3A_427 = arith.ori %bitcast_convert_type3A_421, %or3A_426 : vector<16xi32>
      %not3A_428 = arith.constant dense<-1> : vector<16xi32>
      %not3A_429 = arith.xori %bitcast_convert_type3A_421, %not3A_428 : vector<16xi32>
      %select_n3A_430 = arith.select %ge3A_424, %or3A_427, %not3A_429 : vector<16xi1>, vector<16xi32>
      %mul3A_431 = arith.constant 16 : i32
      %mul3A_432 = arith.muli %scan3A_416, %mul3A_431 : i32
      %swap3A_433 = arith.index_cast %mul3A_432 : i32 to index
      %swap3A_434 = tpu.vector_load %arg6[%swap3A_433] {strides = array<i32>} : memref<31744xi32, #tpu.memory_space<vmem>>, vector<16xi32>,
      tpu.vector_store %arg6[%swap3A_433], %select_n3A_430 {strides = array<i32>} : memref<31744xi32, #tpu.memory_space<vmem>>, vector<16xi32>,
      %shift_right_logical3A_435 = arith.constant 22 : i32
      %shift_right_logical3A_436 = vector.broadcast %shift_right_logical3A_435 : i32 to vector<16xi32>
      %shift_right_logical3A_437 = arith.shrui %select_n3A_430, %shift_right_logical3A_436 : vector<16xi32>
      %broadcast_in_dim3A_438 = arith.constant true
      %broadcast_in_dim3A_439 = vector.broadcast %broadcast_in_dim3A_438 : i1 to vector<16xi1>
      %lt3A_440 = arith.cmpi slt, %scan3A_416, %select_n3A : i32
      %and3A_441 = vector.broadcast %lt3A_440 : i1 to vector<16xi1>
      %and3A_442 = arith.andi %broadcast_in_dim3A_439, %and3A_441 : vector<16xi1>
      %unique3A_443, %unique3A_444 = tpu.scan_count mask(%and3A_442 : vector<16xi1>) value(%shift_right_logical3A_437 : vector<16xi32>) : vector<16xi1>, vector<16xi32>
      tpu.vector_store_idx %arg7[%shift_right_logical3A_437], %unique3A_444 masked %unique3A_443 {add = true} : memref<2048xi32, #tpu.memory_space<vmem>>[vector<16xi32>], vector<16xi32>, vector<16xi1>
      %scan3A_445 = arith.constant 0 : i32
      %scan3A_446 = arith.constant 3 : i32
      %scan3A_447 = arith.addi %scan3A_358, %scan3A_446 : i32
      %mul3A_448 = arith.constant 16 : i32
      %mul3A_449 = arith.muli %scan3A_447, %mul3A_448 : i32
      %get3A_450 = arith.index_cast %mul3A_449 : i32 to index
      %get3A_451 = tpu.vector_load %arg5[%get3A_450] {strides = array<i32>} : memref<31744xf32, #tpu.memory_space<vmem>>, vector<16xf32>,
      %bitcast_convert_type3A_452 = tpu.bitcast %get3A_451 : vector<16xf32> -> vector<16xi32>
      %ge3A_453 = arith.constant 0 : i32
      %ge3A_454 = vector.broadcast %ge3A_453 : i32 to vector<16xi32>
      %ge3A_455 = arith.cmpi sge, %bitcast_convert_type3A_452, %ge3A_454 : vector<16xi32>
      %or3A_456 = arith.constant -2147483648 : i32
      %or3A_457 = vector.broadcast %or3A_456 : i32 to vector<16xi32>
      %or3A_458 = arith.ori %bitcast_convert_type3A_452, %or3A_457 : vector<16xi32>
      %not3A_459 = arith.constant dense<-1> : vector<16xi32>
      %not3A_460 = arith.xori %bitcast_convert_type3A_452, %not3A_459 : vector<16xi32>
      %select_n3A_461 = arith.select %ge3A_455, %or3A_458, %not3A_460 : vector<16xi1>, vector<16xi32>
      %mul3A_462 = arith.constant 16 : i32
      %mul3A_463 = arith.muli %scan3A_447, %mul3A_462 : i32
      %swap3A_464 = arith.index_cast %mul3A_463 : i32 to index
      %swap3A_465 = tpu.vector_load %arg6[%swap3A_464] {strides = array<i32>} : memref<31744xi32, #tpu.memory_space<vmem>>, vector<16xi32>,
      tpu.vector_store %arg6[%swap3A_464], %select_n3A_461 {strides = array<i32>} : memref<31744xi32, #tpu.memory_space<vmem>>, vector<16xi32>,
      %shift_right_logical3A_466 = arith.constant 22 : i32
      %shift_right_logical3A_467 = vector.broadcast %shift_right_logical3A_466 : i32 to vector<16xi32>
      %shift_right_logical3A_468 = arith.shrui %select_n3A_461, %shift_right_logical3A_467 : vector<16xi32>
      %broadcast_in_dim3A_469 = arith.constant true
      %broadcast_in_dim3A_470 = vector.broadcast %broadcast_in_dim3A_469 : i1 to vector<16xi1>
      %lt3A_471 = arith.cmpi slt, %scan3A_447, %select_n3A : i32
      %and3A_472 = vector.broadcast %lt3A_471 : i1 to vector<16xi1>
      %and3A_473 = arith.andi %broadcast_in_dim3A_470, %and3A_472 : vector<16xi1>
      %unique3A_474, %unique3A_475 = tpu.scan_count mask(%and3A_473 : vector<16xi1>) value(%shift_right_logical3A_468 : vector<16xi32>) : vector<16xi1>, vector<16xi32>
      tpu.vector_store_idx %arg7[%shift_right_logical3A_468], %unique3A_475 masked %unique3A_474 {add = true} : memref<2048xi32, #tpu.memory_space<vmem>>[vector<16xi32>], vector<16xi32>, vector<16xi1>
      %scan3A_476 = arith.constant 0 : i32
      %scan3A_477 = arith.constant 4 : i32
      %scan3A_478 = arith.addi %scan3A_358, %scan3A_477 : i32
      %mul3A_479 = arith.constant 16 : i32
      %mul3A_480 = arith.muli %scan3A_478, %mul3A_479 : i32
      %get3A_481 = arith.index_cast %mul3A_480 : i32 to index
      %get3A_482 = tpu.vector_load %arg5[%get3A_481] {strides = array<i32>} : memref<31744xf32, #tpu.memory_space<vmem>>, vector<16xf32>,
      %bitcast_convert_type3A_483 = tpu.bitcast %get3A_482 : vector<16xf32> -> vector<16xi32>
      %ge3A_484 = arith.constant 0 : i32
      %ge3A_485 = vector.broadcast %ge3A_484 : i32 to vector<16xi32>
      %ge3A_486 = arith.cmpi sge, %bitcast_convert_type3A_483, %ge3A_485 : vector<16xi32>
      %or3A_487 = arith.constant -2147483648 : i32
      %or3A_488 = vector.broadcast %or3A_487 : i32 to vector<16xi32>
      %or3A_489 = arith.ori %bitcast_convert_type3A_483, %or3A_488 : vector<16xi32>
      %not3A_490 = arith.constant dense<-1> : vector<16xi32>
      %not3A_491 = arith.xori %bitcast_convert_type3A_483, %not3A_490 : vector<16xi32>
      %select_n3A_492 = arith.select %ge3A_486, %or3A_489, %not3A_491 : vector<16xi1>, vector<16xi32>
      %mul3A_493 = arith.constant 16 : i32
      %mul3A_494 = arith.muli %scan3A_478, %mul3A_493 : i32
      %swap3A_495 = arith.index_cast %mul3A_494 : i32 to index
      %swap3A_496 = tpu.vector_load %arg6[%swap3A_495] {strides = array<i32>} : memref<31744xi32, #tpu.memory_space<vmem>>, vector<16xi32>,
      tpu.vector_store %arg6[%swap3A_495], %select_n3A_492 {strides = array<i32>} : memref<31744xi32, #tpu.memory_space<vmem>>, vector<16xi32>,
      %shift_right_logical3A_497 = arith.constant 22 : i32
      %shift_right_logical3A_498 = vector.broadcast %shift_right_logical3A_497 : i32 to vector<16xi32>
      %shift_right_logical3A_499 = arith.shrui %select_n3A_492, %shift_right_logical3A_498 : vector<16xi32>
      %broadcast_in_dim3A_500 = arith.constant true
      %broadcast_in_dim3A_501 = vector.broadcast %broadcast_in_dim3A_500 : i1 to vector<16xi1>
      %lt3A_502 = arith.cmpi slt, %scan3A_478, %select_n3A : i32
      %and3A_503 = vector.broadcast %lt3A_502 : i1 to vector<16xi1>
      %and3A_504 = arith.andi %broadcast_in_dim3A_501, %and3A_503 : vector<16xi1>
      %unique3A_505, %unique3A_506 = tpu.scan_count mask(%and3A_504 : vector<16xi1>) value(%shift_right_logical3A_499 : vector<16xi32>) : vector<16xi1>, vector<16xi32>
      tpu.vector_store_idx %arg7[%shift_right_logical3A_499], %unique3A_506 masked %unique3A_505 {add = true} : memref<2048xi32, #tpu.memory_space<vmem>>[vector<16xi32>], vector<16xi32>, vector<16xi1>
      %scan3A_507 = arith.constant 0 : i32
      %scan3A_508 = arith.constant 5 : i32
      %scan3A_509 = arith.addi %scan3A_358, %scan3A_508 : i32
      %mul3A_510 = arith.constant 16 : i32
      %mul3A_511 = arith.muli %scan3A_509, %mul3A_510 : i32
      %get3A_512 = arith.index_cast %mul3A_511 : i32 to index
      %get3A_513 = tpu.vector_load %arg5[%get3A_512] {strides = array<i32>} : memref<31744xf32, #tpu.memory_space<vmem>>, vector<16xf32>,
      %bitcast_convert_type3A_514 = tpu.bitcast %get3A_513 : vector<16xf32> -> vector<16xi32>
      %ge3A_515 = arith.constant 0 : i32
      %ge3A_516 = vector.broadcast %ge3A_515 : i32 to vector<16xi32>
      %ge3A_517 = arith.cmpi sge, %bitcast_convert_type3A_514, %ge3A_516 : vector<16xi32>
      %or3A_518 = arith.constant -2147483648 : i32
      %or3A_519 = vector.broadcast %or3A_518 : i32 to vector<16xi32>
      %or3A_520 = arith.ori %bitcast_convert_type3A_514, %or3A_519 : vector<16xi32>
      %not3A_521 = arith.constant dense<-1> : vector<16xi32>
      %not3A_522 = arith.xori %bitcast_convert_type3A_514, %not3A_521 : vector<16xi32>
      %select_n3A_523 = arith.select %ge3A_517, %or3A_520, %not3A_522 : vector<16xi1>, vector<16xi32>
      %mul3A_524 = arith.constant 16 : i32
      %mul3A_525 = arith.muli %scan3A_509, %mul3A_524 : i32
      %swap3A_526 = arith.index_cast %mul3A_525 : i32 to index
      %swap3A_527 = tpu.vector_load %arg6[%swap3A_526] {strides = array<i32>} : memref<31744xi32, #tpu.memory_space<vmem>>, vector<16xi32>,
      tpu.vector_store %arg6[%swap3A_526], %select_n3A_523 {strides = array<i32>} : memref<31744xi32, #tpu.memory_space<vmem>>, vector<16xi32>,
      %shift_right_logical3A_528 = arith.constant 22 : i32
      %shift_right_logical3A_529 = vector.broadcast %shift_right_logical3A_528 : i32 to vector<16xi32>
      %shift_right_logical3A_530 = arith.shrui %select_n3A_523, %shift_right_logical3A_529 : vector<16xi32>
      %broadcast_in_dim3A_531 = arith.constant true
      %broadcast_in_dim3A_532 = vector.broadcast %broadcast_in_dim3A_531 : i1 to vector<16xi1>
      %lt3A_533 = arith.cmpi slt, %scan3A_509, %select_n3A : i32
      %and3A_534 = vector.broadcast %lt3A_533 : i1 to vector<16xi1>
      %and3A_535 = arith.andi %broadcast_in_dim3A_532, %and3A_534 : vector<16xi1>
      %unique3A_536, %unique3A_537 = tpu.scan_count mask(%and3A_535 : vector<16xi1>) value(%shift_right_logical3A_530 : vector<16xi32>) : vector<16xi1>, vector<16xi32>
      tpu.vector_store_idx %arg7[%shift_right_logical3A_530], %unique3A_537 masked %unique3A_536 {add = true} : memref<2048xi32, #tpu.memory_space<vmem>>[vector<16xi32>], vector<16xi32>, vector<16xi1>
      %scan3A_538 = arith.constant 0 : i32
      %scan3A_539 = arith.constant 6 : i32
      %scan3A_540 = arith.addi %scan3A_358, %scan3A_539 : i32
      %mul3A_541 = arith.constant 16 : i32
      %mul3A_542 = arith.muli %scan3A_540, %mul3A_541 : i32
      %get3A_543 = arith.index_cast %mul3A_542 : i32 to index
      %get3A_544 = tpu.vector_load %arg5[%get3A_543] {strides = array<i32>} : memref<31744xf32, #tpu.memory_space<vmem>>, vector<16xf32>,
      %bitcast_convert_type3A_545 = tpu.bitcast %get3A_544 : vector<16xf32> -> vector<16xi32>
      %ge3A_546 = arith.constant 0 : i32
      %ge3A_547 = vector.broadcast %ge3A_546 : i32 to vector<16xi32>
      %ge3A_548 = arith.cmpi sge, %bitcast_convert_type3A_545, %ge3A_547 : vector<16xi32>
      %or3A_549 = arith.constant -2147483648 : i32
      %or3A_550 = vector.broadcast %or3A_549 : i32 to vector<16xi32>
      %or3A_551 = arith.ori %bitcast_convert_type3A_545, %or3A_550 : vector<16xi32>
      %not3A_552 = arith.constant dense<-1> : vector<16xi32>
      %not3A_553 = arith.xori %bitcast_convert_type3A_545, %not3A_552 : vector<16xi32>
      %select_n3A_554 = arith.select %ge3A_548, %or3A_551, %not3A_553 : vector<16xi1>, vector<16xi32>
      %mul3A_555 = arith.constant 16 : i32
      %mul3A_556 = arith.muli %scan3A_540, %mul3A_555 : i32
      %swap3A_557 = arith.index_cast %mul3A_556 : i32 to index
      %swap3A_558 = tpu.vector_load %arg6[%swap3A_557] {strides = array<i32>} : memref<31744xi32, #tpu.memory_space<vmem>>, vector<16xi32>,
      tpu.vector_store %arg6[%swap3A_557], %select_n3A_554 {strides = array<i32>} : memref<31744xi32, #tpu.memory_space<vmem>>, vector<16xi32>,
      %shift_right_logical3A_559 = arith.constant 22 : i32
      %shift_right_logical3A_560 = vector.broadcast %shift_right_logical3A_559 : i32 to vector<16xi32>
      %shift_right_logical3A_561 = arith.shrui %select_n3A_554, %shift_right_logical3A_560 : vector<16xi32>
      %broadcast_in_dim3A_562 = arith.constant true
      %broadcast_in_dim3A_563 = vector.broadcast %broadcast_in_dim3A_562 : i1 to vector<16xi1>
      %lt3A_564 = arith.cmpi slt, %scan3A_540, %select_n3A : i32
      %and3A_565 = vector.broadcast %lt3A_564 : i1 to vector<16xi1>
      %and3A_566 = arith.andi %broadcast_in_dim3A_563, %and3A_565 : vector<16xi1>
      %unique3A_567, %unique3A_568 = tpu.scan_count mask(%and3A_566 : vector<16xi1>) value(%shift_right_logical3A_561 : vector<16xi32>) : vector<16xi1>, vector<16xi32>
      tpu.vector_store_idx %arg7[%shift_right_logical3A_561], %unique3A_568 masked %unique3A_567 {add = true} : memref<2048xi32, #tpu.memory_space<vmem>>[vector<16xi32>], vector<16xi32>, vector<16xi1>
      %scan3A_569 = arith.constant 0 : i32
      %scan3A_570 = arith.constant 7 : i32
      %scan3A_571 = arith.addi %scan3A_358, %scan3A_570 : i32
      %mul3A_572 = arith.constant 16 : i32
      %mul3A_573 = arith.muli %scan3A_571, %mul3A_572 : i32
      %get3A_574 = arith.index_cast %mul3A_573 : i32 to index
      %get3A_575 = tpu.vector_load %arg5[%get3A_574] {strides = array<i32>} : memref<31744xf32, #tpu.memory_space<vmem>>, vector<16xf32>,
      %bitcast_convert_type3A_576 = tpu.bitcast %get3A_575 : vector<16xf32> -> vector<16xi32>
      %ge3A_577 = arith.constant 0 : i32
      %ge3A_578 = vector.broadcast %ge3A_577 : i32 to vector<16xi32>
      %ge3A_579 = arith.cmpi sge, %bitcast_convert_type3A_576, %ge3A_578 : vector<16xi32>
      %or3A_580 = arith.constant -2147483648 : i32
      %or3A_581 = vector.broadcast %or3A_580 : i32 to vector<16xi32>
      %or3A_582 = arith.ori %bitcast_convert_type3A_576, %or3A_581 : vector<16xi32>
      %not3A_583 = arith.constant dense<-1> : vector<16xi32>
      %not3A_584 = arith.xori %bitcast_convert_type3A_576, %not3A_583 : vector<16xi32>
      %select_n3A_585 = arith.select %ge3A_579, %or3A_582, %not3A_584 : vector<16xi1>, vector<16xi32>
      %mul3A_586 = arith.constant 16 : i32
      %mul3A_587 = arith.muli %scan3A_571, %mul3A_586 : i32
      %swap3A_588 = arith.index_cast %mul3A_587 : i32 to index
      %swap3A_589 = tpu.vector_load %arg6[%swap3A_588] {strides = array<i32>} : memref<31744xi32, #tpu.memory_space<vmem>>, vector<16xi32>,
      tpu.vector_store %arg6[%swap3A_588], %select_n3A_585 {strides = array<i32>} : memref<31744xi32, #tpu.memory_space<vmem>>, vector<16xi32>,
      %shift_right_logical3A_590 = arith.constant 22 : i32
      %shift_right_logical3A_591 = vector.broadcast %shift_right_logical3A_590 : i32 to vector<16xi32>
      %shift_right_logical3A_592 = arith.shrui %select_n3A_585, %shift_right_logical3A_591 : vector<16xi32>
      %broadcast_in_dim3A_593 = arith.constant true
      %broadcast_in_dim3A_594 = vector.broadcast %broadcast_in_dim3A_593 : i1 to vector<16xi1>
      %lt3A_595 = arith.cmpi slt, %scan3A_571, %select_n3A : i32
      %and3A_596 = vector.broadcast %lt3A_595 : i1 to vector<16xi1>
      %and3A_597 = arith.andi %broadcast_in_dim3A_594, %and3A_596 : vector<16xi1>
      %unique3A_598, %unique3A_599 = tpu.scan_count mask(%and3A_597 : vector<16xi1>) value(%shift_right_logical3A_592 : vector<16xi32>) : vector<16xi1>, vector<16xi32>
      tpu.vector_store_idx %arg7[%shift_right_logical3A_592], %unique3A_599 masked %unique3A_598 {add = true} : memref<2048xi32, #tpu.memory_space<vmem>>[vector<16xi32>], vector<16xi32>, vector<16xi1>
      %scan3A_600 = arith.constant 0 : i32
      scf.yield %scan3A_600 : i32
    }
    %scan3A_20 = arith.constant 1984 : i32
    "tpu.region"() ({
      %run_scoped3A = tpu.sem_alloc : memref<!tpu.dma_semaphore, #tpu.memory_space<semaphore_mem>>
      %dma_start3A = arith.constant 0 : i32
      %dma_start3A_358 = tpu.memref_slice %arg7[%dma_start3A] : memref<2048xi32, #tpu.memory_space<vmem>> -> memref<1024xi32, #tpu.memory_space<vmem>>
      %dma_start3A_359 = arith.constant 0 : i32
      %dma_start3A_360 = tpu.memref_slice %arg22[%arg1, %dma_start3A_359] : memref<16x2048xi32, #tpu.memory_space<vmem_shared>> -> memref<1x1024xi32, #tpu.memory_space<vmem_shared>>
      %dma_start3A_361 = tpu.memref_squeeze %dma_start3A_360 : memref<1x1024xi32, #tpu.memory_space<vmem_shared>> -> memref<1024xi32, #tpu.memory_space<vmem_shared>>
      %dma_start3A_362 = arith.constant 0 : i32
      %dma_start3A_363 = tpu.memref_slice %arg22[%arg1, %dma_start3A_362] : memref<16x2048xi32, #tpu.memory_space<vmem_shared>> -> memref<1x1024xi32, #tpu.memory_space<vmem_shared>>
      %dma_start3A_364 = tpu.memref_squeeze %dma_start3A_363 : memref<1x1024xi32, #tpu.memory_space<vmem_shared>> -> memref<1024xi32, #tpu.memory_space<vmem_shared>>
      %dma_start3A_365 = arith.constant 0 : i32
      %dma_start3A_366 = tpu.memref_slice %arg7[%dma_start3A_365] : memref<2048xi32, #tpu.memory_space<vmem>> -> memref<1024xi32, #tpu.memory_space<vmem>>
      tpu.enqueue_dma source(%dma_start3A_366 : memref<1024xi32, #tpu.memory_space<vmem>>) target(%dma_start3A_364 : memref<1024xi32, #tpu.memory_space<vmem_shared>>) target_semaphore(%run_scoped3A : memref<!tpu.dma_semaphore, #tpu.memory_space<semaphore_mem>>)
      %dma_wait3A = arith.constant 0 : i32
      %dma_wait3A_367 = tpu.memref_slice %arg7[%dma_wait3A] : memref<2048xi32, #tpu.memory_space<vmem>> -> memref<1024xi32, #tpu.memory_space<vmem>>
      %dma_wait3A_368 = arith.constant 0 : i32
      %dma_wait3A_369 = tpu.memref_slice %arg22[%arg1, %dma_wait3A_368] : memref<16x2048xi32, #tpu.memory_space<vmem_shared>> -> memref<1x1024xi32, #tpu.memory_space<vmem_shared>>
      %dma_wait3A_370 = tpu.memref_squeeze %dma_wait3A_369 : memref<1x1024xi32, #tpu.memory_space<vmem_shared>> -> memref<1024xi32, #tpu.memory_space<vmem_shared>>
      %dma_wait3A_371 = arith.constant 0 : i32
      %dma_wait3A_372 = tpu.memref_slice %arg22[%arg1, %dma_wait3A_371] : memref<16x2048xi32, #tpu.memory_space<vmem_shared>> -> memref<1x1024xi32, #tpu.memory_space<vmem_shared>>
      %dma_wait3A_373 = tpu.memref_squeeze %dma_wait3A_372 : memref<1x1024xi32, #tpu.memory_space<vmem_shared>> -> memref<1024xi32, #tpu.memory_space<vmem_shared>>
      %dma_wait3A_374 = arith.constant 0 : i32
      %dma_wait3A_375 = tpu.memref_slice %arg7[%dma_wait3A_374] : memref<2048xi32, #tpu.memory_space<vmem>> -> memref<1024xi32, #tpu.memory_space<vmem>>
      tpu.wait_dma2 semaphore(%run_scoped3A : memref<!tpu.dma_semaphore, #tpu.memory_space<semaphore_mem>>) src(%dma_wait3A_375 : memref<1024xi32, #tpu.memory_space<vmem>>) dst(%dma_wait3A_373 : memref<1024xi32, #tpu.memory_space<vmem_shared>>)
      tpu.yield
    }) : () -> ()
    %barrier3A = arith.constant 0 : index
    tpu.barrier barrier_id(%barrier3A)
    %broadcast_in_dim3A_21 = arith.constant 0 : i32
    %broadcast_in_dim3A_22 = vector.broadcast %broadcast_in_dim3A_21 : i32 to vector<16xi32>
    %scan3A_23 = arith.constant 0 : i32
    %scan3A_24 = arith.constant 0 : i32
    %scan3A_25 = arith.constant 4 : i32
    %scan3A_26 = arith.addi %scan3A_24, %scan3A_25 : i32
    %scan3A_27 = arith.constant 1 : i32
    %scan3A_28 = scf.for %scan3A_358 = %scan3A_24 to %scan3A_26 step %scan3A_27 iter_args(%scan3A_359 = %scan3A_23) -> (i32)  : i32 {
      %mul3A_360 = arith.constant 16 : i32
      %mul3A_361 = arith.muli %scan3A_358, %mul3A_360 : i32
      %swap3A_362 = arith.index_cast %mul3A_361 : i32 to index
      %swap3A_363 = tpu.vector_load %arg10[%swap3A_362] {strides = array<i32>} : memref<128xi32, #tpu.memory_space<vmem>>, vector<16xi32>,
      tpu.vector_store %arg10[%swap3A_362], %broadcast_in_dim3A_22 {strides = array<i32>} : memref<128xi32, #tpu.memory_space<vmem>>, vector<16xi32>,
      %scan3A_364 = arith.constant 0 : i32
      scf.yield %scan3A_364 : i32
    }
    %scan3A_29 = arith.constant 4 : i32
    %scan3A_30 = arith.constant 0 : i32
    %scan3A_31 = arith.constant 0 : i32
    %scan3A_32 = arith.constant 16 : i32
    %scan3A_33 = arith.addi %scan3A_31, %scan3A_32 : i32
    %scan3A_34 = arith.constant 1 : i32
    %scan3A_35 = scf.for %scan3A_358 = %scan3A_31 to %scan3A_33 step %scan3A_34 iter_args(%scan3A_359 = %scan3A_30) -> (i32)  : i32 {
      %mul3A_360 = arith.constant 64 : i32
      %mul3A_361 = arith.muli %arg1, %mul3A_360 : i32
      "tpu.region"() ({
        %run_scoped3A = tpu.sem_alloc : memref<!tpu.dma_semaphore, #tpu.memory_space<semaphore_mem>>
        %dma_start3A = arith.constant 0 : i32
        %dma_start3A_391 = tpu.memref_slice %arg11[%dma_start3A] : memref<128xi32, #tpu.memory_space<vmem>> -> memref<64xi32, #tpu.memory_space<vmem>>
        %dma_start3A_392 = tpu.memref_slice %arg22[%scan3A_358, %mul3A_361] : memref<16x2048xi32, #tpu.memory_space<vmem_shared>> -> memref<1x64xi32, #tpu.memory_space<vmem_shared>>
        %dma_start3A_393 = tpu.memref_squeeze %dma_start3A_392 : memref<1x64xi32, #tpu.memory_space<vmem_shared>> -> memref<64xi32, #tpu.memory_space<vmem_shared>>
        %dma_start3A_394 = arith.constant 0 : i32
        %dma_start3A_395 = tpu.memref_slice %arg11[%dma_start3A_394] : memref<128xi32, #tpu.memory_space<vmem>> -> memref<64xi32, #tpu.memory_space<vmem>>
        %dma_start3A_396 = tpu.memref_slice %arg22[%scan3A_358, %mul3A_361] : memref<16x2048xi32, #tpu.memory_space<vmem_shared>> -> memref<1x64xi32, #tpu.memory_space<vmem_shared>>
        %dma_start3A_397 = tpu.memref_squeeze %dma_start3A_396 : memref<1x64xi32, #tpu.memory_space<vmem_shared>> -> memref<64xi32, #tpu.memory_space<vmem_shared>>
        tpu.enqueue_dma source(%dma_start3A_397 : memref<64xi32, #tpu.memory_space<vmem_shared>>) target(%dma_start3A_395 : memref<64xi32, #tpu.memory_space<vmem>>) target_semaphore(%run_scoped3A : memref<!tpu.dma_semaphore, #tpu.memory_space<semaphore_mem>>)
        %dma_wait3A = arith.constant 0 : i32
        %dma_wait3A_398 = tpu.memref_slice %arg11[%dma_wait3A] : memref<128xi32, #tpu.memory_space<vmem>> -> memref<64xi32, #tpu.memory_space<vmem>>
        %dma_wait3A_399 = tpu.memref_slice %arg22[%scan3A_358, %mul3A_361] : memref<16x2048xi32, #tpu.memory_space<vmem_shared>> -> memref<1x64xi32, #tpu.memory_space<vmem_shared>>
        %dma_wait3A_400 = tpu.memref_squeeze %dma_wait3A_399 : memref<1x64xi32, #tpu.memory_space<vmem_shared>> -> memref<64xi32, #tpu.memory_space<vmem_shared>>
        %dma_wait3A_401 = arith.constant 0 : i32
        %dma_wait3A_402 = tpu.memref_slice %arg11[%dma_wait3A_401] : memref<128xi32, #tpu.memory_space<vmem>> -> memref<64xi32, #tpu.memory_space<vmem>>
        %dma_wait3A_403 = tpu.memref_slice %arg22[%scan3A_358, %mul3A_361] : memref<16x2048xi32, #tpu.memory_space<vmem_shared>> -> memref<1x64xi32, #tpu.memory_space<vmem_shared>>
        %dma_wait3A_404 = tpu.memref_squeeze %dma_wait3A_403 : memref<1x64xi32, #tpu.memory_space<vmem_shared>> -> memref<64xi32, #tpu.memory_space<vmem_shared>>
        tpu.wait_dma2 semaphore(%run_scoped3A : memref<!tpu.dma_semaphore, #tpu.memory_space<semaphore_mem>>) src(%dma_wait3A_404 : memref<64xi32, #tpu.memory_space<vmem_shared>>) dst(%dma_wait3A_402 : memref<64xi32, #tpu.memory_space<vmem>>)
        tpu.yield
      }) : () -> ()
      %get3A_362 = arith.constant 0 : index
      %get3A_363 = tpu.vector_load %arg10[%get3A_362] {strides = array<i32>} : memref<128xi32, #tpu.memory_space<vmem>>, vector<16xi32>,
      %get3A_364 = arith.constant 0 : index
      %get3A_365 = tpu.vector_load %arg11[%get3A_364] {strides = array<i32>} : memref<128xi32, #tpu.memory_space<vmem>>, vector<16xi32>,
      %add3A_366 = arith.addi %get3A_363, %get3A_365 : vector<16xi32>
      %swap3A_367 = arith.constant 0 : index
      %swap3A_368 = tpu.vector_load %arg10[%swap3A_367] {strides = array<i32>} : memref<128xi32, #tpu.memory_space<vmem>>, vector<16xi32>,
      tpu.vector_store %arg10[%swap3A_367], %add3A_366 {strides = array<i32>} : memref<128xi32, #tpu.memory_space<vmem>>, vector<16xi32>,
      %get3A_369 = arith.constant 16 : index
      %get3A_370 = tpu.vector_load %arg10[%get3A_369] {strides = array<i32>} : memref<128xi32, #tpu.memory_space<vmem>>, vector<16xi32>,
      %get3A_371 = arith.constant 16 : index
      %get3A_372 = tpu.vector_load %arg11[%get3A_371] {strides = array<i32>} : memref<128xi32, #tpu.memory_space<vmem>>, vector<16xi32>,
      %add3A_373 = arith.addi %get3A_370, %get3A_372 : vector<16xi32>
      %swap3A_374 = arith.constant 16 : index
      %swap3A_375 = tpu.vector_load %arg10[%swap3A_374] {strides = array<i32>} : memref<128xi32, #tpu.memory_space<vmem>>, vector<16xi32>,
      tpu.vector_store %arg10[%swap3A_374], %add3A_373 {strides = array<i32>} : memref<128xi32, #tpu.memory_space<vmem>>, vector<16xi32>,
      %get3A_376 = arith.constant 32 : index
      %get3A_377 = tpu.vector_load %arg10[%get3A_376] {strides = array<i32>} : memref<128xi32, #tpu.memory_space<vmem>>, vector<16xi32>,
      %get3A_378 = arith.constant 32 : index
      %get3A_379 = tpu.vector_load %arg11[%get3A_378] {strides = array<i32>} : memref<128xi32, #tpu.memory_space<vmem>>, vector<16xi32>,
      %add3A_380 = arith.addi %get3A_377, %get3A_379 : vector<16xi32>
      %swap3A_381 = arith.constant 32 : index
      %swap3A_382 = tpu.vector_load %arg10[%swap3A_381] {strides = array<i32>} : memref<128xi32, #tpu.memory_space<vmem>>, vector<16xi32>,
      tpu.vector_store %arg10[%swap3A_381], %add3A_380 {strides = array<i32>} : memref<128xi32, #tpu.memory_space<vmem>>, vector<16xi32>,
      %get3A_383 = arith.constant 48 : index
      %get3A_384 = tpu.vector_load %arg10[%get3A_383] {strides = array<i32>} : memref<128xi32, #tpu.memory_space<vmem>>, vector<16xi32>,
      %get3A_385 = arith.constant 48 : index
      %get3A_386 = tpu.vector_load %arg11[%get3A_385] {strides = array<i32>} : memref<128xi32, #tpu.memory_space<vmem>>, vector<16xi32>,
      %add3A_387 = arith.addi %get3A_384, %get3A_386 : vector<16xi32>
      %swap3A_388 = arith.constant 48 : index
      %swap3A_389 = tpu.vector_load %arg10[%swap3A_388] {strides = array<i32>} : memref<128xi32, #tpu.memory_space<vmem>>, vector<16xi32>,
      tpu.vector_store %arg10[%swap3A_388], %add3A_387 {strides = array<i32>} : memref<128xi32, #tpu.memory_space<vmem>>, vector<16xi32>,
      %scan3A_390 = arith.constant 0 : i32
      scf.yield %scan3A_390 : i32
    }
    %scan3A_36 = arith.constant 16 : i32
    %mul3A_37 = arith.constant 64 : i32
    %mul3A_38 = arith.muli %arg1, %mul3A_37 : i32
    "tpu.region"() ({
      %run_scoped3A = tpu.sem_alloc : memref<!tpu.dma_semaphore, #tpu.memory_space<semaphore_mem>>
      %dma_start3A = arith.constant 0 : i32
      %dma_start3A_358 = tpu.memref_slice %arg10[%dma_start3A] : memref<128xi32, #tpu.memory_space<vmem>> -> memref<64xi32, #tpu.memory_space<vmem>>
      %dma_start3A_359 = tpu.memref_slice %arg23[%mul3A_38] : memref<2048xi32, #tpu.memory_space<vmem_shared>> -> memref<64xi32, #tpu.memory_space<vmem_shared>>
      %dma_start3A_360 = tpu.memref_slice %arg23[%mul3A_38] : memref<2048xi32, #tpu.memory_space<vmem_shared>> -> memref<64xi32, #tpu.memory_space<vmem_shared>>
      %dma_start3A_361 = arith.constant 0 : i32
      %dma_start3A_362 = tpu.memref_slice %arg10[%dma_start3A_361] : memref<128xi32, #tpu.memory_space<vmem>> -> memref<64xi32, #tpu.memory_space<vmem>>
      tpu.enqueue_dma source(%dma_start3A_362 : memref<64xi32, #tpu.memory_space<vmem>>) target(%dma_start3A_360 : memref<64xi32, #tpu.memory_space<vmem_shared>>) target_semaphore(%run_scoped3A : memref<!tpu.dma_semaphore, #tpu.memory_space<semaphore_mem>>)
      %dma_wait3A = arith.constant 0 : i32
      %dma_wait3A_363 = tpu.memref_slice %arg10[%dma_wait3A] : memref<128xi32, #tpu.memory_space<vmem>> -> memref<64xi32, #tpu.memory_space<vmem>>
      %dma_wait3A_364 = tpu.memref_slice %arg23[%mul3A_38] : memref<2048xi32, #tpu.memory_space<vmem_shared>> -> memref<64xi32, #tpu.memory_space<vmem_shared>>
      %dma_wait3A_365 = tpu.memref_slice %arg23[%mul3A_38] : memref<2048xi32, #tpu.memory_space<vmem_shared>> -> memref<64xi32, #tpu.memory_space<vmem_shared>>
      %dma_wait3A_366 = arith.constant 0 : i32
      %dma_wait3A_367 = tpu.memref_slice %arg10[%dma_wait3A_366] : memref<128xi32, #tpu.memory_space<vmem>> -> memref<64xi32, #tpu.memory_space<vmem>>
      tpu.wait_dma2 semaphore(%run_scoped3A : memref<!tpu.dma_semaphore, #tpu.memory_space<semaphore_mem>>) src(%dma_wait3A_367 : memref<64xi32, #tpu.memory_space<vmem>>) dst(%dma_wait3A_365 : memref<64xi32, #tpu.memory_space<vmem_shared>>)
      tpu.yield
    }) : () -> ()
    %barrier3A_39 = arith.constant 0 : index
    tpu.barrier barrier_id(%barrier3A_39)
    "tpu.region"() ({
      %run_scoped3A = tpu.sem_alloc : memref<!tpu.dma_semaphore, #tpu.memory_space<semaphore_mem>>
      %dma_start3A = arith.constant 0 : i32
      %dma_start3A_358 = tpu.memref_slice %arg8[%dma_start3A] : memref<2048xi32, #tpu.memory_space<vmem>> -> memref<1024xi32, #tpu.memory_space<vmem>>
      %dma_start3A_359 = arith.constant 0 : i32
      %dma_start3A_360 = tpu.memref_slice %arg23[%dma_start3A_359] : memref<2048xi32, #tpu.memory_space<vmem_shared>> -> memref<1024xi32, #tpu.memory_space<vmem_shared>>
      %dma_start3A_361 = arith.constant 0 : i32
      %dma_start3A_362 = tpu.memref_slice %arg8[%dma_start3A_361] : memref<2048xi32, #tpu.memory_space<vmem>> -> memref<1024xi32, #tpu.memory_space<vmem>>
      %dma_start3A_363 = arith.constant 0 : i32
      %dma_start3A_364 = tpu.memref_slice %arg23[%dma_start3A_363] : memref<2048xi32, #tpu.memory_space<vmem_shared>> -> memref<1024xi32, #tpu.memory_space<vmem_shared>>
      tpu.enqueue_dma source(%dma_start3A_364 : memref<1024xi32, #tpu.memory_space<vmem_shared>>) target(%dma_start3A_362 : memref<1024xi32, #tpu.memory_space<vmem>>) target_semaphore(%run_scoped3A : memref<!tpu.dma_semaphore, #tpu.memory_space<semaphore_mem>>)
      %dma_wait3A = arith.constant 0 : i32
      %dma_wait3A_365 = tpu.memref_slice %arg8[%dma_wait3A] : memref<2048xi32, #tpu.memory_space<vmem>> -> memref<1024xi32, #tpu.memory_space<vmem>>
      %dma_wait3A_366 = arith.constant 0 : i32
      %dma_wait3A_367 = tpu.memref_slice %arg23[%dma_wait3A_366] : memref<2048xi32, #tpu.memory_space<vmem_shared>> -> memref<1024xi32, #tpu.memory_space<vmem_shared>>
      %dma_wait3A_368 = arith.constant 0 : i32
      %dma_wait3A_369 = tpu.memref_slice %arg8[%dma_wait3A_368] : memref<2048xi32, #tpu.memory_space<vmem>> -> memref<1024xi32, #tpu.memory_space<vmem>>
      %dma_wait3A_370 = arith.constant 0 : i32
      %dma_wait3A_371 = tpu.memref_slice %arg23[%dma_wait3A_370] : memref<2048xi32, #tpu.memory_space<vmem_shared>> -> memref<1024xi32, #tpu.memory_space<vmem_shared>>
      tpu.wait_dma2 semaphore(%run_scoped3A : memref<!tpu.dma_semaphore, #tpu.memory_space<semaphore_mem>>) src(%dma_wait3A_371 : memref<1024xi32, #tpu.memory_space<vmem_shared>>) dst(%dma_wait3A_369 : memref<1024xi32, #tpu.memory_space<vmem>>)
      tpu.yield
    }) : () -> ()
    %scan3A_40 = arith.constant 0 : i32
    %scan3A_41 = arith.constant 0 : i32
    %scan3A_42 = arith.constant 64 : i32
    %scan3A_43 = arith.addi %scan3A_41, %scan3A_42 : i32
    %scan3A_44 = arith.constant 1 : i32
    %scan3A_45 = scf.for %scan3A_358 = %scan3A_41 to %scan3A_43 step %scan3A_44 iter_args(%scan3A_359 = %scan3A_40) -> (i32)  : i32 {
      %mul3A_360 = arith.constant 16 : i32
      %mul3A_361 = arith.muli %scan3A_358, %mul3A_360 : i32
      %get3A_362 = arith.index_cast %mul3A_361 : i32 to index
      %get3A_363 = tpu.vector_load %arg8[%get3A_362] {strides = array<i32>} : memref<2048xi32, #tpu.memory_space<vmem>>, vector<16xi32>,
      %reduce_sum3A_364 = arith.constant true
      %reduce_sum3A_365 = vector.broadcast %reduce_sum3A_364 : i1 to vector<16xi1>
      %reduce_sum3A_366 = tpu.scan <sum>, %get3A_363 masked %reduce_sum3A_365 : vector<16xi32>, vector<16xi1> -> vector<16xi32>
      %reduce_sum3A_367 = vector.extract %reduce_sum3A_366[15] : i32 from vector<16xi32>
      %swap3A_368 = arith.index_cast %scan3A_358 : i32 to index
      %swap3A_369 = memref.load %arg9[%swap3A_368] : memref<128xi32, #tpu.memory_space<smem>>
      memref.store %reduce_sum3A_367, %arg9[%swap3A_368] : memref<128xi32, #tpu.memory_space<smem>>
      %scan3A_370 = arith.constant 0 : i32
      scf.yield %scan3A_370 : i32
    }
    %scan3A_46 = arith.constant 64 : i32
    %scan3A_47 = arith.constant 0 : i32
    %scan3A_48 = arith.constant 0 : i32
    %scan3A_49 = arith.constant 0 : i32
    %scan3A_50 = arith.constant 0 : i32
    %scan3A_51 = arith.constant 0 : i32
    %scan3A_52 = arith.constant 0 : i32
    %scan3A_53 = arith.constant 64 : i32
    %scan3A_54 = arith.addi %scan3A_52, %scan3A_53 : i32
    %scan3A_55 = arith.constant 1 : i32
    %scan3A_56:4 = scf.for %scan3A_358 = %scan3A_52 to %scan3A_54 step %scan3A_55 iter_args(%scan3A_359 = %scan3A_48, %scan3A_360 = %scan3A_49, %scan3A_361 = %scan3A_50, %scan3A_362 = %scan3A_51) -> (i32, i32, i32, i32)  : i32 {
      %sub3A_363 = arith.constant 63 : i32
      %sub3A_364 = arith.subi %sub3A_363, %scan3A_358 : i32
      %get3A_365 = arith.index_cast %sub3A_364 : i32 to index
      %get3A_366 = memref.load %arg9[%get3A_365] : memref<128xi32, #tpu.memory_space<smem>>
      %eq3A_367 = arith.constant 0 : i32
      %eq3A_368 = arith.cmpi eq, %scan3A_362, %eq3A_367 : i32
      %add3A_369 = arith.addi %scan3A_47, %scan3A_359 : i32
      %add3A_370 = arith.addi %add3A_369, %get3A_366 : i32
      %ge3A_371 = arith.constant 100 : i32
      %ge3A_372 = arith.cmpi sge, %add3A_370, %ge3A_371 : i32
      %jit3A_373 = arith.constant 1 : i32
      %jit3A_374 = arith.constant 0 : i32
      %select_n3A_375 = arith.select %ge3A_372, %jit3A_373, %jit3A_374 : i32
      %jit3A_376 = arith.constant 0 : i32
      %select_n3A_377 = arith.select %eq3A_368, %select_n3A_375, %jit3A_376 : i32
      %eq3A_378 = arith.constant 1 : i32
      %eq3A_379 = arith.cmpi eq, %select_n3A_377, %eq3A_378 : i32
      %select_n3A_380 = arith.select %eq3A_379, %sub3A_364, %scan3A_360 : i32
      %eq3A_381 = arith.constant 1 : i32
      %eq3A_382 = arith.cmpi eq, %select_n3A_377, %eq3A_381 : i32
      %select_n3A_383 = arith.select %eq3A_382, %scan3A_359, %scan3A_361 : i32
      %or3A_384 = arith.ori %scan3A_362, %select_n3A_377 : i32
      %add3A_385 = arith.addi %scan3A_359, %get3A_366 : i32
      scf.yield %add3A_385, %select_n3A_380, %select_n3A_383, %or3A_384 : i32, i32, i32, i32
    }
    %scan3A_57 = arith.constant 64 : i32
    %mul3A_58 = arith.constant 16 : i32
    %mul3A_59 = arith.muli %scan3A_56#1, %mul3A_58 : i32
    %get3A = arith.index_cast %mul3A_59 : i32 to index
    %get3A_60 = tpu.vector_load %arg8[%get3A] {strides = array<i32>} : memref<2048xi32, #tpu.memory_space<vmem>>, vector<16xi32>,
    %broadcast_in_dim3A_61 = arith.constant true
    %broadcast_in_dim3A_62 = vector.broadcast %broadcast_in_dim3A_61 : i1 to vector<16xi1>
    %masked_cumsum3A = tpu.scan <sum>, %get3A_60 masked %broadcast_in_dim3A_62 : vector<16xi32>, vector<16xi1> -> vector<16xi32>
    %reduce_sum3A = arith.constant true
    %reduce_sum3A_63 = vector.broadcast %reduce_sum3A : i1 to vector<16xi1>
    %reduce_sum3A_64 = tpu.scan <sum>, %get3A_60 masked %reduce_sum3A_63 : vector<16xi32>, vector<16xi1> -> vector<16xi32>
    %reduce_sum3A_65 = vector.extract %reduce_sum3A_64[15] : i32 from vector<16xi32>
    %sub3A = vector.broadcast %reduce_sum3A_65 : i32 to vector<16xi32>
    %sub3A_66 = arith.subi %sub3A, %masked_cumsum3A : vector<16xi32>
    %add3A_67 = arith.addi %sub3A_66, %get3A_60 : vector<16xi32>
    %add3A_68 = arith.constant 0 : i32
    %add3A_69 = arith.addi %add3A_68, %scan3A_56#2 : i32
    %add3A_70 = vector.broadcast %add3A_69 : i32 to vector<16xi32>
    %add3A_71 = arith.addi %add3A_70, %add3A_67 : vector<16xi32>
    %ge3A = arith.constant 100 : i32
    %ge3A_72 = vector.broadcast %ge3A : i32 to vector<16xi32>
    %ge3A_73 = arith.cmpi sge, %add3A_71, %ge3A_72 : vector<16xi32>
    %jit3A_74 = arith.constant -1 : i32
    %broadcast_in_dim3A_75 = vector.broadcast %jit3A_74 : i32 to vector<16xi32>
    %select_n3A_76 = arith.select %ge3A_73, %iota3A, %broadcast_in_dim3A_75 : vector<16xi1>, vector<16xi32>
    %reduce_max3A = arith.constant true
    %reduce_max3A_77 = vector.broadcast %reduce_max3A : i1 to vector<16xi1>
    %reduce_max3A_78 = arith.constant -2147483648 : i32
    %reduce_max3A_79 = vector.broadcast %reduce_max3A_78 : i32 to vector<16xi32>
    %reduce_max3A_80 = arith.xori %select_n3A_76, %reduce_max3A_79 : vector<16xi32>
    %reduce_max3A_81 = tpu.scan <max>, %reduce_max3A_80 masked %reduce_max3A_77 : vector<16xi32>, vector<16xi1> -> vector<16xi32>
    %reduce_max3A_82 = arith.xori %reduce_max3A_81, %reduce_max3A_79 : vector<16xi32>
    %reduce_max3A_83 = vector.extract %reduce_max3A_82[15] : i32 from vector<16xi32>
    %gt3A = vector.broadcast %reduce_max3A_83 : i32 to vector<16xi32>
    %gt3A_84 = arith.cmpi sgt, %iota3A, %gt3A : vector<16xi32>
    %jit3A_85 = arith.constant 0 : i32
    %broadcast_in_dim3A_86 = vector.broadcast %jit3A_85 : i32 to vector<16xi32>
    %select_n3A_87 = arith.select %gt3A_84, %get3A_60, %broadcast_in_dim3A_86 : vector<16xi1>, vector<16xi32>
    %reduce_sum3A_88 = arith.constant true
    %reduce_sum3A_89 = vector.broadcast %reduce_sum3A_88 : i1 to vector<16xi1>
    %reduce_sum3A_90 = tpu.scan <sum>, %select_n3A_87 masked %reduce_sum3A_89 : vector<16xi32>, vector<16xi1> -> vector<16xi32>
    %reduce_sum3A_91 = vector.extract %reduce_sum3A_90[15] : i32 from vector<16xi32>
    %mul3A_92 = arith.constant 16 : i32
    %mul3A_93 = arith.muli %scan3A_56#1, %mul3A_92 : i32
    %add3A_94 = arith.addi %mul3A_93, %reduce_max3A_83 : i32
    %add3A_95 = arith.constant 0 : i32
    %add3A_96 = arith.addi %add3A_95, %scan3A_56#2 : i32
    %add3A_97 = arith.addi %add3A_96, %reduce_sum3A_91 : i32
    %broadcast_in_dim3A_98 = arith.constant 0 : i32
    %broadcast_in_dim3A_99 = vector.broadcast %broadcast_in_dim3A_98 : i32 to vector<16xi32>
    %scan3A_100 = arith.constant 0 : i32
    %scan3A_101 = arith.constant 0 : i32
    %scan3A_102 = arith.constant 128 : i32
    %scan3A_103 = arith.addi %scan3A_101, %scan3A_102 : i32
    %scan3A_104 = arith.constant 1 : i32
    %scan3A_105 = scf.for %scan3A_358 = %scan3A_101 to %scan3A_103 step %scan3A_104 iter_args(%scan3A_359 = %scan3A_100) -> (i32)  : i32 {
      %mul3A_360 = arith.constant 16 : i32
      %mul3A_361 = arith.muli %scan3A_358, %mul3A_360 : i32
      %swap3A_362 = arith.index_cast %mul3A_361 : i32 to index
      %swap3A_363 = tpu.vector_load %arg7[%swap3A_362] {strides = array<i32>} : memref<2048xi32, #tpu.memory_space<vmem>>, vector<16xi32>,
      tpu.vector_store %arg7[%swap3A_362], %broadcast_in_dim3A_99 {strides = array<i32>} : memref<2048xi32, #tpu.memory_space<vmem>>, vector<16xi32>,
      %scan3A_364 = arith.constant 0 : i32
      scf.yield %scan3A_364 : i32
    }
    %scan3A_106 = arith.constant 128 : i32
    %scan3A_107 = arith.constant 0 : i32
    %scan3A_108 = arith.constant 0 : i32
    %scan3A_109 = arith.constant 1984 : i32
    %scan3A_110 = arith.addi %scan3A_108, %scan3A_109 : i32
    %scan3A_111 = arith.constant 8 : i32
    %scan3A_112 = scf.for %scan3A_358 = %scan3A_108 to %scan3A_110 step %scan3A_111 iter_args(%scan3A_359 = %scan3A_107) -> (i32)  : i32 {
      %mul3A_360 = arith.constant 16 : i32
      %mul3A_361 = arith.muli %scan3A_358, %mul3A_360 : i32
      %get3A_362 = arith.index_cast %mul3A_361 : i32 to index
      %get3A_363 = tpu.vector_load %arg6[%get3A_362] {strides = array<i32>} : memref<31744xi32, #tpu.memory_space<vmem>>, vector<16xi32>,
      %shift_right_logical3A = arith.constant 22 : i32
      %shift_right_logical3A_364 = vector.broadcast %shift_right_logical3A : i32 to vector<16xi32>
      %shift_right_logical3A_365 = arith.shrui %get3A_363, %shift_right_logical3A_364 : vector<16xi32>
      %eq3A_366 = vector.broadcast %add3A_94 : i32 to vector<16xi32>
      %eq3A_367 = arith.cmpi eq, %shift_right_logical3A_365, %eq3A_366 : vector<16xi32>
      %shift_right_logical3A_368 = arith.constant 11 : i32
      %shift_right_logical3A_369 = vector.broadcast %shift_right_logical3A_368 : i32 to vector<16xi32>
      %shift_right_logical3A_370 = arith.shrui %get3A_363, %shift_right_logical3A_369 : vector<16xi32>
      %and3A_371 = arith.constant 2047 : i32
      %and3A_372 = vector.broadcast %and3A_371 : i32 to vector<16xi32>
      %and3A_373 = arith.andi %shift_right_logical3A_370, %and3A_372 : vector<16xi32>
      %lt3A = arith.cmpi slt, %scan3A_358, %select_n3A : i32
      %and3A_374 = vector.broadcast %lt3A : i1 to vector<16xi1>
      %and3A_375 = arith.andi %eq3A_367, %and3A_374 : vector<16xi1>
      %unique3A, %unique3A_376 = tpu.scan_count mask(%and3A_375 : vector<16xi1>) value(%and3A_373 : vector<16xi32>) : vector<16xi1>, vector<16xi32>
      tpu.vector_store_idx %arg7[%and3A_373], %unique3A_376 masked %unique3A {add = true} : memref<2048xi32, #tpu.memory_space<vmem>>[vector<16xi32>], vector<16xi32>, vector<16xi1>
      %scan3A_377 = arith.constant 0 : i32
      %scan3A_378 = arith.constant 1 : i32
      %scan3A_379 = arith.addi %scan3A_358, %scan3A_378 : i32
      %mul3A_380 = arith.constant 16 : i32
      %mul3A_381 = arith.muli %scan3A_379, %mul3A_380 : i32
      %get3A_382 = arith.index_cast %mul3A_381 : i32 to index
      %get3A_383 = tpu.vector_load %arg6[%get3A_382] {strides = array<i32>} : memref<31744xi32, #tpu.memory_space<vmem>>, vector<16xi32>,
      %shift_right_logical3A_384 = arith.constant 22 : i32
      %shift_right_logical3A_385 = vector.broadcast %shift_right_logical3A_384 : i32 to vector<16xi32>
      %shift_right_logical3A_386 = arith.shrui %get3A_383, %shift_right_logical3A_385 : vector<16xi32>
      %eq3A_387 = vector.broadcast %add3A_94 : i32 to vector<16xi32>
      %eq3A_388 = arith.cmpi eq, %shift_right_logical3A_386, %eq3A_387 : vector<16xi32>
      %shift_right_logical3A_389 = arith.constant 11 : i32
      %shift_right_logical3A_390 = vector.broadcast %shift_right_logical3A_389 : i32 to vector<16xi32>
      %shift_right_logical3A_391 = arith.shrui %get3A_383, %shift_right_logical3A_390 : vector<16xi32>
      %and3A_392 = arith.constant 2047 : i32
      %and3A_393 = vector.broadcast %and3A_392 : i32 to vector<16xi32>
      %and3A_394 = arith.andi %shift_right_logical3A_391, %and3A_393 : vector<16xi32>
      %lt3A_395 = arith.cmpi slt, %scan3A_379, %select_n3A : i32
      %and3A_396 = vector.broadcast %lt3A_395 : i1 to vector<16xi1>
      %and3A_397 = arith.andi %eq3A_388, %and3A_396 : vector<16xi1>
      %unique3A_398, %unique3A_399 = tpu.scan_count mask(%and3A_397 : vector<16xi1>) value(%and3A_394 : vector<16xi32>) : vector<16xi1>, vector<16xi32>
      tpu.vector_store_idx %arg7[%and3A_394], %unique3A_399 masked %unique3A_398 {add = true} : memref<2048xi32, #tpu.memory_space<vmem>>[vector<16xi32>], vector<16xi32>, vector<16xi1>
      %scan3A_400 = arith.constant 0 : i32
      %scan3A_401 = arith.constant 2 : i32
      %scan3A_402 = arith.addi %scan3A_358, %scan3A_401 : i32
      %mul3A_403 = arith.constant 16 : i32
      %mul3A_404 = arith.muli %scan3A_402, %mul3A_403 : i32
      %get3A_405 = arith.index_cast %mul3A_404 : i32 to index
      %get3A_406 = tpu.vector_load %arg6[%get3A_405] {strides = array<i32>} : memref<31744xi32, #tpu.memory_space<vmem>>, vector<16xi32>,
      %shift_right_logical3A_407 = arith.constant 22 : i32
      %shift_right_logical3A_408 = vector.broadcast %shift_right_logical3A_407 : i32 to vector<16xi32>
      %shift_right_logical3A_409 = arith.shrui %get3A_406, %shift_right_logical3A_408 : vector<16xi32>
      %eq3A_410 = vector.broadcast %add3A_94 : i32 to vector<16xi32>
      %eq3A_411 = arith.cmpi eq, %shift_right_logical3A_409, %eq3A_410 : vector<16xi32>
      %shift_right_logical3A_412 = arith.constant 11 : i32
      %shift_right_logical3A_413 = vector.broadcast %shift_right_logical3A_412 : i32 to vector<16xi32>
      %shift_right_logical3A_414 = arith.shrui %get3A_406, %shift_right_logical3A_413 : vector<16xi32>
      %and3A_415 = arith.constant 2047 : i32
      %and3A_416 = vector.broadcast %and3A_415 : i32 to vector<16xi32>
      %and3A_417 = arith.andi %shift_right_logical3A_414, %and3A_416 : vector<16xi32>
      %lt3A_418 = arith.cmpi slt, %scan3A_402, %select_n3A : i32
      %and3A_419 = vector.broadcast %lt3A_418 : i1 to vector<16xi1>
      %and3A_420 = arith.andi %eq3A_411, %and3A_419 : vector<16xi1>
      %unique3A_421, %unique3A_422 = tpu.scan_count mask(%and3A_420 : vector<16xi1>) value(%and3A_417 : vector<16xi32>) : vector<16xi1>, vector<16xi32>
      tpu.vector_store_idx %arg7[%and3A_417], %unique3A_422 masked %unique3A_421 {add = true} : memref<2048xi32, #tpu.memory_space<vmem>>[vector<16xi32>], vector<16xi32>, vector<16xi1>
      %scan3A_423 = arith.constant 0 : i32
      %scan3A_424 = arith.constant 3 : i32
      %scan3A_425 = arith.addi %scan3A_358, %scan3A_424 : i32
      %mul3A_426 = arith.constant 16 : i32
      %mul3A_427 = arith.muli %scan3A_425, %mul3A_426 : i32
      %get3A_428 = arith.index_cast %mul3A_427 : i32 to index
      %get3A_429 = tpu.vector_load %arg6[%get3A_428] {strides = array<i32>} : memref<31744xi32, #tpu.memory_space<vmem>>, vector<16xi32>,
      %shift_right_logical3A_430 = arith.constant 22 : i32
      %shift_right_logical3A_431 = vector.broadcast %shift_right_logical3A_430 : i32 to vector<16xi32>
      %shift_right_logical3A_432 = arith.shrui %get3A_429, %shift_right_logical3A_431 : vector<16xi32>
      %eq3A_433 = vector.broadcast %add3A_94 : i32 to vector<16xi32>
      %eq3A_434 = arith.cmpi eq, %shift_right_logical3A_432, %eq3A_433 : vector<16xi32>
      %shift_right_logical3A_435 = arith.constant 11 : i32
      %shift_right_logical3A_436 = vector.broadcast %shift_right_logical3A_435 : i32 to vector<16xi32>
      %shift_right_logical3A_437 = arith.shrui %get3A_429, %shift_right_logical3A_436 : vector<16xi32>
      %and3A_438 = arith.constant 2047 : i32
      %and3A_439 = vector.broadcast %and3A_438 : i32 to vector<16xi32>
      %and3A_440 = arith.andi %shift_right_logical3A_437, %and3A_439 : vector<16xi32>
      %lt3A_441 = arith.cmpi slt, %scan3A_425, %select_n3A : i32
      %and3A_442 = vector.broadcast %lt3A_441 : i1 to vector<16xi1>
      %and3A_443 = arith.andi %eq3A_434, %and3A_442 : vector<16xi1>
      %unique3A_444, %unique3A_445 = tpu.scan_count mask(%and3A_443 : vector<16xi1>) value(%and3A_440 : vector<16xi32>) : vector<16xi1>, vector<16xi32>
      tpu.vector_store_idx %arg7[%and3A_440], %unique3A_445 masked %unique3A_444 {add = true} : memref<2048xi32, #tpu.memory_space<vmem>>[vector<16xi32>], vector<16xi32>, vector<16xi1>
      %scan3A_446 = arith.constant 0 : i32
      %scan3A_447 = arith.constant 4 : i32
      %scan3A_448 = arith.addi %scan3A_358, %scan3A_447 : i32
      %mul3A_449 = arith.constant 16 : i32
      %mul3A_450 = arith.muli %scan3A_448, %mul3A_449 : i32
      %get3A_451 = arith.index_cast %mul3A_450 : i32 to index
      %get3A_452 = tpu.vector_load %arg6[%get3A_451] {strides = array<i32>} : memref<31744xi32, #tpu.memory_space<vmem>>, vector<16xi32>,
      %shift_right_logical3A_453 = arith.constant 22 : i32
      %shift_right_logical3A_454 = vector.broadcast %shift_right_logical3A_453 : i32 to vector<16xi32>
      %shift_right_logical3A_455 = arith.shrui %get3A_452, %shift_right_logical3A_454 : vector<16xi32>
      %eq3A_456 = vector.broadcast %add3A_94 : i32 to vector<16xi32>
      %eq3A_457 = arith.cmpi eq, %shift_right_logical3A_455, %eq3A_456 : vector<16xi32>
      %shift_right_logical3A_458 = arith.constant 11 : i32
      %shift_right_logical3A_459 = vector.broadcast %shift_right_logical3A_458 : i32 to vector<16xi32>
      %shift_right_logical3A_460 = arith.shrui %get3A_452, %shift_right_logical3A_459 : vector<16xi32>
      %and3A_461 = arith.constant 2047 : i32
      %and3A_462 = vector.broadcast %and3A_461 : i32 to vector<16xi32>
      %and3A_463 = arith.andi %shift_right_logical3A_460, %and3A_462 : vector<16xi32>
      %lt3A_464 = arith.cmpi slt, %scan3A_448, %select_n3A : i32
      %and3A_465 = vector.broadcast %lt3A_464 : i1 to vector<16xi1>
      %and3A_466 = arith.andi %eq3A_457, %and3A_465 : vector<16xi1>
      %unique3A_467, %unique3A_468 = tpu.scan_count mask(%and3A_466 : vector<16xi1>) value(%and3A_463 : vector<16xi32>) : vector<16xi1>, vector<16xi32>
      tpu.vector_store_idx %arg7[%and3A_463], %unique3A_468 masked %unique3A_467 {add = true} : memref<2048xi32, #tpu.memory_space<vmem>>[vector<16xi32>], vector<16xi32>, vector<16xi1>
      %scan3A_469 = arith.constant 0 : i32
      %scan3A_470 = arith.constant 5 : i32
      %scan3A_471 = arith.addi %scan3A_358, %scan3A_470 : i32
      %mul3A_472 = arith.constant 16 : i32
      %mul3A_473 = arith.muli %scan3A_471, %mul3A_472 : i32
      %get3A_474 = arith.index_cast %mul3A_473 : i32 to index
      %get3A_475 = tpu.vector_load %arg6[%get3A_474] {strides = array<i32>} : memref<31744xi32, #tpu.memory_space<vmem>>, vector<16xi32>,
      %shift_right_logical3A_476 = arith.constant 22 : i32
      %shift_right_logical3A_477 = vector.broadcast %shift_right_logical3A_476 : i32 to vector<16xi32>
      %shift_right_logical3A_478 = arith.shrui %get3A_475, %shift_right_logical3A_477 : vector<16xi32>
      %eq3A_479 = vector.broadcast %add3A_94 : i32 to vector<16xi32>
      %eq3A_480 = arith.cmpi eq, %shift_right_logical3A_478, %eq3A_479 : vector<16xi32>
      %shift_right_logical3A_481 = arith.constant 11 : i32
      %shift_right_logical3A_482 = vector.broadcast %shift_right_logical3A_481 : i32 to vector<16xi32>
      %shift_right_logical3A_483 = arith.shrui %get3A_475, %shift_right_logical3A_482 : vector<16xi32>
      %and3A_484 = arith.constant 2047 : i32
      %and3A_485 = vector.broadcast %and3A_484 : i32 to vector<16xi32>
      %and3A_486 = arith.andi %shift_right_logical3A_483, %and3A_485 : vector<16xi32>
      %lt3A_487 = arith.cmpi slt, %scan3A_471, %select_n3A : i32
      %and3A_488 = vector.broadcast %lt3A_487 : i1 to vector<16xi1>
      %and3A_489 = arith.andi %eq3A_480, %and3A_488 : vector<16xi1>
      %unique3A_490, %unique3A_491 = tpu.scan_count mask(%and3A_489 : vector<16xi1>) value(%and3A_486 : vector<16xi32>) : vector<16xi1>, vector<16xi32>
      tpu.vector_store_idx %arg7[%and3A_486], %unique3A_491 masked %unique3A_490 {add = true} : memref<2048xi32, #tpu.memory_space<vmem>>[vector<16xi32>], vector<16xi32>, vector<16xi1>
      %scan3A_492 = arith.constant 0 : i32
      %scan3A_493 = arith.constant 6 : i32
      %scan3A_494 = arith.addi %scan3A_358, %scan3A_493 : i32
      %mul3A_495 = arith.constant 16 : i32
      %mul3A_496 = arith.muli %scan3A_494, %mul3A_495 : i32
      %get3A_497 = arith.index_cast %mul3A_496 : i32 to index
      %get3A_498 = tpu.vector_load %arg6[%get3A_497] {strides = array<i32>} : memref<31744xi32, #tpu.memory_space<vmem>>, vector<16xi32>,
      %shift_right_logical3A_499 = arith.constant 22 : i32
      %shift_right_logical3A_500 = vector.broadcast %shift_right_logical3A_499 : i32 to vector<16xi32>
      %shift_right_logical3A_501 = arith.shrui %get3A_498, %shift_right_logical3A_500 : vector<16xi32>
      %eq3A_502 = vector.broadcast %add3A_94 : i32 to vector<16xi32>
      %eq3A_503 = arith.cmpi eq, %shift_right_logical3A_501, %eq3A_502 : vector<16xi32>
      %shift_right_logical3A_504 = arith.constant 11 : i32
      %shift_right_logical3A_505 = vector.broadcast %shift_right_logical3A_504 : i32 to vector<16xi32>
      %shift_right_logical3A_506 = arith.shrui %get3A_498, %shift_right_logical3A_505 : vector<16xi32>
      %and3A_507 = arith.constant 2047 : i32
      %and3A_508 = vector.broadcast %and3A_507 : i32 to vector<16xi32>
      %and3A_509 = arith.andi %shift_right_logical3A_506, %and3A_508 : vector<16xi32>
      %lt3A_510 = arith.cmpi slt, %scan3A_494, %select_n3A : i32
      %and3A_511 = vector.broadcast %lt3A_510 : i1 to vector<16xi1>
      %and3A_512 = arith.andi %eq3A_503, %and3A_511 : vector<16xi1>
      %unique3A_513, %unique3A_514 = tpu.scan_count mask(%and3A_512 : vector<16xi1>) value(%and3A_509 : vector<16xi32>) : vector<16xi1>, vector<16xi32>
      tpu.vector_store_idx %arg7[%and3A_509], %unique3A_514 masked %unique3A_513 {add = true} : memref<2048xi32, #tpu.memory_space<vmem>>[vector<16xi32>], vector<16xi32>, vector<16xi1>
      %scan3A_515 = arith.constant 0 : i32
      %scan3A_516 = arith.constant 7 : i32
      %scan3A_517 = arith.addi %scan3A_358, %scan3A_516 : i32
      %mul3A_518 = arith.constant 16 : i32
      %mul3A_519 = arith.muli %scan3A_517, %mul3A_518 : i32
      %get3A_520 = arith.index_cast %mul3A_519 : i32 to index
      %get3A_521 = tpu.vector_load %arg6[%get3A_520] {strides = array<i32>} : memref<31744xi32, #tpu.memory_space<vmem>>, vector<16xi32>,
      %shift_right_logical3A_522 = arith.constant 22 : i32
      %shift_right_logical3A_523 = vector.broadcast %shift_right_logical3A_522 : i32 to vector<16xi32>
      %shift_right_logical3A_524 = arith.shrui %get3A_521, %shift_right_logical3A_523 : vector<16xi32>
      %eq3A_525 = vector.broadcast %add3A_94 : i32 to vector<16xi32>
      %eq3A_526 = arith.cmpi eq, %shift_right_logical3A_524, %eq3A_525 : vector<16xi32>
      %shift_right_logical3A_527 = arith.constant 11 : i32
      %shift_right_logical3A_528 = vector.broadcast %shift_right_logical3A_527 : i32 to vector<16xi32>
      %shift_right_logical3A_529 = arith.shrui %get3A_521, %shift_right_logical3A_528 : vector<16xi32>
      %and3A_530 = arith.constant 2047 : i32
      %and3A_531 = vector.broadcast %and3A_530 : i32 to vector<16xi32>
      %and3A_532 = arith.andi %shift_right_logical3A_529, %and3A_531 : vector<16xi32>
      %lt3A_533 = arith.cmpi slt, %scan3A_517, %select_n3A : i32
      %and3A_534 = vector.broadcast %lt3A_533 : i1 to vector<16xi1>
      %and3A_535 = arith.andi %eq3A_526, %and3A_534 : vector<16xi1>
      %unique3A_536, %unique3A_537 = tpu.scan_count mask(%and3A_535 : vector<16xi1>) value(%and3A_532 : vector<16xi32>) : vector<16xi1>, vector<16xi32>
      tpu.vector_store_idx %arg7[%and3A_532], %unique3A_537 masked %unique3A_536 {add = true} : memref<2048xi32, #tpu.memory_space<vmem>>[vector<16xi32>], vector<16xi32>, vector<16xi1>
      %scan3A_538 = arith.constant 0 : i32
      scf.yield %scan3A_538 : i32
    }
    %scan3A_113 = arith.constant 1984 : i32
    "tpu.region"() ({
      %run_scoped3A = tpu.sem_alloc : memref<!tpu.dma_semaphore, #tpu.memory_space<semaphore_mem>>
      %dma_start3A = arith.constant 0 : i32
      %dma_start3A_358 = tpu.memref_slice %arg7[%dma_start3A] : memref<2048xi32, #tpu.memory_space<vmem>> -> memref<2048xi32, #tpu.memory_space<vmem>>
      %dma_start3A_359 = arith.constant 0 : i32
      %dma_start3A_360 = tpu.memref_slice %arg22[%arg1, %dma_start3A_359] : memref<16x2048xi32, #tpu.memory_space<vmem_shared>> -> memref<1x2048xi32, #tpu.memory_space<vmem_shared>>
      %dma_start3A_361 = tpu.memref_squeeze %dma_start3A_360 : memref<1x2048xi32, #tpu.memory_space<vmem_shared>> -> memref<2048xi32, #tpu.memory_space<vmem_shared>>
      %dma_start3A_362 = arith.constant 0 : i32
      %dma_start3A_363 = tpu.memref_slice %arg22[%arg1, %dma_start3A_362] : memref<16x2048xi32, #tpu.memory_space<vmem_shared>> -> memref<1x2048xi32, #tpu.memory_space<vmem_shared>>
      %dma_start3A_364 = tpu.memref_squeeze %dma_start3A_363 : memref<1x2048xi32, #tpu.memory_space<vmem_shared>> -> memref<2048xi32, #tpu.memory_space<vmem_shared>>
      %dma_start3A_365 = arith.constant 0 : i32
      %dma_start3A_366 = tpu.memref_slice %arg7[%dma_start3A_365] : memref<2048xi32, #tpu.memory_space<vmem>> -> memref<2048xi32, #tpu.memory_space<vmem>>
      tpu.enqueue_dma source(%dma_start3A_366 : memref<2048xi32, #tpu.memory_space<vmem>>) target(%dma_start3A_364 : memref<2048xi32, #tpu.memory_space<vmem_shared>>) target_semaphore(%run_scoped3A : memref<!tpu.dma_semaphore, #tpu.memory_space<semaphore_mem>>)
      %dma_wait3A = arith.constant 0 : i32
      %dma_wait3A_367 = tpu.memref_slice %arg7[%dma_wait3A] : memref<2048xi32, #tpu.memory_space<vmem>> -> memref<2048xi32, #tpu.memory_space<vmem>>
      %dma_wait3A_368 = arith.constant 0 : i32
      %dma_wait3A_369 = tpu.memref_slice %arg22[%arg1, %dma_wait3A_368] : memref<16x2048xi32, #tpu.memory_space<vmem_shared>> -> memref<1x2048xi32, #tpu.memory_space<vmem_shared>>
      %dma_wait3A_370 = tpu.memref_squeeze %dma_wait3A_369 : memref<1x2048xi32, #tpu.memory_space<vmem_shared>> -> memref<2048xi32, #tpu.memory_space<vmem_shared>>
      %dma_wait3A_371 = arith.constant 0 : i32
      %dma_wait3A_372 = tpu.memref_slice %arg22[%arg1, %dma_wait3A_371] : memref<16x2048xi32, #tpu.memory_space<vmem_shared>> -> memref<1x2048xi32, #tpu.memory_space<vmem_shared>>
      %dma_wait3A_373 = tpu.memref_squeeze %dma_wait3A_372 : memref<1x2048xi32, #tpu.memory_space<vmem_shared>> -> memref<2048xi32, #tpu.memory_space<vmem_shared>>
      %dma_wait3A_374 = arith.constant 0 : i32
      %dma_wait3A_375 = tpu.memref_slice %arg7[%dma_wait3A_374] : memref<2048xi32, #tpu.memory_space<vmem>> -> memref<2048xi32, #tpu.memory_space<vmem>>
      tpu.wait_dma2 semaphore(%run_scoped3A : memref<!tpu.dma_semaphore, #tpu.memory_space<semaphore_mem>>) src(%dma_wait3A_375 : memref<2048xi32, #tpu.memory_space<vmem>>) dst(%dma_wait3A_373 : memref<2048xi32, #tpu.memory_space<vmem_shared>>)
      tpu.yield
    }) : () -> ()
    %barrier3A_114 = arith.constant 0 : index
    tpu.barrier barrier_id(%barrier3A_114)
    %broadcast_in_dim3A_115 = arith.constant 0 : i32
    %broadcast_in_dim3A_116 = vector.broadcast %broadcast_in_dim3A_115 : i32 to vector<16xi32>
    %scan3A_117 = arith.constant 0 : i32
    %scan3A_118 = arith.constant 0 : i32
    %scan3A_119 = arith.constant 8 : i32
    %scan3A_120 = arith.addi %scan3A_118, %scan3A_119 : i32
    %scan3A_121 = arith.constant 1 : i32
    %scan3A_122 = scf.for %scan3A_358 = %scan3A_118 to %scan3A_120 step %scan3A_121 iter_args(%scan3A_359 = %scan3A_117) -> (i32)  : i32 {
      %mul3A_360 = arith.constant 16 : i32
      %mul3A_361 = arith.muli %scan3A_358, %mul3A_360 : i32
      %swap3A_362 = arith.index_cast %mul3A_361 : i32 to index
      %swap3A_363 = tpu.vector_load %arg10[%swap3A_362] {strides = array<i32>} : memref<128xi32, #tpu.memory_space<vmem>>, vector<16xi32>,
      tpu.vector_store %arg10[%swap3A_362], %broadcast_in_dim3A_116 {strides = array<i32>} : memref<128xi32, #tpu.memory_space<vmem>>, vector<16xi32>,
      %scan3A_364 = arith.constant 0 : i32
      scf.yield %scan3A_364 : i32
    }
    %scan3A_123 = arith.constant 8 : i32
    %scan3A_124 = arith.constant 0 : i32
    %scan3A_125 = arith.constant 0 : i32
    %scan3A_126 = arith.constant 16 : i32
    %scan3A_127 = arith.addi %scan3A_125, %scan3A_126 : i32
    %scan3A_128 = arith.constant 1 : i32
    %scan3A_129 = scf.for %scan3A_358 = %scan3A_125 to %scan3A_127 step %scan3A_128 iter_args(%scan3A_359 = %scan3A_124) -> (i32)  : i32 {
      %mul3A_360 = arith.constant 128 : i32
      %mul3A_361 = arith.muli %arg1, %mul3A_360 : i32
      "tpu.region"() ({
        %run_scoped3A = tpu.sem_alloc : memref<!tpu.dma_semaphore, #tpu.memory_space<semaphore_mem>>
        %dma_start3A = arith.constant 0 : i32
        %dma_start3A_419 = tpu.memref_slice %arg11[%dma_start3A] : memref<128xi32, #tpu.memory_space<vmem>> -> memref<128xi32, #tpu.memory_space<vmem>>
        %dma_start3A_420 = tpu.memref_slice %arg22[%scan3A_358, %mul3A_361] : memref<16x2048xi32, #tpu.memory_space<vmem_shared>> -> memref<1x128xi32, #tpu.memory_space<vmem_shared>>
        %dma_start3A_421 = tpu.memref_squeeze %dma_start3A_420 : memref<1x128xi32, #tpu.memory_space<vmem_shared>> -> memref<128xi32, #tpu.memory_space<vmem_shared>>
        %dma_start3A_422 = arith.constant 0 : i32
        %dma_start3A_423 = tpu.memref_slice %arg11[%dma_start3A_422] : memref<128xi32, #tpu.memory_space<vmem>> -> memref<128xi32, #tpu.memory_space<vmem>>
        %dma_start3A_424 = tpu.memref_slice %arg22[%scan3A_358, %mul3A_361] : memref<16x2048xi32, #tpu.memory_space<vmem_shared>> -> memref<1x128xi32, #tpu.memory_space<vmem_shared>>
        %dma_start3A_425 = tpu.memref_squeeze %dma_start3A_424 : memref<1x128xi32, #tpu.memory_space<vmem_shared>> -> memref<128xi32, #tpu.memory_space<vmem_shared>>
        tpu.enqueue_dma source(%dma_start3A_425 : memref<128xi32, #tpu.memory_space<vmem_shared>>) target(%dma_start3A_423 : memref<128xi32, #tpu.memory_space<vmem>>) target_semaphore(%run_scoped3A : memref<!tpu.dma_semaphore, #tpu.memory_space<semaphore_mem>>)
        %dma_wait3A = arith.constant 0 : i32
        %dma_wait3A_426 = tpu.memref_slice %arg11[%dma_wait3A] : memref<128xi32, #tpu.memory_space<vmem>> -> memref<128xi32, #tpu.memory_space<vmem>>
        %dma_wait3A_427 = tpu.memref_slice %arg22[%scan3A_358, %mul3A_361] : memref<16x2048xi32, #tpu.memory_space<vmem_shared>> -> memref<1x128xi32, #tpu.memory_space<vmem_shared>>
        %dma_wait3A_428 = tpu.memref_squeeze %dma_wait3A_427 : memref<1x128xi32, #tpu.memory_space<vmem_shared>> -> memref<128xi32, #tpu.memory_space<vmem_shared>>
        %dma_wait3A_429 = arith.constant 0 : i32
        %dma_wait3A_430 = tpu.memref_slice %arg11[%dma_wait3A_429] : memref<128xi32, #tpu.memory_space<vmem>> -> memref<128xi32, #tpu.memory_space<vmem>>
        %dma_wait3A_431 = tpu.memref_slice %arg22[%scan3A_358, %mul3A_361] : memref<16x2048xi32, #tpu.memory_space<vmem_shared>> -> memref<1x128xi32, #tpu.memory_space<vmem_shared>>
        %dma_wait3A_432 = tpu.memref_squeeze %dma_wait3A_431 : memref<1x128xi32, #tpu.memory_space<vmem_shared>> -> memref<128xi32, #tpu.memory_space<vmem_shared>>
        tpu.wait_dma2 semaphore(%run_scoped3A : memref<!tpu.dma_semaphore, #tpu.memory_space<semaphore_mem>>) src(%dma_wait3A_432 : memref<128xi32, #tpu.memory_space<vmem_shared>>) dst(%dma_wait3A_430 : memref<128xi32, #tpu.memory_space<vmem>>)
        tpu.yield
      }) : () -> ()
      %get3A_362 = arith.constant 0 : index
      %get3A_363 = tpu.vector_load %arg10[%get3A_362] {strides = array<i32>} : memref<128xi32, #tpu.memory_space<vmem>>, vector<16xi32>,
      %get3A_364 = arith.constant 0 : index
      %get3A_365 = tpu.vector_load %arg11[%get3A_364] {strides = array<i32>} : memref<128xi32, #tpu.memory_space<vmem>>, vector<16xi32>,
      %add3A_366 = arith.addi %get3A_363, %get3A_365 : vector<16xi32>
      %swap3A_367 = arith.constant 0 : index
      %swap3A_368 = tpu.vector_load %arg10[%swap3A_367] {strides = array<i32>} : memref<128xi32, #tpu.memory_space<vmem>>, vector<16xi32>,
      tpu.vector_store %arg10[%swap3A_367], %add3A_366 {strides = array<i32>} : memref<128xi32, #tpu.memory_space<vmem>>, vector<16xi32>,
      %get3A_369 = arith.constant 16 : index
      %get3A_370 = tpu.vector_load %arg10[%get3A_369] {strides = array<i32>} : memref<128xi32, #tpu.memory_space<vmem>>, vector<16xi32>,
      %get3A_371 = arith.constant 16 : index
      %get3A_372 = tpu.vector_load %arg11[%get3A_371] {strides = array<i32>} : memref<128xi32, #tpu.memory_space<vmem>>, vector<16xi32>,
      %add3A_373 = arith.addi %get3A_370, %get3A_372 : vector<16xi32>
      %swap3A_374 = arith.constant 16 : index
      %swap3A_375 = tpu.vector_load %arg10[%swap3A_374] {strides = array<i32>} : memref<128xi32, #tpu.memory_space<vmem>>, vector<16xi32>,
      tpu.vector_store %arg10[%swap3A_374], %add3A_373 {strides = array<i32>} : memref<128xi32, #tpu.memory_space<vmem>>, vector<16xi32>,
      %get3A_376 = arith.constant 32 : index
      %get3A_377 = tpu.vector_load %arg10[%get3A_376] {strides = array<i32>} : memref<128xi32, #tpu.memory_space<vmem>>, vector<16xi32>,
      %get3A_378 = arith.constant 32 : index
      %get3A_379 = tpu.vector_load %arg11[%get3A_378] {strides = array<i32>} : memref<128xi32, #tpu.memory_space<vmem>>, vector<16xi32>,
      %add3A_380 = arith.addi %get3A_377, %get3A_379 : vector<16xi32>
      %swap3A_381 = arith.constant 32 : index
      %swap3A_382 = tpu.vector_load %arg10[%swap3A_381] {strides = array<i32>} : memref<128xi32, #tpu.memory_space<vmem>>, vector<16xi32>,
      tpu.vector_store %arg10[%swap3A_381], %add3A_380 {strides = array<i32>} : memref<128xi32, #tpu.memory_space<vmem>>, vector<16xi32>,
      %get3A_383 = arith.constant 48 : index
      %get3A_384 = tpu.vector_load %arg10[%get3A_383] {strides = array<i32>} : memref<128xi32, #tpu.memory_space<vmem>>, vector<16xi32>,
      %get3A_385 = arith.constant 48 : index
      %get3A_386 = tpu.vector_load %arg11[%get3A_385] {strides = array<i32>} : memref<128xi32, #tpu.memory_space<vmem>>, vector<16xi32>,
      %add3A_387 = arith.addi %get3A_384, %get3A_386 : vector<16xi32>
      %swap3A_388 = arith.constant 48 : index
      %swap3A_389 = tpu.vector_load %arg10[%swap3A_388] {strides = array<i32>} : memref<128xi32, #tpu.memory_space<vmem>>, vector<16xi32>,
      tpu.vector_store %arg10[%swap3A_388], %add3A_387 {strides = array<i32>} : memref<128xi32, #tpu.memory_space<vmem>>, vector<16xi32>,
      %get3A_390 = arith.constant 64 : index
      %get3A_391 = tpu.vector_load %arg10[%get3A_390] {strides = array<i32>} : memref<128xi32, #tpu.memory_space<vmem>>, vector<16xi32>,
      %get3A_392 = arith.constant 64 : index
      %get3A_393 = tpu.vector_load %arg11[%get3A_392] {strides = array<i32>} : memref<128xi32, #tpu.memory_space<vmem>>, vector<16xi32>,
      %add3A_394 = arith.addi %get3A_391, %get3A_393 : vector<16xi32>
      %swap3A_395 = arith.constant 64 : index
      %swap3A_396 = tpu.vector_load %arg10[%swap3A_395] {strides = array<i32>} : memref<128xi32, #tpu.memory_space<vmem>>, vector<16xi32>,
      tpu.vector_store %arg10[%swap3A_395], %add3A_394 {strides = array<i32>} : memref<128xi32, #tpu.memory_space<vmem>>, vector<16xi32>,
      %get3A_397 = arith.constant 80 : index
      %get3A_398 = tpu.vector_load %arg10[%get3A_397] {strides = array<i32>} : memref<128xi32, #tpu.memory_space<vmem>>, vector<16xi32>,
      %get3A_399 = arith.constant 80 : index
      %get3A_400 = tpu.vector_load %arg11[%get3A_399] {strides = array<i32>} : memref<128xi32, #tpu.memory_space<vmem>>, vector<16xi32>,
      %add3A_401 = arith.addi %get3A_398, %get3A_400 : vector<16xi32>
      %swap3A_402 = arith.constant 80 : index
      %swap3A_403 = tpu.vector_load %arg10[%swap3A_402] {strides = array<i32>} : memref<128xi32, #tpu.memory_space<vmem>>, vector<16xi32>,
      tpu.vector_store %arg10[%swap3A_402], %add3A_401 {strides = array<i32>} : memref<128xi32, #tpu.memory_space<vmem>>, vector<16xi32>,
      %get3A_404 = arith.constant 96 : index
      %get3A_405 = tpu.vector_load %arg10[%get3A_404] {strides = array<i32>} : memref<128xi32, #tpu.memory_space<vmem>>, vector<16xi32>,
      %get3A_406 = arith.constant 96 : index
      %get3A_407 = tpu.vector_load %arg11[%get3A_406] {strides = array<i32>} : memref<128xi32, #tpu.memory_space<vmem>>, vector<16xi32>,
      %add3A_408 = arith.addi %get3A_405, %get3A_407 : vector<16xi32>
      %swap3A_409 = arith.constant 96 : index
      %swap3A_410 = tpu.vector_load %arg10[%swap3A_409] {strides = array<i32>} : memref<128xi32, #tpu.memory_space<vmem>>, vector<16xi32>,
      tpu.vector_store %arg10[%swap3A_409], %add3A_408 {strides = array<i32>} : memref<128xi32, #tpu.memory_space<vmem>>, vector<16xi32>,
      %get3A_411 = arith.constant 112 : index
      %get3A_412 = tpu.vector_load %arg10[%get3A_411] {strides = array<i32>} : memref<128xi32, #tpu.memory_space<vmem>>, vector<16xi32>,
      %get3A_413 = arith.constant 112 : index
      %get3A_414 = tpu.vector_load %arg11[%get3A_413] {strides = array<i32>} : memref<128xi32, #tpu.memory_space<vmem>>, vector<16xi32>,
      %add3A_415 = arith.addi %get3A_412, %get3A_414 : vector<16xi32>
      %swap3A_416 = arith.constant 112 : index
      %swap3A_417 = tpu.vector_load %arg10[%swap3A_416] {strides = array<i32>} : memref<128xi32, #tpu.memory_space<vmem>>, vector<16xi32>,
      tpu.vector_store %arg10[%swap3A_416], %add3A_415 {strides = array<i32>} : memref<128xi32, #tpu.memory_space<vmem>>, vector<16xi32>,
      %scan3A_418 = arith.constant 0 : i32
      scf.yield %scan3A_418 : i32
    }
    %scan3A_130 = arith.constant 16 : i32
    %mul3A_131 = arith.constant 128 : i32
    %mul3A_132 = arith.muli %arg1, %mul3A_131 : i32
    "tpu.region"() ({
      %run_scoped3A = tpu.sem_alloc : memref<!tpu.dma_semaphore, #tpu.memory_space<semaphore_mem>>
      %dma_start3A = arith.constant 0 : i32
      %dma_start3A_358 = tpu.memref_slice %arg10[%dma_start3A] : memref<128xi32, #tpu.memory_space<vmem>> -> memref<128xi32, #tpu.memory_space<vmem>>
      %dma_start3A_359 = tpu.memref_slice %arg23[%mul3A_132] : memref<2048xi32, #tpu.memory_space<vmem_shared>> -> memref<128xi32, #tpu.memory_space<vmem_shared>>
      %dma_start3A_360 = tpu.memref_slice %arg23[%mul3A_132] : memref<2048xi32, #tpu.memory_space<vmem_shared>> -> memref<128xi32, #tpu.memory_space<vmem_shared>>
      %dma_start3A_361 = arith.constant 0 : i32
      %dma_start3A_362 = tpu.memref_slice %arg10[%dma_start3A_361] : memref<128xi32, #tpu.memory_space<vmem>> -> memref<128xi32, #tpu.memory_space<vmem>>
      tpu.enqueue_dma source(%dma_start3A_362 : memref<128xi32, #tpu.memory_space<vmem>>) target(%dma_start3A_360 : memref<128xi32, #tpu.memory_space<vmem_shared>>) target_semaphore(%run_scoped3A : memref<!tpu.dma_semaphore, #tpu.memory_space<semaphore_mem>>)
      %dma_wait3A = arith.constant 0 : i32
      %dma_wait3A_363 = tpu.memref_slice %arg10[%dma_wait3A] : memref<128xi32, #tpu.memory_space<vmem>> -> memref<128xi32, #tpu.memory_space<vmem>>
      %dma_wait3A_364 = tpu.memref_slice %arg23[%mul3A_132] : memref<2048xi32, #tpu.memory_space<vmem_shared>> -> memref<128xi32, #tpu.memory_space<vmem_shared>>
      %dma_wait3A_365 = tpu.memref_slice %arg23[%mul3A_132] : memref<2048xi32, #tpu.memory_space<vmem_shared>> -> memref<128xi32, #tpu.memory_space<vmem_shared>>
      %dma_wait3A_366 = arith.constant 0 : i32
      %dma_wait3A_367 = tpu.memref_slice %arg10[%dma_wait3A_366] : memref<128xi32, #tpu.memory_space<vmem>> -> memref<128xi32, #tpu.memory_space<vmem>>
      tpu.wait_dma2 semaphore(%run_scoped3A : memref<!tpu.dma_semaphore, #tpu.memory_space<semaphore_mem>>) src(%dma_wait3A_367 : memref<128xi32, #tpu.memory_space<vmem>>) dst(%dma_wait3A_365 : memref<128xi32, #tpu.memory_space<vmem_shared>>)
      tpu.yield
    }) : () -> ()
    %barrier3A_133 = arith.constant 0 : index
    tpu.barrier barrier_id(%barrier3A_133)
    "tpu.region"() ({
      %run_scoped3A = tpu.sem_alloc : memref<!tpu.dma_semaphore, #tpu.memory_space<semaphore_mem>>
      %dma_start3A = arith.constant 0 : i32
      %dma_start3A_358 = tpu.memref_slice %arg8[%dma_start3A] : memref<2048xi32, #tpu.memory_space<vmem>> -> memref<2048xi32, #tpu.memory_space<vmem>>
      %dma_start3A_359 = arith.constant 0 : i32
      %dma_start3A_360 = tpu.memref_slice %arg23[%dma_start3A_359] : memref<2048xi32, #tpu.memory_space<vmem_shared>> -> memref<2048xi32, #tpu.memory_space<vmem_shared>>
      %dma_start3A_361 = arith.constant 0 : i32
      %dma_start3A_362 = tpu.memref_slice %arg8[%dma_start3A_361] : memref<2048xi32, #tpu.memory_space<vmem>> -> memref<2048xi32, #tpu.memory_space<vmem>>
      %dma_start3A_363 = arith.constant 0 : i32
      %dma_start3A_364 = tpu.memref_slice %arg23[%dma_start3A_363] : memref<2048xi32, #tpu.memory_space<vmem_shared>> -> memref<2048xi32, #tpu.memory_space<vmem_shared>>
      tpu.enqueue_dma source(%dma_start3A_364 : memref<2048xi32, #tpu.memory_space<vmem_shared>>) target(%dma_start3A_362 : memref<2048xi32, #tpu.memory_space<vmem>>) target_semaphore(%run_scoped3A : memref<!tpu.dma_semaphore, #tpu.memory_space<semaphore_mem>>)
      %dma_wait3A = arith.constant 0 : i32
      %dma_wait3A_365 = tpu.memref_slice %arg8[%dma_wait3A] : memref<2048xi32, #tpu.memory_space<vmem>> -> memref<2048xi32, #tpu.memory_space<vmem>>
      %dma_wait3A_366 = arith.constant 0 : i32
      %dma_wait3A_367 = tpu.memref_slice %arg23[%dma_wait3A_366] : memref<2048xi32, #tpu.memory_space<vmem_shared>> -> memref<2048xi32, #tpu.memory_space<vmem_shared>>
      %dma_wait3A_368 = arith.constant 0 : i32
      %dma_wait3A_369 = tpu.memref_slice %arg8[%dma_wait3A_368] : memref<2048xi32, #tpu.memory_space<vmem>> -> memref<2048xi32, #tpu.memory_space<vmem>>
      %dma_wait3A_370 = arith.constant 0 : i32
      %dma_wait3A_371 = tpu.memref_slice %arg23[%dma_wait3A_370] : memref<2048xi32, #tpu.memory_space<vmem_shared>> -> memref<2048xi32, #tpu.memory_space<vmem_shared>>
      tpu.wait_dma2 semaphore(%run_scoped3A : memref<!tpu.dma_semaphore, #tpu.memory_space<semaphore_mem>>) src(%dma_wait3A_371 : memref<2048xi32, #tpu.memory_space<vmem_shared>>) dst(%dma_wait3A_369 : memref<2048xi32, #tpu.memory_space<vmem>>)
      tpu.yield
    }) : () -> ()
    %scan3A_134 = arith.constant 0 : i32
    %scan3A_135 = arith.constant 0 : i32
    %scan3A_136 = arith.constant 128 : i32
    %scan3A_137 = arith.addi %scan3A_135, %scan3A_136 : i32
    %scan3A_138 = arith.constant 1 : i32
    %scan3A_139 = scf.for %scan3A_358 = %scan3A_135 to %scan3A_137 step %scan3A_138 iter_args(%scan3A_359 = %scan3A_134) -> (i32)  : i32 {
      %mul3A_360 = arith.constant 16 : i32
      %mul3A_361 = arith.muli %scan3A_358, %mul3A_360 : i32
      %get3A_362 = arith.index_cast %mul3A_361 : i32 to index
      %get3A_363 = tpu.vector_load %arg8[%get3A_362] {strides = array<i32>} : memref<2048xi32, #tpu.memory_space<vmem>>, vector<16xi32>,
      %reduce_sum3A_364 = arith.constant true
      %reduce_sum3A_365 = vector.broadcast %reduce_sum3A_364 : i1 to vector<16xi1>
      %reduce_sum3A_366 = tpu.scan <sum>, %get3A_363 masked %reduce_sum3A_365 : vector<16xi32>, vector<16xi1> -> vector<16xi32>
      %reduce_sum3A_367 = vector.extract %reduce_sum3A_366[15] : i32 from vector<16xi32>
      %swap3A_368 = arith.index_cast %scan3A_358 : i32 to index
      %swap3A_369 = memref.load %arg9[%swap3A_368] : memref<128xi32, #tpu.memory_space<smem>>
      memref.store %reduce_sum3A_367, %arg9[%swap3A_368] : memref<128xi32, #tpu.memory_space<smem>>
      %scan3A_370 = arith.constant 0 : i32
      scf.yield %scan3A_370 : i32
    }
    %scan3A_140 = arith.constant 128 : i32
    %scan3A_141 = arith.constant 0 : i32
    %scan3A_142 = arith.constant 0 : i32
    %scan3A_143 = arith.constant 0 : i32
    %scan3A_144 = arith.constant 0 : i32
    %scan3A_145 = arith.constant 0 : i32
    %scan3A_146 = arith.constant 128 : i32
    %scan3A_147 = arith.addi %scan3A_145, %scan3A_146 : i32
    %scan3A_148 = arith.constant 1 : i32
    %scan3A_149:4 = scf.for %scan3A_358 = %scan3A_145 to %scan3A_147 step %scan3A_148 iter_args(%scan3A_359 = %scan3A_141, %scan3A_360 = %scan3A_142, %scan3A_361 = %scan3A_143, %scan3A_362 = %scan3A_144) -> (i32, i32, i32, i32)  : i32 {
      %sub3A_363 = arith.constant 127 : i32
      %sub3A_364 = arith.subi %sub3A_363, %scan3A_358 : i32
      %get3A_365 = arith.index_cast %sub3A_364 : i32 to index
      %get3A_366 = memref.load %arg9[%get3A_365] : memref<128xi32, #tpu.memory_space<smem>>
      %eq3A_367 = arith.constant 0 : i32
      %eq3A_368 = arith.cmpi eq, %scan3A_362, %eq3A_367 : i32
      %add3A_369 = arith.addi %add3A_97, %scan3A_359 : i32
      %add3A_370 = arith.addi %add3A_369, %get3A_366 : i32
      %ge3A_371 = arith.constant 100 : i32
      %ge3A_372 = arith.cmpi sge, %add3A_370, %ge3A_371 : i32
      %jit3A_373 = arith.constant 1 : i32
      %jit3A_374 = arith.constant 0 : i32
      %select_n3A_375 = arith.select %ge3A_372, %jit3A_373, %jit3A_374 : i32
      %jit3A_376 = arith.constant 0 : i32
      %select_n3A_377 = arith.select %eq3A_368, %select_n3A_375, %jit3A_376 : i32
      %eq3A_378 = arith.constant 1 : i32
      %eq3A_379 = arith.cmpi eq, %select_n3A_377, %eq3A_378 : i32
      %select_n3A_380 = arith.select %eq3A_379, %sub3A_364, %scan3A_360 : i32
      %eq3A_381 = arith.constant 1 : i32
      %eq3A_382 = arith.cmpi eq, %select_n3A_377, %eq3A_381 : i32
      %select_n3A_383 = arith.select %eq3A_382, %scan3A_359, %scan3A_361 : i32
      %or3A_384 = arith.ori %scan3A_362, %select_n3A_377 : i32
      %add3A_385 = arith.addi %scan3A_359, %get3A_366 : i32
      scf.yield %add3A_385, %select_n3A_380, %select_n3A_383, %or3A_384 : i32, i32, i32, i32
    }
    %scan3A_150 = arith.constant 128 : i32
    %mul3A_151 = arith.constant 16 : i32
    %mul3A_152 = arith.muli %scan3A_149#1, %mul3A_151 : i32
    %get3A_153 = arith.index_cast %mul3A_152 : i32 to index
    %get3A_154 = tpu.vector_load %arg8[%get3A_153] {strides = array<i32>} : memref<2048xi32, #tpu.memory_space<vmem>>, vector<16xi32>,
    %broadcast_in_dim3A_155 = arith.constant true
    %broadcast_in_dim3A_156 = vector.broadcast %broadcast_in_dim3A_155 : i1 to vector<16xi1>
    %masked_cumsum3A_157 = tpu.scan <sum>, %get3A_154 masked %broadcast_in_dim3A_156 : vector<16xi32>, vector<16xi1> -> vector<16xi32>
    %reduce_sum3A_158 = arith.constant true
    %reduce_sum3A_159 = vector.broadcast %reduce_sum3A_158 : i1 to vector<16xi1>
    %reduce_sum3A_160 = tpu.scan <sum>, %get3A_154 masked %reduce_sum3A_159 : vector<16xi32>, vector<16xi1> -> vector<16xi32>
    %reduce_sum3A_161 = vector.extract %reduce_sum3A_160[15] : i32 from vector<16xi32>
    %sub3A_162 = vector.broadcast %reduce_sum3A_161 : i32 to vector<16xi32>
    %sub3A_163 = arith.subi %sub3A_162, %masked_cumsum3A_157 : vector<16xi32>
    %add3A_164 = arith.addi %sub3A_163, %get3A_154 : vector<16xi32>
    %add3A_165 = arith.addi %add3A_97, %scan3A_149#2 : i32
    %add3A_166 = vector.broadcast %add3A_165 : i32 to vector<16xi32>
    %add3A_167 = arith.addi %add3A_166, %add3A_164 : vector<16xi32>
    %ge3A_168 = arith.constant 100 : i32
    %ge3A_169 = vector.broadcast %ge3A_168 : i32 to vector<16xi32>
    %ge3A_170 = arith.cmpi sge, %add3A_167, %ge3A_169 : vector<16xi32>
    %jit3A_171 = arith.constant -1 : i32
    %broadcast_in_dim3A_172 = vector.broadcast %jit3A_171 : i32 to vector<16xi32>
    %select_n3A_173 = arith.select %ge3A_170, %iota3A, %broadcast_in_dim3A_172 : vector<16xi1>, vector<16xi32>
    %reduce_max3A_174 = arith.constant true
    %reduce_max3A_175 = vector.broadcast %reduce_max3A_174 : i1 to vector<16xi1>
    %reduce_max3A_176 = arith.constant -2147483648 : i32
    %reduce_max3A_177 = vector.broadcast %reduce_max3A_176 : i32 to vector<16xi32>
    %reduce_max3A_178 = arith.xori %select_n3A_173, %reduce_max3A_177 : vector<16xi32>
    %reduce_max3A_179 = tpu.scan <max>, %reduce_max3A_178 masked %reduce_max3A_175 : vector<16xi32>, vector<16xi1> -> vector<16xi32>
    %reduce_max3A_180 = arith.xori %reduce_max3A_179, %reduce_max3A_177 : vector<16xi32>
    %reduce_max3A_181 = vector.extract %reduce_max3A_180[15] : i32 from vector<16xi32>
    %gt3A_182 = vector.broadcast %reduce_max3A_181 : i32 to vector<16xi32>
    %gt3A_183 = arith.cmpi sgt, %iota3A, %gt3A_182 : vector<16xi32>
    %jit3A_184 = arith.constant 0 : i32
    %broadcast_in_dim3A_185 = vector.broadcast %jit3A_184 : i32 to vector<16xi32>
    %select_n3A_186 = arith.select %gt3A_183, %get3A_154, %broadcast_in_dim3A_185 : vector<16xi1>, vector<16xi32>
    %reduce_sum3A_187 = arith.constant true
    %reduce_sum3A_188 = vector.broadcast %reduce_sum3A_187 : i1 to vector<16xi1>
    %reduce_sum3A_189 = tpu.scan <sum>, %select_n3A_186 masked %reduce_sum3A_188 : vector<16xi32>, vector<16xi1> -> vector<16xi32>
    %reduce_sum3A_190 = vector.extract %reduce_sum3A_189[15] : i32 from vector<16xi32>
    %mul3A_191 = arith.constant 16 : i32
    %mul3A_192 = arith.muli %scan3A_149#1, %mul3A_191 : i32
    %add3A_193 = arith.addi %mul3A_192, %reduce_max3A_181 : i32
    %add3A_194 = arith.addi %add3A_97, %scan3A_149#2 : i32
    %add3A_195 = arith.addi %add3A_194, %reduce_sum3A_190 : i32
    %broadcast_in_dim3A_196 = arith.constant 0 : i32
    %broadcast_in_dim3A_197 = vector.broadcast %broadcast_in_dim3A_196 : i32 to vector<16xi32>
    %scan3A_198 = arith.constant 0 : i32
    %scan3A_199 = arith.constant 0 : i32
    %scan3A_200 = arith.constant 128 : i32
    %scan3A_201 = arith.addi %scan3A_199, %scan3A_200 : i32
    %scan3A_202 = arith.constant 1 : i32
    %scan3A_203 = scf.for %scan3A_358 = %scan3A_199 to %scan3A_201 step %scan3A_202 iter_args(%scan3A_359 = %scan3A_198) -> (i32)  : i32 {
      %mul3A_360 = arith.constant 16 : i32
      %mul3A_361 = arith.muli %scan3A_358, %mul3A_360 : i32
      %swap3A_362 = arith.index_cast %mul3A_361 : i32 to index
      %swap3A_363 = tpu.vector_load %arg7[%swap3A_362] {strides = array<i32>} : memref<2048xi32, #tpu.memory_space<vmem>>, vector<16xi32>,
      tpu.vector_store %arg7[%swap3A_362], %broadcast_in_dim3A_197 {strides = array<i32>} : memref<2048xi32, #tpu.memory_space<vmem>>, vector<16xi32>,
      %scan3A_364 = arith.constant 0 : i32
      scf.yield %scan3A_364 : i32
    }
    %scan3A_204 = arith.constant 128 : i32
    %shift_left3A = arith.constant 11 : i32
    %shift_left3A_205 = arith.shli %add3A_94, %shift_left3A : i32
    %or3A = arith.ori %shift_left3A_205, %add3A_193 : i32
    %scan3A_206 = arith.constant 0 : i32
    %scan3A_207 = arith.constant 0 : i32
    %scan3A_208 = arith.constant 1984 : i32
    %scan3A_209 = arith.addi %scan3A_207, %scan3A_208 : i32
    %scan3A_210 = arith.constant 8 : i32
    %scan3A_211 = scf.for %scan3A_358 = %scan3A_207 to %scan3A_209 step %scan3A_210 iter_args(%scan3A_359 = %scan3A_206) -> (i32)  : i32 {
      %mul3A_360 = arith.constant 16 : i32
      %mul3A_361 = arith.muli %scan3A_358, %mul3A_360 : i32
      %get3A_362 = arith.index_cast %mul3A_361 : i32 to index
      %get3A_363 = tpu.vector_load %arg6[%get3A_362] {strides = array<i32>} : memref<31744xi32, #tpu.memory_space<vmem>>, vector<16xi32>,
      %shift_right_logical3A = arith.constant 11 : i32
      %shift_right_logical3A_364 = vector.broadcast %shift_right_logical3A : i32 to vector<16xi32>
      %shift_right_logical3A_365 = arith.shrui %get3A_363, %shift_right_logical3A_364 : vector<16xi32>
      %eq3A_366 = vector.broadcast %or3A : i32 to vector<16xi32>
      %eq3A_367 = arith.cmpi eq, %shift_right_logical3A_365, %eq3A_366 : vector<16xi32>
      %and3A_368 = arith.constant 2047 : i32
      %and3A_369 = vector.broadcast %and3A_368 : i32 to vector<16xi32>
      %and3A_370 = arith.andi %get3A_363, %and3A_369 : vector<16xi32>
      %lt3A = arith.cmpi slt, %scan3A_358, %select_n3A : i32
      %and3A_371 = vector.broadcast %lt3A : i1 to vector<16xi1>
      %and3A_372 = arith.andi %eq3A_367, %and3A_371 : vector<16xi1>
      %unique3A, %unique3A_373 = tpu.scan_count mask(%and3A_372 : vector<16xi1>) value(%and3A_370 : vector<16xi32>) : vector<16xi1>, vector<16xi32>
      tpu.vector_store_idx %arg7[%and3A_370], %unique3A_373 masked %unique3A {add = true} : memref<2048xi32, #tpu.memory_space<vmem>>[vector<16xi32>], vector<16xi32>, vector<16xi1>
      %scan3A_374 = arith.constant 0 : i32
      %scan3A_375 = arith.constant 1 : i32
      %scan3A_376 = arith.addi %scan3A_358, %scan3A_375 : i32
      %mul3A_377 = arith.constant 16 : i32
      %mul3A_378 = arith.muli %scan3A_376, %mul3A_377 : i32
      %get3A_379 = arith.index_cast %mul3A_378 : i32 to index
      %get3A_380 = tpu.vector_load %arg6[%get3A_379] {strides = array<i32>} : memref<31744xi32, #tpu.memory_space<vmem>>, vector<16xi32>,
      %shift_right_logical3A_381 = arith.constant 11 : i32
      %shift_right_logical3A_382 = vector.broadcast %shift_right_logical3A_381 : i32 to vector<16xi32>
      %shift_right_logical3A_383 = arith.shrui %get3A_380, %shift_right_logical3A_382 : vector<16xi32>
      %eq3A_384 = vector.broadcast %or3A : i32 to vector<16xi32>
      %eq3A_385 = arith.cmpi eq, %shift_right_logical3A_383, %eq3A_384 : vector<16xi32>
      %and3A_386 = arith.constant 2047 : i32
      %and3A_387 = vector.broadcast %and3A_386 : i32 to vector<16xi32>
      %and3A_388 = arith.andi %get3A_380, %and3A_387 : vector<16xi32>
      %lt3A_389 = arith.cmpi slt, %scan3A_376, %select_n3A : i32
      %and3A_390 = vector.broadcast %lt3A_389 : i1 to vector<16xi1>
      %and3A_391 = arith.andi %eq3A_385, %and3A_390 : vector<16xi1>
      %unique3A_392, %unique3A_393 = tpu.scan_count mask(%and3A_391 : vector<16xi1>) value(%and3A_388 : vector<16xi32>) : vector<16xi1>, vector<16xi32>
      tpu.vector_store_idx %arg7[%and3A_388], %unique3A_393 masked %unique3A_392 {add = true} : memref<2048xi32, #tpu.memory_space<vmem>>[vector<16xi32>], vector<16xi32>, vector<16xi1>
      %scan3A_394 = arith.constant 0 : i32
      %scan3A_395 = arith.constant 2 : i32
      %scan3A_396 = arith.addi %scan3A_358, %scan3A_395 : i32
      %mul3A_397 = arith.constant 16 : i32
      %mul3A_398 = arith.muli %scan3A_396, %mul3A_397 : i32
      %get3A_399 = arith.index_cast %mul3A_398 : i32 to index
      %get3A_400 = tpu.vector_load %arg6[%get3A_399] {strides = array<i32>} : memref<31744xi32, #tpu.memory_space<vmem>>, vector<16xi32>,
      %shift_right_logical3A_401 = arith.constant 11 : i32
      %shift_right_logical3A_402 = vector.broadcast %shift_right_logical3A_401 : i32 to vector<16xi32>
      %shift_right_logical3A_403 = arith.shrui %get3A_400, %shift_right_logical3A_402 : vector<16xi32>
      %eq3A_404 = vector.broadcast %or3A : i32 to vector<16xi32>
      %eq3A_405 = arith.cmpi eq, %shift_right_logical3A_403, %eq3A_404 : vector<16xi32>
      %and3A_406 = arith.constant 2047 : i32
      %and3A_407 = vector.broadcast %and3A_406 : i32 to vector<16xi32>
      %and3A_408 = arith.andi %get3A_400, %and3A_407 : vector<16xi32>
      %lt3A_409 = arith.cmpi slt, %scan3A_396, %select_n3A : i32
      %and3A_410 = vector.broadcast %lt3A_409 : i1 to vector<16xi1>
      %and3A_411 = arith.andi %eq3A_405, %and3A_410 : vector<16xi1>
      %unique3A_412, %unique3A_413 = tpu.scan_count mask(%and3A_411 : vector<16xi1>) value(%and3A_408 : vector<16xi32>) : vector<16xi1>, vector<16xi32>
      tpu.vector_store_idx %arg7[%and3A_408], %unique3A_413 masked %unique3A_412 {add = true} : memref<2048xi32, #tpu.memory_space<vmem>>[vector<16xi32>], vector<16xi32>, vector<16xi1>
      %scan3A_414 = arith.constant 0 : i32
      %scan3A_415 = arith.constant 3 : i32
      %scan3A_416 = arith.addi %scan3A_358, %scan3A_415 : i32
      %mul3A_417 = arith.constant 16 : i32
      %mul3A_418 = arith.muli %scan3A_416, %mul3A_417 : i32
      %get3A_419 = arith.index_cast %mul3A_418 : i32 to index
      %get3A_420 = tpu.vector_load %arg6[%get3A_419] {strides = array<i32>} : memref<31744xi32, #tpu.memory_space<vmem>>, vector<16xi32>,
      %shift_right_logical3A_421 = arith.constant 11 : i32
      %shift_right_logical3A_422 = vector.broadcast %shift_right_logical3A_421 : i32 to vector<16xi32>
      %shift_right_logical3A_423 = arith.shrui %get3A_420, %shift_right_logical3A_422 : vector<16xi32>
      %eq3A_424 = vector.broadcast %or3A : i32 to vector<16xi32>
      %eq3A_425 = arith.cmpi eq, %shift_right_logical3A_423, %eq3A_424 : vector<16xi32>
      %and3A_426 = arith.constant 2047 : i32
      %and3A_427 = vector.broadcast %and3A_426 : i32 to vector<16xi32>
      %and3A_428 = arith.andi %get3A_420, %and3A_427 : vector<16xi32>
      %lt3A_429 = arith.cmpi slt, %scan3A_416, %select_n3A : i32
      %and3A_430 = vector.broadcast %lt3A_429 : i1 to vector<16xi1>
      %and3A_431 = arith.andi %eq3A_425, %and3A_430 : vector<16xi1>
      %unique3A_432, %unique3A_433 = tpu.scan_count mask(%and3A_431 : vector<16xi1>) value(%and3A_428 : vector<16xi32>) : vector<16xi1>, vector<16xi32>
      tpu.vector_store_idx %arg7[%and3A_428], %unique3A_433 masked %unique3A_432 {add = true} : memref<2048xi32, #tpu.memory_space<vmem>>[vector<16xi32>], vector<16xi32>, vector<16xi1>
      %scan3A_434 = arith.constant 0 : i32
      %scan3A_435 = arith.constant 4 : i32
      %scan3A_436 = arith.addi %scan3A_358, %scan3A_435 : i32
      %mul3A_437 = arith.constant 16 : i32
      %mul3A_438 = arith.muli %scan3A_436, %mul3A_437 : i32
      %get3A_439 = arith.index_cast %mul3A_438 : i32 to index
      %get3A_440 = tpu.vector_load %arg6[%get3A_439] {strides = array<i32>} : memref<31744xi32, #tpu.memory_space<vmem>>, vector<16xi32>,
      %shift_right_logical3A_441 = arith.constant 11 : i32
      %shift_right_logical3A_442 = vector.broadcast %shift_right_logical3A_441 : i32 to vector<16xi32>
      %shift_right_logical3A_443 = arith.shrui %get3A_440, %shift_right_logical3A_442 : vector<16xi32>
      %eq3A_444 = vector.broadcast %or3A : i32 to vector<16xi32>
      %eq3A_445 = arith.cmpi eq, %shift_right_logical3A_443, %eq3A_444 : vector<16xi32>
      %and3A_446 = arith.constant 2047 : i32
      %and3A_447 = vector.broadcast %and3A_446 : i32 to vector<16xi32>
      %and3A_448 = arith.andi %get3A_440, %and3A_447 : vector<16xi32>
      %lt3A_449 = arith.cmpi slt, %scan3A_436, %select_n3A : i32
      %and3A_450 = vector.broadcast %lt3A_449 : i1 to vector<16xi1>
      %and3A_451 = arith.andi %eq3A_445, %and3A_450 : vector<16xi1>
      %unique3A_452, %unique3A_453 = tpu.scan_count mask(%and3A_451 : vector<16xi1>) value(%and3A_448 : vector<16xi32>) : vector<16xi1>, vector<16xi32>
      tpu.vector_store_idx %arg7[%and3A_448], %unique3A_453 masked %unique3A_452 {add = true} : memref<2048xi32, #tpu.memory_space<vmem>>[vector<16xi32>], vector<16xi32>, vector<16xi1>
      %scan3A_454 = arith.constant 0 : i32
      %scan3A_455 = arith.constant 5 : i32
      %scan3A_456 = arith.addi %scan3A_358, %scan3A_455 : i32
      %mul3A_457 = arith.constant 16 : i32
      %mul3A_458 = arith.muli %scan3A_456, %mul3A_457 : i32
      %get3A_459 = arith.index_cast %mul3A_458 : i32 to index
      %get3A_460 = tpu.vector_load %arg6[%get3A_459] {strides = array<i32>} : memref<31744xi32, #tpu.memory_space<vmem>>, vector<16xi32>,
      %shift_right_logical3A_461 = arith.constant 11 : i32
      %shift_right_logical3A_462 = vector.broadcast %shift_right_logical3A_461 : i32 to vector<16xi32>
      %shift_right_logical3A_463 = arith.shrui %get3A_460, %shift_right_logical3A_462 : vector<16xi32>
      %eq3A_464 = vector.broadcast %or3A : i32 to vector<16xi32>
      %eq3A_465 = arith.cmpi eq, %shift_right_logical3A_463, %eq3A_464 : vector<16xi32>
      %and3A_466 = arith.constant 2047 : i32
      %and3A_467 = vector.broadcast %and3A_466 : i32 to vector<16xi32>
      %and3A_468 = arith.andi %get3A_460, %and3A_467 : vector<16xi32>
      %lt3A_469 = arith.cmpi slt, %scan3A_456, %select_n3A : i32
      %and3A_470 = vector.broadcast %lt3A_469 : i1 to vector<16xi1>
      %and3A_471 = arith.andi %eq3A_465, %and3A_470 : vector<16xi1>
      %unique3A_472, %unique3A_473 = tpu.scan_count mask(%and3A_471 : vector<16xi1>) value(%and3A_468 : vector<16xi32>) : vector<16xi1>, vector<16xi32>
      tpu.vector_store_idx %arg7[%and3A_468], %unique3A_473 masked %unique3A_472 {add = true} : memref<2048xi32, #tpu.memory_space<vmem>>[vector<16xi32>], vector<16xi32>, vector<16xi1>
      %scan3A_474 = arith.constant 0 : i32
      %scan3A_475 = arith.constant 6 : i32
      %scan3A_476 = arith.addi %scan3A_358, %scan3A_475 : i32
      %mul3A_477 = arith.constant 16 : i32
      %mul3A_478 = arith.muli %scan3A_476, %mul3A_477 : i32
      %get3A_479 = arith.index_cast %mul3A_478 : i32 to index
      %get3A_480 = tpu.vector_load %arg6[%get3A_479] {strides = array<i32>} : memref<31744xi32, #tpu.memory_space<vmem>>, vector<16xi32>,
      %shift_right_logical3A_481 = arith.constant 11 : i32
      %shift_right_logical3A_482 = vector.broadcast %shift_right_logical3A_481 : i32 to vector<16xi32>
      %shift_right_logical3A_483 = arith.shrui %get3A_480, %shift_right_logical3A_482 : vector<16xi32>
      %eq3A_484 = vector.broadcast %or3A : i32 to vector<16xi32>
      %eq3A_485 = arith.cmpi eq, %shift_right_logical3A_483, %eq3A_484 : vector<16xi32>
      %and3A_486 = arith.constant 2047 : i32
      %and3A_487 = vector.broadcast %and3A_486 : i32 to vector<16xi32>
      %and3A_488 = arith.andi %get3A_480, %and3A_487 : vector<16xi32>
      %lt3A_489 = arith.cmpi slt, %scan3A_476, %select_n3A : i32
      %and3A_490 = vector.broadcast %lt3A_489 : i1 to vector<16xi1>
      %and3A_491 = arith.andi %eq3A_485, %and3A_490 : vector<16xi1>
      %unique3A_492, %unique3A_493 = tpu.scan_count mask(%and3A_491 : vector<16xi1>) value(%and3A_488 : vector<16xi32>) : vector<16xi1>, vector<16xi32>
      tpu.vector_store_idx %arg7[%and3A_488], %unique3A_493 masked %unique3A_492 {add = true} : memref<2048xi32, #tpu.memory_space<vmem>>[vector<16xi32>], vector<16xi32>, vector<16xi1>
      %scan3A_494 = arith.constant 0 : i32
      %scan3A_495 = arith.constant 7 : i32
      %scan3A_496 = arith.addi %scan3A_358, %scan3A_495 : i32
      %mul3A_497 = arith.constant 16 : i32
      %mul3A_498 = arith.muli %scan3A_496, %mul3A_497 : i32
      %get3A_499 = arith.index_cast %mul3A_498 : i32 to index
      %get3A_500 = tpu.vector_load %arg6[%get3A_499] {strides = array<i32>} : memref<31744xi32, #tpu.memory_space<vmem>>, vector<16xi32>,
      %shift_right_logical3A_501 = arith.constant 11 : i32
      %shift_right_logical3A_502 = vector.broadcast %shift_right_logical3A_501 : i32 to vector<16xi32>
      %shift_right_logical3A_503 = arith.shrui %get3A_500, %shift_right_logical3A_502 : vector<16xi32>
      %eq3A_504 = vector.broadcast %or3A : i32 to vector<16xi32>
      %eq3A_505 = arith.cmpi eq, %shift_right_logical3A_503, %eq3A_504 : vector<16xi32>
      %and3A_506 = arith.constant 2047 : i32
      %and3A_507 = vector.broadcast %and3A_506 : i32 to vector<16xi32>
      %and3A_508 = arith.andi %get3A_500, %and3A_507 : vector<16xi32>
      %lt3A_509 = arith.cmpi slt, %scan3A_496, %select_n3A : i32
      %and3A_510 = vector.broadcast %lt3A_509 : i1 to vector<16xi1>
      %and3A_511 = arith.andi %eq3A_505, %and3A_510 : vector<16xi1>
      %unique3A_512, %unique3A_513 = tpu.scan_count mask(%and3A_511 : vector<16xi1>) value(%and3A_508 : vector<16xi32>) : vector<16xi1>, vector<16xi32>
      tpu.vector_store_idx %arg7[%and3A_508], %unique3A_513 masked %unique3A_512 {add = true} : memref<2048xi32, #tpu.memory_space<vmem>>[vector<16xi32>], vector<16xi32>, vector<16xi1>
      %scan3A_514 = arith.constant 0 : i32
      scf.yield %scan3A_514 : i32
    }
    %scan3A_212 = arith.constant 1984 : i32
    "tpu.region"() ({
      %run_scoped3A = tpu.sem_alloc : memref<!tpu.dma_semaphore, #tpu.memory_space<semaphore_mem>>
      %dma_start3A = arith.constant 0 : i32
      %dma_start3A_358 = tpu.memref_slice %arg7[%dma_start3A] : memref<2048xi32, #tpu.memory_space<vmem>> -> memref<2048xi32, #tpu.memory_space<vmem>>
      %dma_start3A_359 = arith.constant 0 : i32
      %dma_start3A_360 = tpu.memref_slice %arg22[%arg1, %dma_start3A_359] : memref<16x2048xi32, #tpu.memory_space<vmem_shared>> -> memref<1x2048xi32, #tpu.memory_space<vmem_shared>>
      %dma_start3A_361 = tpu.memref_squeeze %dma_start3A_360 : memref<1x2048xi32, #tpu.memory_space<vmem_shared>> -> memref<2048xi32, #tpu.memory_space<vmem_shared>>
      %dma_start3A_362 = arith.constant 0 : i32
      %dma_start3A_363 = tpu.memref_slice %arg22[%arg1, %dma_start3A_362] : memref<16x2048xi32, #tpu.memory_space<vmem_shared>> -> memref<1x2048xi32, #tpu.memory_space<vmem_shared>>
      %dma_start3A_364 = tpu.memref_squeeze %dma_start3A_363 : memref<1x2048xi32, #tpu.memory_space<vmem_shared>> -> memref<2048xi32, #tpu.memory_space<vmem_shared>>
      %dma_start3A_365 = arith.constant 0 : i32
      %dma_start3A_366 = tpu.memref_slice %arg7[%dma_start3A_365] : memref<2048xi32, #tpu.memory_space<vmem>> -> memref<2048xi32, #tpu.memory_space<vmem>>
      tpu.enqueue_dma source(%dma_start3A_366 : memref<2048xi32, #tpu.memory_space<vmem>>) target(%dma_start3A_364 : memref<2048xi32, #tpu.memory_space<vmem_shared>>) target_semaphore(%run_scoped3A : memref<!tpu.dma_semaphore, #tpu.memory_space<semaphore_mem>>)
      %dma_wait3A = arith.constant 0 : i32
      %dma_wait3A_367 = tpu.memref_slice %arg7[%dma_wait3A] : memref<2048xi32, #tpu.memory_space<vmem>> -> memref<2048xi32, #tpu.memory_space<vmem>>
      %dma_wait3A_368 = arith.constant 0 : i32
      %dma_wait3A_369 = tpu.memref_slice %arg22[%arg1, %dma_wait3A_368] : memref<16x2048xi32, #tpu.memory_space<vmem_shared>> -> memref<1x2048xi32, #tpu.memory_space<vmem_shared>>
      %dma_wait3A_370 = tpu.memref_squeeze %dma_wait3A_369 : memref<1x2048xi32, #tpu.memory_space<vmem_shared>> -> memref<2048xi32, #tpu.memory_space<vmem_shared>>
      %dma_wait3A_371 = arith.constant 0 : i32
      %dma_wait3A_372 = tpu.memref_slice %arg22[%arg1, %dma_wait3A_371] : memref<16x2048xi32, #tpu.memory_space<vmem_shared>> -> memref<1x2048xi32, #tpu.memory_space<vmem_shared>>
      %dma_wait3A_373 = tpu.memref_squeeze %dma_wait3A_372 : memref<1x2048xi32, #tpu.memory_space<vmem_shared>> -> memref<2048xi32, #tpu.memory_space<vmem_shared>>
      %dma_wait3A_374 = arith.constant 0 : i32
      %dma_wait3A_375 = tpu.memref_slice %arg7[%dma_wait3A_374] : memref<2048xi32, #tpu.memory_space<vmem>> -> memref<2048xi32, #tpu.memory_space<vmem>>
      tpu.wait_dma2 semaphore(%run_scoped3A : memref<!tpu.dma_semaphore, #tpu.memory_space<semaphore_mem>>) src(%dma_wait3A_375 : memref<2048xi32, #tpu.memory_space<vmem>>) dst(%dma_wait3A_373 : memref<2048xi32, #tpu.memory_space<vmem_shared>>)
      tpu.yield
    }) : () -> ()
    %barrier3A_213 = arith.constant 0 : index
    tpu.barrier barrier_id(%barrier3A_213)
    %broadcast_in_dim3A_214 = arith.constant 0 : i32
    %broadcast_in_dim3A_215 = vector.broadcast %broadcast_in_dim3A_214 : i32 to vector<16xi32>
    %scan3A_216 = arith.constant 0 : i32
    %scan3A_217 = arith.constant 0 : i32
    %scan3A_218 = arith.constant 8 : i32
    %scan3A_219 = arith.addi %scan3A_217, %scan3A_218 : i32
    %scan3A_220 = arith.constant 1 : i32
    %scan3A_221 = scf.for %scan3A_358 = %scan3A_217 to %scan3A_219 step %scan3A_220 iter_args(%scan3A_359 = %scan3A_216) -> (i32)  : i32 {
      %mul3A_360 = arith.constant 16 : i32
      %mul3A_361 = arith.muli %scan3A_358, %mul3A_360 : i32
      %swap3A_362 = arith.index_cast %mul3A_361 : i32 to index
      %swap3A_363 = tpu.vector_load %arg10[%swap3A_362] {strides = array<i32>} : memref<128xi32, #tpu.memory_space<vmem>>, vector<16xi32>,
      tpu.vector_store %arg10[%swap3A_362], %broadcast_in_dim3A_215 {strides = array<i32>} : memref<128xi32, #tpu.memory_space<vmem>>, vector<16xi32>,
      %scan3A_364 = arith.constant 0 : i32
      scf.yield %scan3A_364 : i32
    }
    %scan3A_222 = arith.constant 8 : i32
    %scan3A_223 = arith.constant 0 : i32
    %scan3A_224 = arith.constant 0 : i32
    %scan3A_225 = arith.constant 16 : i32
    %scan3A_226 = arith.addi %scan3A_224, %scan3A_225 : i32
    %scan3A_227 = arith.constant 1 : i32
    %scan3A_228 = scf.for %scan3A_358 = %scan3A_224 to %scan3A_226 step %scan3A_227 iter_args(%scan3A_359 = %scan3A_223) -> (i32)  : i32 {
      %mul3A_360 = arith.constant 128 : i32
      %mul3A_361 = arith.muli %arg1, %mul3A_360 : i32
      "tpu.region"() ({
        %run_scoped3A = tpu.sem_alloc : memref<!tpu.dma_semaphore, #tpu.memory_space<semaphore_mem>>
        %dma_start3A = arith.constant 0 : i32
        %dma_start3A_419 = tpu.memref_slice %arg11[%dma_start3A] : memref<128xi32, #tpu.memory_space<vmem>> -> memref<128xi32, #tpu.memory_space<vmem>>
        %dma_start3A_420 = tpu.memref_slice %arg22[%scan3A_358, %mul3A_361] : memref<16x2048xi32, #tpu.memory_space<vmem_shared>> -> memref<1x128xi32, #tpu.memory_space<vmem_shared>>
        %dma_start3A_421 = tpu.memref_squeeze %dma_start3A_420 : memref<1x128xi32, #tpu.memory_space<vmem_shared>> -> memref<128xi32, #tpu.memory_space<vmem_shared>>
        %dma_start3A_422 = arith.constant 0 : i32
        %dma_start3A_423 = tpu.memref_slice %arg11[%dma_start3A_422] : memref<128xi32, #tpu.memory_space<vmem>> -> memref<128xi32, #tpu.memory_space<vmem>>
        %dma_start3A_424 = tpu.memref_slice %arg22[%scan3A_358, %mul3A_361] : memref<16x2048xi32, #tpu.memory_space<vmem_shared>> -> memref<1x128xi32, #tpu.memory_space<vmem_shared>>
        %dma_start3A_425 = tpu.memref_squeeze %dma_start3A_424 : memref<1x128xi32, #tpu.memory_space<vmem_shared>> -> memref<128xi32, #tpu.memory_space<vmem_shared>>
        tpu.enqueue_dma source(%dma_start3A_425 : memref<128xi32, #tpu.memory_space<vmem_shared>>) target(%dma_start3A_423 : memref<128xi32, #tpu.memory_space<vmem>>) target_semaphore(%run_scoped3A : memref<!tpu.dma_semaphore, #tpu.memory_space<semaphore_mem>>)
        %dma_wait3A = arith.constant 0 : i32
        %dma_wait3A_426 = tpu.memref_slice %arg11[%dma_wait3A] : memref<128xi32, #tpu.memory_space<vmem>> -> memref<128xi32, #tpu.memory_space<vmem>>
        %dma_wait3A_427 = tpu.memref_slice %arg22[%scan3A_358, %mul3A_361] : memref<16x2048xi32, #tpu.memory_space<vmem_shared>> -> memref<1x128xi32, #tpu.memory_space<vmem_shared>>
        %dma_wait3A_428 = tpu.memref_squeeze %dma_wait3A_427 : memref<1x128xi32, #tpu.memory_space<vmem_shared>> -> memref<128xi32, #tpu.memory_space<vmem_shared>>
        %dma_wait3A_429 = arith.constant 0 : i32
        %dma_wait3A_430 = tpu.memref_slice %arg11[%dma_wait3A_429] : memref<128xi32, #tpu.memory_space<vmem>> -> memref<128xi32, #tpu.memory_space<vmem>>
        %dma_wait3A_431 = tpu.memref_slice %arg22[%scan3A_358, %mul3A_361] : memref<16x2048xi32, #tpu.memory_space<vmem_shared>> -> memref<1x128xi32, #tpu.memory_space<vmem_shared>>
        %dma_wait3A_432 = tpu.memref_squeeze %dma_wait3A_431 : memref<1x128xi32, #tpu.memory_space<vmem_shared>> -> memref<128xi32, #tpu.memory_space<vmem_shared>>
        tpu.wait_dma2 semaphore(%run_scoped3A : memref<!tpu.dma_semaphore, #tpu.memory_space<semaphore_mem>>) src(%dma_wait3A_432 : memref<128xi32, #tpu.memory_space<vmem_shared>>) dst(%dma_wait3A_430 : memref<128xi32, #tpu.memory_space<vmem>>)
        tpu.yield
      }) : () -> ()
      %get3A_362 = arith.constant 0 : index
      %get3A_363 = tpu.vector_load %arg10[%get3A_362] {strides = array<i32>} : memref<128xi32, #tpu.memory_space<vmem>>, vector<16xi32>,
      %get3A_364 = arith.constant 0 : index
      %get3A_365 = tpu.vector_load %arg11[%get3A_364] {strides = array<i32>} : memref<128xi32, #tpu.memory_space<vmem>>, vector<16xi32>,
      %add3A_366 = arith.addi %get3A_363, %get3A_365 : vector<16xi32>
      %swap3A_367 = arith.constant 0 : index
      %swap3A_368 = tpu.vector_load %arg10[%swap3A_367] {strides = array<i32>} : memref<128xi32, #tpu.memory_space<vmem>>, vector<16xi32>,
      tpu.vector_store %arg10[%swap3A_367], %add3A_366 {strides = array<i32>} : memref<128xi32, #tpu.memory_space<vmem>>, vector<16xi32>,
      %get3A_369 = arith.constant 16 : index
      %get3A_370 = tpu.vector_load %arg10[%get3A_369] {strides = array<i32>} : memref<128xi32, #tpu.memory_space<vmem>>, vector<16xi32>,
      %get3A_371 = arith.constant 16 : index
      %get3A_372 = tpu.vector_load %arg11[%get3A_371] {strides = array<i32>} : memref<128xi32, #tpu.memory_space<vmem>>, vector<16xi32>,
      %add3A_373 = arith.addi %get3A_370, %get3A_372 : vector<16xi32>
      %swap3A_374 = arith.constant 16 : index
      %swap3A_375 = tpu.vector_load %arg10[%swap3A_374] {strides = array<i32>} : memref<128xi32, #tpu.memory_space<vmem>>, vector<16xi32>,
      tpu.vector_store %arg10[%swap3A_374], %add3A_373 {strides = array<i32>} : memref<128xi32, #tpu.memory_space<vmem>>, vector<16xi32>,
      %get3A_376 = arith.constant 32 : index
      %get3A_377 = tpu.vector_load %arg10[%get3A_376] {strides = array<i32>} : memref<128xi32, #tpu.memory_space<vmem>>, vector<16xi32>,
      %get3A_378 = arith.constant 32 : index
      %get3A_379 = tpu.vector_load %arg11[%get3A_378] {strides = array<i32>} : memref<128xi32, #tpu.memory_space<vmem>>, vector<16xi32>,
      %add3A_380 = arith.addi %get3A_377, %get3A_379 : vector<16xi32>
      %swap3A_381 = arith.constant 32 : index
      %swap3A_382 = tpu.vector_load %arg10[%swap3A_381] {strides = array<i32>} : memref<128xi32, #tpu.memory_space<vmem>>, vector<16xi32>,
      tpu.vector_store %arg10[%swap3A_381], %add3A_380 {strides = array<i32>} : memref<128xi32, #tpu.memory_space<vmem>>, vector<16xi32>,
      %get3A_383 = arith.constant 48 : index
      %get3A_384 = tpu.vector_load %arg10[%get3A_383] {strides = array<i32>} : memref<128xi32, #tpu.memory_space<vmem>>, vector<16xi32>,
      %get3A_385 = arith.constant 48 : index
      %get3A_386 = tpu.vector_load %arg11[%get3A_385] {strides = array<i32>} : memref<128xi32, #tpu.memory_space<vmem>>, vector<16xi32>,
      %add3A_387 = arith.addi %get3A_384, %get3A_386 : vector<16xi32>
      %swap3A_388 = arith.constant 48 : index
      %swap3A_389 = tpu.vector_load %arg10[%swap3A_388] {strides = array<i32>} : memref<128xi32, #tpu.memory_space<vmem>>, vector<16xi32>,
      tpu.vector_store %arg10[%swap3A_388], %add3A_387 {strides = array<i32>} : memref<128xi32, #tpu.memory_space<vmem>>, vector<16xi32>,
      %get3A_390 = arith.constant 64 : index
      %get3A_391 = tpu.vector_load %arg10[%get3A_390] {strides = array<i32>} : memref<128xi32, #tpu.memory_space<vmem>>, vector<16xi32>,
      %get3A_392 = arith.constant 64 : index
      %get3A_393 = tpu.vector_load %arg11[%get3A_392] {strides = array<i32>} : memref<128xi32, #tpu.memory_space<vmem>>, vector<16xi32>,
      %add3A_394 = arith.addi %get3A_391, %get3A_393 : vector<16xi32>
      %swap3A_395 = arith.constant 64 : index
      %swap3A_396 = tpu.vector_load %arg10[%swap3A_395] {strides = array<i32>} : memref<128xi32, #tpu.memory_space<vmem>>, vector<16xi32>,
      tpu.vector_store %arg10[%swap3A_395], %add3A_394 {strides = array<i32>} : memref<128xi32, #tpu.memory_space<vmem>>, vector<16xi32>,
      %get3A_397 = arith.constant 80 : index
      %get3A_398 = tpu.vector_load %arg10[%get3A_397] {strides = array<i32>} : memref<128xi32, #tpu.memory_space<vmem>>, vector<16xi32>,
      %get3A_399 = arith.constant 80 : index
      %get3A_400 = tpu.vector_load %arg11[%get3A_399] {strides = array<i32>} : memref<128xi32, #tpu.memory_space<vmem>>, vector<16xi32>,
      %add3A_401 = arith.addi %get3A_398, %get3A_400 : vector<16xi32>
      %swap3A_402 = arith.constant 80 : index
      %swap3A_403 = tpu.vector_load %arg10[%swap3A_402] {strides = array<i32>} : memref<128xi32, #tpu.memory_space<vmem>>, vector<16xi32>,
      tpu.vector_store %arg10[%swap3A_402], %add3A_401 {strides = array<i32>} : memref<128xi32, #tpu.memory_space<vmem>>, vector<16xi32>,
      %get3A_404 = arith.constant 96 : index
      %get3A_405 = tpu.vector_load %arg10[%get3A_404] {strides = array<i32>} : memref<128xi32, #tpu.memory_space<vmem>>, vector<16xi32>,
      %get3A_406 = arith.constant 96 : index
      %get3A_407 = tpu.vector_load %arg11[%get3A_406] {strides = array<i32>} : memref<128xi32, #tpu.memory_space<vmem>>, vector<16xi32>,
      %add3A_408 = arith.addi %get3A_405, %get3A_407 : vector<16xi32>
      %swap3A_409 = arith.constant 96 : index
      %swap3A_410 = tpu.vector_load %arg10[%swap3A_409] {strides = array<i32>} : memref<128xi32, #tpu.memory_space<vmem>>, vector<16xi32>,
      tpu.vector_store %arg10[%swap3A_409], %add3A_408 {strides = array<i32>} : memref<128xi32, #tpu.memory_space<vmem>>, vector<16xi32>,
      %get3A_411 = arith.constant 112 : index
      %get3A_412 = tpu.vector_load %arg10[%get3A_411] {strides = array<i32>} : memref<128xi32, #tpu.memory_space<vmem>>, vector<16xi32>,
      %get3A_413 = arith.constant 112 : index
      %get3A_414 = tpu.vector_load %arg11[%get3A_413] {strides = array<i32>} : memref<128xi32, #tpu.memory_space<vmem>>, vector<16xi32>,
      %add3A_415 = arith.addi %get3A_412, %get3A_414 : vector<16xi32>
      %swap3A_416 = arith.constant 112 : index
      %swap3A_417 = tpu.vector_load %arg10[%swap3A_416] {strides = array<i32>} : memref<128xi32, #tpu.memory_space<vmem>>, vector<16xi32>,
      tpu.vector_store %arg10[%swap3A_416], %add3A_415 {strides = array<i32>} : memref<128xi32, #tpu.memory_space<vmem>>, vector<16xi32>,
      %scan3A_418 = arith.constant 0 : i32
      scf.yield %scan3A_418 : i32
    }
    %scan3A_229 = arith.constant 16 : i32
    %mul3A_230 = arith.constant 128 : i32
    %mul3A_231 = arith.muli %arg1, %mul3A_230 : i32
    "tpu.region"() ({
      %run_scoped3A = tpu.sem_alloc : memref<!tpu.dma_semaphore, #tpu.memory_space<semaphore_mem>>
      %dma_start3A = arith.constant 0 : i32
      %dma_start3A_358 = tpu.memref_slice %arg10[%dma_start3A] : memref<128xi32, #tpu.memory_space<vmem>> -> memref<128xi32, #tpu.memory_space<vmem>>
      %dma_start3A_359 = tpu.memref_slice %arg23[%mul3A_231] : memref<2048xi32, #tpu.memory_space<vmem_shared>> -> memref<128xi32, #tpu.memory_space<vmem_shared>>
      %dma_start3A_360 = tpu.memref_slice %arg23[%mul3A_231] : memref<2048xi32, #tpu.memory_space<vmem_shared>> -> memref<128xi32, #tpu.memory_space<vmem_shared>>
      %dma_start3A_361 = arith.constant 0 : i32
      %dma_start3A_362 = tpu.memref_slice %arg10[%dma_start3A_361] : memref<128xi32, #tpu.memory_space<vmem>> -> memref<128xi32, #tpu.memory_space<vmem>>
      tpu.enqueue_dma source(%dma_start3A_362 : memref<128xi32, #tpu.memory_space<vmem>>) target(%dma_start3A_360 : memref<128xi32, #tpu.memory_space<vmem_shared>>) target_semaphore(%run_scoped3A : memref<!tpu.dma_semaphore, #tpu.memory_space<semaphore_mem>>)
      %dma_wait3A = arith.constant 0 : i32
      %dma_wait3A_363 = tpu.memref_slice %arg10[%dma_wait3A] : memref<128xi32, #tpu.memory_space<vmem>> -> memref<128xi32, #tpu.memory_space<vmem>>
      %dma_wait3A_364 = tpu.memref_slice %arg23[%mul3A_231] : memref<2048xi32, #tpu.memory_space<vmem_shared>> -> memref<128xi32, #tpu.memory_space<vmem_shared>>
      %dma_wait3A_365 = tpu.memref_slice %arg23[%mul3A_231] : memref<2048xi32, #tpu.memory_space<vmem_shared>> -> memref<128xi32, #tpu.memory_space<vmem_shared>>
      %dma_wait3A_366 = arith.constant 0 : i32
      %dma_wait3A_367 = tpu.memref_slice %arg10[%dma_wait3A_366] : memref<128xi32, #tpu.memory_space<vmem>> -> memref<128xi32, #tpu.memory_space<vmem>>
      tpu.wait_dma2 semaphore(%run_scoped3A : memref<!tpu.dma_semaphore, #tpu.memory_space<semaphore_mem>>) src(%dma_wait3A_367 : memref<128xi32, #tpu.memory_space<vmem>>) dst(%dma_wait3A_365 : memref<128xi32, #tpu.memory_space<vmem_shared>>)
      tpu.yield
    }) : () -> ()
    %barrier3A_232 = arith.constant 0 : index
    tpu.barrier barrier_id(%barrier3A_232)
    "tpu.region"() ({
      %run_scoped3A = tpu.sem_alloc : memref<!tpu.dma_semaphore, #tpu.memory_space<semaphore_mem>>
      %dma_start3A = arith.constant 0 : i32
      %dma_start3A_358 = tpu.memref_slice %arg8[%dma_start3A] : memref<2048xi32, #tpu.memory_space<vmem>> -> memref<2048xi32, #tpu.memory_space<vmem>>
      %dma_start3A_359 = arith.constant 0 : i32
      %dma_start3A_360 = tpu.memref_slice %arg23[%dma_start3A_359] : memref<2048xi32, #tpu.memory_space<vmem_shared>> -> memref<2048xi32, #tpu.memory_space<vmem_shared>>
      %dma_start3A_361 = arith.constant 0 : i32
      %dma_start3A_362 = tpu.memref_slice %arg8[%dma_start3A_361] : memref<2048xi32, #tpu.memory_space<vmem>> -> memref<2048xi32, #tpu.memory_space<vmem>>
      %dma_start3A_363 = arith.constant 0 : i32
      %dma_start3A_364 = tpu.memref_slice %arg23[%dma_start3A_363] : memref<2048xi32, #tpu.memory_space<vmem_shared>> -> memref<2048xi32, #tpu.memory_space<vmem_shared>>
      tpu.enqueue_dma source(%dma_start3A_364 : memref<2048xi32, #tpu.memory_space<vmem_shared>>) target(%dma_start3A_362 : memref<2048xi32, #tpu.memory_space<vmem>>) target_semaphore(%run_scoped3A : memref<!tpu.dma_semaphore, #tpu.memory_space<semaphore_mem>>)
      %dma_wait3A = arith.constant 0 : i32
      %dma_wait3A_365 = tpu.memref_slice %arg8[%dma_wait3A] : memref<2048xi32, #tpu.memory_space<vmem>> -> memref<2048xi32, #tpu.memory_space<vmem>>
      %dma_wait3A_366 = arith.constant 0 : i32
      %dma_wait3A_367 = tpu.memref_slice %arg23[%dma_wait3A_366] : memref<2048xi32, #tpu.memory_space<vmem_shared>> -> memref<2048xi32, #tpu.memory_space<vmem_shared>>
      %dma_wait3A_368 = arith.constant 0 : i32
      %dma_wait3A_369 = tpu.memref_slice %arg8[%dma_wait3A_368] : memref<2048xi32, #tpu.memory_space<vmem>> -> memref<2048xi32, #tpu.memory_space<vmem>>
      %dma_wait3A_370 = arith.constant 0 : i32
      %dma_wait3A_371 = tpu.memref_slice %arg23[%dma_wait3A_370] : memref<2048xi32, #tpu.memory_space<vmem_shared>> -> memref<2048xi32, #tpu.memory_space<vmem_shared>>
      tpu.wait_dma2 semaphore(%run_scoped3A : memref<!tpu.dma_semaphore, #tpu.memory_space<semaphore_mem>>) src(%dma_wait3A_371 : memref<2048xi32, #tpu.memory_space<vmem_shared>>) dst(%dma_wait3A_369 : memref<2048xi32, #tpu.memory_space<vmem>>)
      tpu.yield
    }) : () -> ()
    %scan3A_233 = arith.constant 0 : i32
    %scan3A_234 = arith.constant 0 : i32
    %scan3A_235 = arith.constant 128 : i32
    %scan3A_236 = arith.addi %scan3A_234, %scan3A_235 : i32
    %scan3A_237 = arith.constant 1 : i32
    %scan3A_238 = scf.for %scan3A_358 = %scan3A_234 to %scan3A_236 step %scan3A_237 iter_args(%scan3A_359 = %scan3A_233) -> (i32)  : i32 {
      %mul3A_360 = arith.constant 16 : i32
      %mul3A_361 = arith.muli %scan3A_358, %mul3A_360 : i32
      %get3A_362 = arith.index_cast %mul3A_361 : i32 to index
      %get3A_363 = tpu.vector_load %arg8[%get3A_362] {strides = array<i32>} : memref<2048xi32, #tpu.memory_space<vmem>>, vector<16xi32>,
      %reduce_sum3A_364 = arith.constant true
      %reduce_sum3A_365 = vector.broadcast %reduce_sum3A_364 : i1 to vector<16xi1>
      %reduce_sum3A_366 = tpu.scan <sum>, %get3A_363 masked %reduce_sum3A_365 : vector<16xi32>, vector<16xi1> -> vector<16xi32>
      %reduce_sum3A_367 = vector.extract %reduce_sum3A_366[15] : i32 from vector<16xi32>
      %swap3A_368 = arith.index_cast %scan3A_358 : i32 to index
      %swap3A_369 = memref.load %arg9[%swap3A_368] : memref<128xi32, #tpu.memory_space<smem>>
      memref.store %reduce_sum3A_367, %arg9[%swap3A_368] : memref<128xi32, #tpu.memory_space<smem>>
      %scan3A_370 = arith.constant 0 : i32
      scf.yield %scan3A_370 : i32
    }
    %scan3A_239 = arith.constant 128 : i32
    %scan3A_240 = arith.constant 0 : i32
    %scan3A_241 = arith.constant 0 : i32
    %scan3A_242 = arith.constant 0 : i32
    %scan3A_243 = arith.constant 0 : i32
    %scan3A_244 = arith.constant 0 : i32
    %scan3A_245 = arith.constant 128 : i32
    %scan3A_246 = arith.addi %scan3A_244, %scan3A_245 : i32
    %scan3A_247 = arith.constant 1 : i32
    %scan3A_248:4 = scf.for %scan3A_358 = %scan3A_244 to %scan3A_246 step %scan3A_247 iter_args(%scan3A_359 = %scan3A_240, %scan3A_360 = %scan3A_241, %scan3A_361 = %scan3A_242, %scan3A_362 = %scan3A_243) -> (i32, i32, i32, i32)  : i32 {
      %sub3A_363 = arith.constant 127 : i32
      %sub3A_364 = arith.subi %sub3A_363, %scan3A_358 : i32
      %get3A_365 = arith.index_cast %sub3A_364 : i32 to index
      %get3A_366 = memref.load %arg9[%get3A_365] : memref<128xi32, #tpu.memory_space<smem>>
      %eq3A_367 = arith.constant 0 : i32
      %eq3A_368 = arith.cmpi eq, %scan3A_362, %eq3A_367 : i32
      %add3A_369 = arith.addi %add3A_195, %scan3A_359 : i32
      %add3A_370 = arith.addi %add3A_369, %get3A_366 : i32
      %ge3A_371 = arith.constant 100 : i32
      %ge3A_372 = arith.cmpi sge, %add3A_370, %ge3A_371 : i32
      %jit3A_373 = arith.constant 1 : i32
      %jit3A_374 = arith.constant 0 : i32
      %select_n3A_375 = arith.select %ge3A_372, %jit3A_373, %jit3A_374 : i32
      %jit3A_376 = arith.constant 0 : i32
      %select_n3A_377 = arith.select %eq3A_368, %select_n3A_375, %jit3A_376 : i32
      %eq3A_378 = arith.constant 1 : i32
      %eq3A_379 = arith.cmpi eq, %select_n3A_377, %eq3A_378 : i32
      %select_n3A_380 = arith.select %eq3A_379, %sub3A_364, %scan3A_360 : i32
      %eq3A_381 = arith.constant 1 : i32
      %eq3A_382 = arith.cmpi eq, %select_n3A_377, %eq3A_381 : i32
      %select_n3A_383 = arith.select %eq3A_382, %scan3A_359, %scan3A_361 : i32
      %or3A_384 = arith.ori %scan3A_362, %select_n3A_377 : i32
      %add3A_385 = arith.addi %scan3A_359, %get3A_366 : i32
      scf.yield %add3A_385, %select_n3A_380, %select_n3A_383, %or3A_384 : i32, i32, i32, i32
    }
    %scan3A_249 = arith.constant 128 : i32
    %mul3A_250 = arith.constant 16 : i32
    %mul3A_251 = arith.muli %scan3A_248#1, %mul3A_250 : i32
    %get3A_252 = arith.index_cast %mul3A_251 : i32 to index
    %get3A_253 = tpu.vector_load %arg8[%get3A_252] {strides = array<i32>} : memref<2048xi32, #tpu.memory_space<vmem>>, vector<16xi32>,
    %broadcast_in_dim3A_254 = arith.constant true
    %broadcast_in_dim3A_255 = vector.broadcast %broadcast_in_dim3A_254 : i1 to vector<16xi1>
    %masked_cumsum3A_256 = tpu.scan <sum>, %get3A_253 masked %broadcast_in_dim3A_255 : vector<16xi32>, vector<16xi1> -> vector<16xi32>
    %reduce_sum3A_257 = arith.constant true
    %reduce_sum3A_258 = vector.broadcast %reduce_sum3A_257 : i1 to vector<16xi1>
    %reduce_sum3A_259 = tpu.scan <sum>, %get3A_253 masked %reduce_sum3A_258 : vector<16xi32>, vector<16xi1> -> vector<16xi32>
    %reduce_sum3A_260 = vector.extract %reduce_sum3A_259[15] : i32 from vector<16xi32>
    %sub3A_261 = vector.broadcast %reduce_sum3A_260 : i32 to vector<16xi32>
    %sub3A_262 = arith.subi %sub3A_261, %masked_cumsum3A_256 : vector<16xi32>
    %add3A_263 = arith.addi %sub3A_262, %get3A_253 : vector<16xi32>
    %add3A_264 = arith.addi %add3A_195, %scan3A_248#2 : i32
    %add3A_265 = vector.broadcast %add3A_264 : i32 to vector<16xi32>
    %add3A_266 = arith.addi %add3A_265, %add3A_263 : vector<16xi32>
    %ge3A_267 = arith.constant 100 : i32
    %ge3A_268 = vector.broadcast %ge3A_267 : i32 to vector<16xi32>
    %ge3A_269 = arith.cmpi sge, %add3A_266, %ge3A_268 : vector<16xi32>
    %jit3A_270 = arith.constant -1 : i32
    %broadcast_in_dim3A_271 = vector.broadcast %jit3A_270 : i32 to vector<16xi32>
    %select_n3A_272 = arith.select %ge3A_269, %iota3A, %broadcast_in_dim3A_271 : vector<16xi1>, vector<16xi32>
    %reduce_max3A_273 = arith.constant true
    %reduce_max3A_274 = vector.broadcast %reduce_max3A_273 : i1 to vector<16xi1>
    %reduce_max3A_275 = arith.constant -2147483648 : i32
    %reduce_max3A_276 = vector.broadcast %reduce_max3A_275 : i32 to vector<16xi32>
    %reduce_max3A_277 = arith.xori %select_n3A_272, %reduce_max3A_276 : vector<16xi32>
    %reduce_max3A_278 = tpu.scan <max>, %reduce_max3A_277 masked %reduce_max3A_274 : vector<16xi32>, vector<16xi1> -> vector<16xi32>
    %reduce_max3A_279 = arith.xori %reduce_max3A_278, %reduce_max3A_276 : vector<16xi32>
    %reduce_max3A_280 = vector.extract %reduce_max3A_279[15] : i32 from vector<16xi32>
    %gt3A_281 = vector.broadcast %reduce_max3A_280 : i32 to vector<16xi32>
    %gt3A_282 = arith.cmpi sgt, %iota3A, %gt3A_281 : vector<16xi32>
    %jit3A_283 = arith.constant 0 : i32
    %broadcast_in_dim3A_284 = vector.broadcast %jit3A_283 : i32 to vector<16xi32>
    %select_n3A_285 = arith.select %gt3A_282, %get3A_253, %broadcast_in_dim3A_284 : vector<16xi1>, vector<16xi32>
    %reduce_sum3A_286 = arith.constant true
    %reduce_sum3A_287 = vector.broadcast %reduce_sum3A_286 : i1 to vector<16xi1>
    %reduce_sum3A_288 = tpu.scan <sum>, %select_n3A_285 masked %reduce_sum3A_287 : vector<16xi32>, vector<16xi1> -> vector<16xi32>
    %reduce_sum3A_289 = vector.extract %reduce_sum3A_288[15] : i32 from vector<16xi32>
    %mul3A_290 = arith.constant 16 : i32
    %mul3A_291 = arith.muli %scan3A_248#1, %mul3A_290 : i32
    %add3A_292 = arith.addi %mul3A_291, %reduce_max3A_280 : i32
    %add3A_293 = arith.addi %add3A_195, %scan3A_248#2 : i32
    %add3A_294 = arith.addi %add3A_293, %reduce_sum3A_289 : i32
    %shift_left3A_295 = arith.constant 22 : i32
    %shift_left3A_296 = arith.shli %add3A_94, %shift_left3A_295 : i32
    %shift_left3A_297 = arith.constant 11 : i32
    %shift_left3A_298 = arith.shli %add3A_193, %shift_left3A_297 : i32
    %or3A_299 = arith.ori %shift_left3A_296, %shift_left3A_298 : i32
    %or3A_300 = arith.ori %or3A_299, %add3A_292 : i32
    %xor3A = arith.constant -2147483648 : i32
    %xor3A_301 = arith.xori %or3A_300, %xor3A : i32
    %sub3A_302 = arith.constant 100 : i32
    %sub3A_303 = arith.subi %sub3A_302, %add3A_294 : i32
    %scan3A_304 = arith.constant 0 : i32
    %scan3A_305 = arith.constant 0 : i32
    %scan3A_306 = arith.constant 0 : i32
    %scan3A_307 = arith.constant 1984 : i32
    %scan3A_308 = arith.addi %scan3A_306, %scan3A_307 : i32
    %scan3A_309 = arith.constant 8 : i32
    %scan3A_310:2 = scf.for %scan3A_358 = %scan3A_306 to %scan3A_308 step %scan3A_309 iter_args(%scan3A_359 = %scan3A_304, %scan3A_360 = %scan3A_305) -> (i32, i32)  : i32 {
      %mul3A_361 = arith.constant 16 : i32
      %mul3A_362 = arith.muli %scan3A_358, %mul3A_361 : i32
      %get3A_363 = arith.index_cast %mul3A_362 : i32 to index
      %get3A_364 = tpu.vector_load %arg6[%get3A_363] {strides = array<i32>} : memref<31744xi32, #tpu.memory_space<vmem>>, vector<16xi32>,
      %xor3A_365 = arith.constant -2147483648 : i32
      %xor3A_366 = vector.broadcast %xor3A_365 : i32 to vector<16xi32>
      %xor3A_367 = arith.xori %get3A_364, %xor3A_366 : vector<16xi32>
      %mul3A_368 = arith.constant 16 : i32
      %mul3A_369 = arith.muli %scan3A_358, %mul3A_368 : i32
      %add3A_370 = arith.addi %add3A, %mul3A_369 : i32
      %add3A_371 = vector.broadcast %add3A_370 : i32 to vector<16xi32>
      %add3A_372 = arith.addi %add3A_371, %iota3A : vector<16xi32>
      %lt3A = arith.cmpi slt, %scan3A_358, %select_n3A : i32
      %gt3A_373 = vector.broadcast %xor3A_301 : i32 to vector<16xi32>
      %gt3A_374 = arith.cmpi sgt, %xor3A_367, %gt3A_373 : vector<16xi32>
      %and3A_375 = vector.broadcast %lt3A : i1 to vector<16xi1>
      %and3A_376 = arith.andi %gt3A_374, %and3A_375 : vector<16xi1>
      %convert_element_type3A_377 = arith.extui %and3A_376 : vector<16xi1> to vector<16xi32>
      %broadcast_in_dim3A_378 = arith.constant true
      %broadcast_in_dim3A_379 = vector.broadcast %broadcast_in_dim3A_378 : i1 to vector<16xi1>
      %masked_cumsum3A_380 = tpu.scan <sum>, %convert_element_type3A_377 masked %broadcast_in_dim3A_379 : vector<16xi32>, vector<16xi1> -> vector<16xi32>
      %add3A_381 = vector.broadcast %scan3A_359 : i32 to vector<16xi32>
      %add3A_382 = arith.addi %add3A_381, %masked_cumsum3A_380 : vector<16xi32>
      %sub3A_383 = arith.constant 1 : i32
      %sub3A_384 = vector.broadcast %sub3A_383 : i32 to vector<16xi32>
      %sub3A_385 = arith.subi %add3A_382, %sub3A_384 : vector<16xi32>
      %ge3A_386 = arith.constant 0 : i32
      %ge3A_387 = vector.broadcast %ge3A_386 : i32 to vector<16xi32>
      %ge3A_388 = arith.cmpi sge, %sub3A_385, %ge3A_387 : vector<16xi32>
      %lt3A_389 = arith.constant 128 : i32
      %lt3A_390 = vector.broadcast %lt3A_389 : i32 to vector<16xi32>
      %lt3A_391 = arith.cmpi slt, %sub3A_385, %lt3A_390 : vector<16xi32>
      %and3A_392 = arith.andi %ge3A_388, %lt3A_391 : vector<16xi1>
      %and3A_393 = arith.andi %and3A_376, %and3A_392 : vector<16xi1>
      tpu.vector_store_idx %arg12[%sub3A_385], %xor3A_367 masked %and3A_393 : memref<128xi32, #tpu.memory_space<vmem>>[vector<16xi32>], vector<16xi32>, vector<16xi1>
      tpu.vector_store_idx %arg13[%sub3A_385], %add3A_372 masked %and3A_393 : memref<128xi32, #tpu.memory_space<vmem>>[vector<16xi32>], vector<16xi32>, vector<16xi1>
      %convert_element_type3A_394 = arith.extui %and3A_376 : vector<16xi1> to vector<16xi32>
      %reduce_sum3A_395 = arith.constant true
      %reduce_sum3A_396 = vector.broadcast %reduce_sum3A_395 : i1 to vector<16xi1>
      %reduce_sum3A_397 = tpu.scan <sum>, %convert_element_type3A_394 masked %reduce_sum3A_396 : vector<16xi32>, vector<16xi1> -> vector<16xi32>
      %reduce_sum3A_398 = vector.extract %reduce_sum3A_397[15] : i32 from vector<16xi32>
      %add3A_399 = arith.addi %scan3A_359, %reduce_sum3A_398 : i32
      %eq3A_400 = vector.broadcast %xor3A_301 : i32 to vector<16xi32>
      %eq3A_401 = arith.cmpi eq, %xor3A_367, %eq3A_400 : vector<16xi32>
      %and3A_402 = vector.broadcast %lt3A : i1 to vector<16xi1>
      %and3A_403 = arith.andi %eq3A_401, %and3A_402 : vector<16xi1>
      %convert_element_type3A_404 = arith.extui %and3A_403 : vector<16xi1> to vector<16xi32>
      %broadcast_in_dim3A_405 = arith.constant true
      %broadcast_in_dim3A_406 = vector.broadcast %broadcast_in_dim3A_405 : i1 to vector<16xi1>
      %masked_cumsum3A_407 = tpu.scan <sum>, %convert_element_type3A_404 masked %broadcast_in_dim3A_406 : vector<16xi32>, vector<16xi1> -> vector<16xi32>
      %add3A_408 = vector.broadcast %scan3A_360 : i32 to vector<16xi32>
      %add3A_409 = arith.addi %add3A_408, %masked_cumsum3A_407 : vector<16xi32>
      %sub3A_410 = arith.constant 1 : i32
      %sub3A_411 = vector.broadcast %sub3A_410 : i32 to vector<16xi32>
      %sub3A_412 = arith.subi %add3A_409, %sub3A_411 : vector<16xi32>
      %ge3A_413 = arith.constant 0 : i32
      %ge3A_414 = vector.broadcast %ge3A_413 : i32 to vector<16xi32>
      %ge3A_415 = arith.cmpi sge, %sub3A_412, %ge3A_414 : vector<16xi32>
      %lt3A_416 = arith.constant 128 : i32
      %lt3A_417 = vector.broadcast %lt3A_416 : i32 to vector<16xi32>
      %lt3A_418 = arith.cmpi slt, %sub3A_412, %lt3A_417 : vector<16xi32>
      %and3A_419 = arith.andi %ge3A_415, %lt3A_418 : vector<16xi1>
      %and3A_420 = arith.andi %and3A_403, %and3A_419 : vector<16xi1>
      tpu.vector_store_idx %arg14[%sub3A_412], %add3A_372 masked %and3A_420 : memref<128xi32, #tpu.memory_space<vmem>>[vector<16xi32>], vector<16xi32>, vector<16xi1>
      %convert_element_type3A_421 = arith.extui %and3A_403 : vector<16xi1> to vector<16xi32>
      %reduce_sum3A_422 = arith.constant true
      %reduce_sum3A_423 = vector.broadcast %reduce_sum3A_422 : i1 to vector<16xi1>
      %reduce_sum3A_424 = tpu.scan <sum>, %convert_element_type3A_421 masked %reduce_sum3A_423 : vector<16xi32>, vector<16xi1> -> vector<16xi32>
      %reduce_sum3A_425 = vector.extract %reduce_sum3A_424[15] : i32 from vector<16xi32>
      %add3A_426 = arith.addi %scan3A_360, %reduce_sum3A_425 : i32
      %scan3A_427 = arith.constant 1 : i32
      %scan3A_428 = arith.addi %scan3A_358, %scan3A_427 : i32
      %mul3A_429 = arith.constant 16 : i32
      %mul3A_430 = arith.muli %scan3A_428, %mul3A_429 : i32
      %get3A_431 = arith.index_cast %mul3A_430 : i32 to index
      %get3A_432 = tpu.vector_load %arg6[%get3A_431] {strides = array<i32>} : memref<31744xi32, #tpu.memory_space<vmem>>, vector<16xi32>,
      %xor3A_433 = arith.constant -2147483648 : i32
      %xor3A_434 = vector.broadcast %xor3A_433 : i32 to vector<16xi32>
      %xor3A_435 = arith.xori %get3A_432, %xor3A_434 : vector<16xi32>
      %mul3A_436 = arith.constant 16 : i32
      %mul3A_437 = arith.muli %scan3A_428, %mul3A_436 : i32
      %add3A_438 = arith.addi %add3A, %mul3A_437 : i32
      %add3A_439 = vector.broadcast %add3A_438 : i32 to vector<16xi32>
      %add3A_440 = arith.addi %add3A_439, %iota3A : vector<16xi32>
      %lt3A_441 = arith.cmpi slt, %scan3A_428, %select_n3A : i32
      %gt3A_442 = vector.broadcast %xor3A_301 : i32 to vector<16xi32>
      %gt3A_443 = arith.cmpi sgt, %xor3A_435, %gt3A_442 : vector<16xi32>
      %and3A_444 = vector.broadcast %lt3A_441 : i1 to vector<16xi1>
      %and3A_445 = arith.andi %gt3A_443, %and3A_444 : vector<16xi1>
      %convert_element_type3A_446 = arith.extui %and3A_445 : vector<16xi1> to vector<16xi32>
      %broadcast_in_dim3A_447 = arith.constant true
      %broadcast_in_dim3A_448 = vector.broadcast %broadcast_in_dim3A_447 : i1 to vector<16xi1>
      %masked_cumsum3A_449 = tpu.scan <sum>, %convert_element_type3A_446 masked %broadcast_in_dim3A_448 : vector<16xi32>, vector<16xi1> -> vector<16xi32>
      %add3A_450 = vector.broadcast %add3A_399 : i32 to vector<16xi32>
      %add3A_451 = arith.addi %add3A_450, %masked_cumsum3A_449 : vector<16xi32>
      %sub3A_452 = arith.constant 1 : i32
      %sub3A_453 = vector.broadcast %sub3A_452 : i32 to vector<16xi32>
      %sub3A_454 = arith.subi %add3A_451, %sub3A_453 : vector<16xi32>
      %ge3A_455 = arith.constant 0 : i32
      %ge3A_456 = vector.broadcast %ge3A_455 : i32 to vector<16xi32>
      %ge3A_457 = arith.cmpi sge, %sub3A_454, %ge3A_456 : vector<16xi32>
      %lt3A_458 = arith.constant 128 : i32
      %lt3A_459 = vector.broadcast %lt3A_458 : i32 to vector<16xi32>
      %lt3A_460 = arith.cmpi slt, %sub3A_454, %lt3A_459 : vector<16xi32>
      %and3A_461 = arith.andi %ge3A_457, %lt3A_460 : vector<16xi1>
      %and3A_462 = arith.andi %and3A_445, %and3A_461 : vector<16xi1>
      tpu.vector_store_idx %arg12[%sub3A_454], %xor3A_435 masked %and3A_462 : memref<128xi32, #tpu.memory_space<vmem>>[vector<16xi32>], vector<16xi32>, vector<16xi1>
      tpu.vector_store_idx %arg13[%sub3A_454], %add3A_440 masked %and3A_462 : memref<128xi32, #tpu.memory_space<vmem>>[vector<16xi32>], vector<16xi32>, vector<16xi1>
      %convert_element_type3A_463 = arith.extui %and3A_445 : vector<16xi1> to vector<16xi32>
      %reduce_sum3A_464 = arith.constant true
      %reduce_sum3A_465 = vector.broadcast %reduce_sum3A_464 : i1 to vector<16xi1>
      %reduce_sum3A_466 = tpu.scan <sum>, %convert_element_type3A_463 masked %reduce_sum3A_465 : vector<16xi32>, vector<16xi1> -> vector<16xi32>
      %reduce_sum3A_467 = vector.extract %reduce_sum3A_466[15] : i32 from vector<16xi32>
      %add3A_468 = arith.addi %add3A_399, %reduce_sum3A_467 : i32
      %eq3A_469 = vector.broadcast %xor3A_301 : i32 to vector<16xi32>
      %eq3A_470 = arith.cmpi eq, %xor3A_435, %eq3A_469 : vector<16xi32>
      %and3A_471 = vector.broadcast %lt3A_441 : i1 to vector<16xi1>
      %and3A_472 = arith.andi %eq3A_470, %and3A_471 : vector<16xi1>
      %convert_element_type3A_473 = arith.extui %and3A_472 : vector<16xi1> to vector<16xi32>
      %broadcast_in_dim3A_474 = arith.constant true
      %broadcast_in_dim3A_475 = vector.broadcast %broadcast_in_dim3A_474 : i1 to vector<16xi1>
      %masked_cumsum3A_476 = tpu.scan <sum>, %convert_element_type3A_473 masked %broadcast_in_dim3A_475 : vector<16xi32>, vector<16xi1> -> vector<16xi32>
      %add3A_477 = vector.broadcast %add3A_426 : i32 to vector<16xi32>
      %add3A_478 = arith.addi %add3A_477, %masked_cumsum3A_476 : vector<16xi32>
      %sub3A_479 = arith.constant 1 : i32
      %sub3A_480 = vector.broadcast %sub3A_479 : i32 to vector<16xi32>
      %sub3A_481 = arith.subi %add3A_478, %sub3A_480 : vector<16xi32>
      %ge3A_482 = arith.constant 0 : i32
      %ge3A_483 = vector.broadcast %ge3A_482 : i32 to vector<16xi32>
      %ge3A_484 = arith.cmpi sge, %sub3A_481, %ge3A_483 : vector<16xi32>
      %lt3A_485 = arith.constant 128 : i32
      %lt3A_486 = vector.broadcast %lt3A_485 : i32 to vector<16xi32>
      %lt3A_487 = arith.cmpi slt, %sub3A_481, %lt3A_486 : vector<16xi32>
      %and3A_488 = arith.andi %ge3A_484, %lt3A_487 : vector<16xi1>
      %and3A_489 = arith.andi %and3A_472, %and3A_488 : vector<16xi1>
      tpu.vector_store_idx %arg14[%sub3A_481], %add3A_440 masked %and3A_489 : memref<128xi32, #tpu.memory_space<vmem>>[vector<16xi32>], vector<16xi32>, vector<16xi1>
      %convert_element_type3A_490 = arith.extui %and3A_472 : vector<16xi1> to vector<16xi32>
      %reduce_sum3A_491 = arith.constant true
      %reduce_sum3A_492 = vector.broadcast %reduce_sum3A_491 : i1 to vector<16xi1>
      %reduce_sum3A_493 = tpu.scan <sum>, %convert_element_type3A_490 masked %reduce_sum3A_492 : vector<16xi32>, vector<16xi1> -> vector<16xi32>
      %reduce_sum3A_494 = vector.extract %reduce_sum3A_493[15] : i32 from vector<16xi32>
      %add3A_495 = arith.addi %add3A_426, %reduce_sum3A_494 : i32
      %scan3A_496 = arith.constant 2 : i32
      %scan3A_497 = arith.addi %scan3A_358, %scan3A_496 : i32
      %mul3A_498 = arith.constant 16 : i32
      %mul3A_499 = arith.muli %scan3A_497, %mul3A_498 : i32
      %get3A_500 = arith.index_cast %mul3A_499 : i32 to index
      %get3A_501 = tpu.vector_load %arg6[%get3A_500] {strides = array<i32>} : memref<31744xi32, #tpu.memory_space<vmem>>, vector<16xi32>,
      %xor3A_502 = arith.constant -2147483648 : i32
      %xor3A_503 = vector.broadcast %xor3A_502 : i32 to vector<16xi32>
      %xor3A_504 = arith.xori %get3A_501, %xor3A_503 : vector<16xi32>
      %mul3A_505 = arith.constant 16 : i32
      %mul3A_506 = arith.muli %scan3A_497, %mul3A_505 : i32
      %add3A_507 = arith.addi %add3A, %mul3A_506 : i32
      %add3A_508 = vector.broadcast %add3A_507 : i32 to vector<16xi32>
      %add3A_509 = arith.addi %add3A_508, %iota3A : vector<16xi32>
      %lt3A_510 = arith.cmpi slt, %scan3A_497, %select_n3A : i32
      %gt3A_511 = vector.broadcast %xor3A_301 : i32 to vector<16xi32>
      %gt3A_512 = arith.cmpi sgt, %xor3A_504, %gt3A_511 : vector<16xi32>
      %and3A_513 = vector.broadcast %lt3A_510 : i1 to vector<16xi1>
      %and3A_514 = arith.andi %gt3A_512, %and3A_513 : vector<16xi1>
      %convert_element_type3A_515 = arith.extui %and3A_514 : vector<16xi1> to vector<16xi32>
      %broadcast_in_dim3A_516 = arith.constant true
      %broadcast_in_dim3A_517 = vector.broadcast %broadcast_in_dim3A_516 : i1 to vector<16xi1>
      %masked_cumsum3A_518 = tpu.scan <sum>, %convert_element_type3A_515 masked %broadcast_in_dim3A_517 : vector<16xi32>, vector<16xi1> -> vector<16xi32>
      %add3A_519 = vector.broadcast %add3A_468 : i32 to vector<16xi32>
      %add3A_520 = arith.addi %add3A_519, %masked_cumsum3A_518 : vector<16xi32>
      %sub3A_521 = arith.constant 1 : i32
      %sub3A_522 = vector.broadcast %sub3A_521 : i32 to vector<16xi32>
      %sub3A_523 = arith.subi %add3A_520, %sub3A_522 : vector<16xi32>
      %ge3A_524 = arith.constant 0 : i32
      %ge3A_525 = vector.broadcast %ge3A_524 : i32 to vector<16xi32>
      %ge3A_526 = arith.cmpi sge, %sub3A_523, %ge3A_525 : vector<16xi32>
      %lt3A_527 = arith.constant 128 : i32
      %lt3A_528 = vector.broadcast %lt3A_527 : i32 to vector<16xi32>
      %lt3A_529 = arith.cmpi slt, %sub3A_523, %lt3A_528 : vector<16xi32>
      %and3A_530 = arith.andi %ge3A_526, %lt3A_529 : vector<16xi1>
      %and3A_531 = arith.andi %and3A_514, %and3A_530 : vector<16xi1>
      tpu.vector_store_idx %arg12[%sub3A_523], %xor3A_504 masked %and3A_531 : memref<128xi32, #tpu.memory_space<vmem>>[vector<16xi32>], vector<16xi32>, vector<16xi1>
      tpu.vector_store_idx %arg13[%sub3A_523], %add3A_509 masked %and3A_531 : memref<128xi32, #tpu.memory_space<vmem>>[vector<16xi32>], vector<16xi32>, vector<16xi1>
      %convert_element_type3A_532 = arith.extui %and3A_514 : vector<16xi1> to vector<16xi32>
      %reduce_sum3A_533 = arith.constant true
      %reduce_sum3A_534 = vector.broadcast %reduce_sum3A_533 : i1 to vector<16xi1>
      %reduce_sum3A_535 = tpu.scan <sum>, %convert_element_type3A_532 masked %reduce_sum3A_534 : vector<16xi32>, vector<16xi1> -> vector<16xi32>
      %reduce_sum3A_536 = vector.extract %reduce_sum3A_535[15] : i32 from vector<16xi32>
      %add3A_537 = arith.addi %add3A_468, %reduce_sum3A_536 : i32
      %eq3A_538 = vector.broadcast %xor3A_301 : i32 to vector<16xi32>
      %eq3A_539 = arith.cmpi eq, %xor3A_504, %eq3A_538 : vector<16xi32>
      %and3A_540 = vector.broadcast %lt3A_510 : i1 to vector<16xi1>
      %and3A_541 = arith.andi %eq3A_539, %and3A_540 : vector<16xi1>
      %convert_element_type3A_542 = arith.extui %and3A_541 : vector<16xi1> to vector<16xi32>
      %broadcast_in_dim3A_543 = arith.constant true
      %broadcast_in_dim3A_544 = vector.broadcast %broadcast_in_dim3A_543 : i1 to vector<16xi1>
      %masked_cumsum3A_545 = tpu.scan <sum>, %convert_element_type3A_542 masked %broadcast_in_dim3A_544 : vector<16xi32>, vector<16xi1> -> vector<16xi32>
      %add3A_546 = vector.broadcast %add3A_495 : i32 to vector<16xi32>
      %add3A_547 = arith.addi %add3A_546, %masked_cumsum3A_545 : vector<16xi32>
      %sub3A_548 = arith.constant 1 : i32
      %sub3A_549 = vector.broadcast %sub3A_548 : i32 to vector<16xi32>
      %sub3A_550 = arith.subi %add3A_547, %sub3A_549 : vector<16xi32>
      %ge3A_551 = arith.constant 0 : i32
      %ge3A_552 = vector.broadcast %ge3A_551 : i32 to vector<16xi32>
      %ge3A_553 = arith.cmpi sge, %sub3A_550, %ge3A_552 : vector<16xi32>
      %lt3A_554 = arith.constant 128 : i32
      %lt3A_555 = vector.broadcast %lt3A_554 : i32 to vector<16xi32>
      %lt3A_556 = arith.cmpi slt, %sub3A_550, %lt3A_555 : vector<16xi32>
      %and3A_557 = arith.andi %ge3A_553, %lt3A_556 : vector<16xi1>
      %and3A_558 = arith.andi %and3A_541, %and3A_557 : vector<16xi1>
      tpu.vector_store_idx %arg14[%sub3A_550], %add3A_509 masked %and3A_558 : memref<128xi32, #tpu.memory_space<vmem>>[vector<16xi32>], vector<16xi32>, vector<16xi1>
      %convert_element_type3A_559 = arith.extui %and3A_541 : vector<16xi1> to vector<16xi32>
      %reduce_sum3A_560 = arith.constant true
      %reduce_sum3A_561 = vector.broadcast %reduce_sum3A_560 : i1 to vector<16xi1>
      %reduce_sum3A_562 = tpu.scan <sum>, %convert_element_type3A_559 masked %reduce_sum3A_561 : vector<16xi32>, vector<16xi1> -> vector<16xi32>
      %reduce_sum3A_563 = vector.extract %reduce_sum3A_562[15] : i32 from vector<16xi32>
      %add3A_564 = arith.addi %add3A_495, %reduce_sum3A_563 : i32
      %scan3A_565 = arith.constant 3 : i32
      %scan3A_566 = arith.addi %scan3A_358, %scan3A_565 : i32
      %mul3A_567 = arith.constant 16 : i32
      %mul3A_568 = arith.muli %scan3A_566, %mul3A_567 : i32
      %get3A_569 = arith.index_cast %mul3A_568 : i32 to index
      %get3A_570 = tpu.vector_load %arg6[%get3A_569] {strides = array<i32>} : memref<31744xi32, #tpu.memory_space<vmem>>, vector<16xi32>,
      %xor3A_571 = arith.constant -2147483648 : i32
      %xor3A_572 = vector.broadcast %xor3A_571 : i32 to vector<16xi32>
      %xor3A_573 = arith.xori %get3A_570, %xor3A_572 : vector<16xi32>
      %mul3A_574 = arith.constant 16 : i32
      %mul3A_575 = arith.muli %scan3A_566, %mul3A_574 : i32
      %add3A_576 = arith.addi %add3A, %mul3A_575 : i32
      %add3A_577 = vector.broadcast %add3A_576 : i32 to vector<16xi32>
      %add3A_578 = arith.addi %add3A_577, %iota3A : vector<16xi32>
      %lt3A_579 = arith.cmpi slt, %scan3A_566, %select_n3A : i32
      %gt3A_580 = vector.broadcast %xor3A_301 : i32 to vector<16xi32>
      %gt3A_581 = arith.cmpi sgt, %xor3A_573, %gt3A_580 : vector<16xi32>
      %and3A_582 = vector.broadcast %lt3A_579 : i1 to vector<16xi1>
      %and3A_583 = arith.andi %gt3A_581, %and3A_582 : vector<16xi1>
      %convert_element_type3A_584 = arith.extui %and3A_583 : vector<16xi1> to vector<16xi32>
      %broadcast_in_dim3A_585 = arith.constant true
      %broadcast_in_dim3A_586 = vector.broadcast %broadcast_in_dim3A_585 : i1 to vector<16xi1>
      %masked_cumsum3A_587 = tpu.scan <sum>, %convert_element_type3A_584 masked %broadcast_in_dim3A_586 : vector<16xi32>, vector<16xi1> -> vector<16xi32>
      %add3A_588 = vector.broadcast %add3A_537 : i32 to vector<16xi32>
      %add3A_589 = arith.addi %add3A_588, %masked_cumsum3A_587 : vector<16xi32>
      %sub3A_590 = arith.constant 1 : i32
      %sub3A_591 = vector.broadcast %sub3A_590 : i32 to vector<16xi32>
      %sub3A_592 = arith.subi %add3A_589, %sub3A_591 : vector<16xi32>
      %ge3A_593 = arith.constant 0 : i32
      %ge3A_594 = vector.broadcast %ge3A_593 : i32 to vector<16xi32>
      %ge3A_595 = arith.cmpi sge, %sub3A_592, %ge3A_594 : vector<16xi32>
      %lt3A_596 = arith.constant 128 : i32
      %lt3A_597 = vector.broadcast %lt3A_596 : i32 to vector<16xi32>
      %lt3A_598 = arith.cmpi slt, %sub3A_592, %lt3A_597 : vector<16xi32>
      %and3A_599 = arith.andi %ge3A_595, %lt3A_598 : vector<16xi1>
      %and3A_600 = arith.andi %and3A_583, %and3A_599 : vector<16xi1>
      tpu.vector_store_idx %arg12[%sub3A_592], %xor3A_573 masked %and3A_600 : memref<128xi32, #tpu.memory_space<vmem>>[vector<16xi32>], vector<16xi32>, vector<16xi1>
      tpu.vector_store_idx %arg13[%sub3A_592], %add3A_578 masked %and3A_600 : memref<128xi32, #tpu.memory_space<vmem>>[vector<16xi32>], vector<16xi32>, vector<16xi1>
      %convert_element_type3A_601 = arith.extui %and3A_583 : vector<16xi1> to vector<16xi32>
      %reduce_sum3A_602 = arith.constant true
      %reduce_sum3A_603 = vector.broadcast %reduce_sum3A_602 : i1 to vector<16xi1>
      %reduce_sum3A_604 = tpu.scan <sum>, %convert_element_type3A_601 masked %reduce_sum3A_603 : vector<16xi32>, vector<16xi1> -> vector<16xi32>
      %reduce_sum3A_605 = vector.extract %reduce_sum3A_604[15] : i32 from vector<16xi32>
      %add3A_606 = arith.addi %add3A_537, %reduce_sum3A_605 : i32
      %eq3A_607 = vector.broadcast %xor3A_301 : i32 to vector<16xi32>
      %eq3A_608 = arith.cmpi eq, %xor3A_573, %eq3A_607 : vector<16xi32>
      %and3A_609 = vector.broadcast %lt3A_579 : i1 to vector<16xi1>
      %and3A_610 = arith.andi %eq3A_608, %and3A_609 : vector<16xi1>
      %convert_element_type3A_611 = arith.extui %and3A_610 : vector<16xi1> to vector<16xi32>
      %broadcast_in_dim3A_612 = arith.constant true
      %broadcast_in_dim3A_613 = vector.broadcast %broadcast_in_dim3A_612 : i1 to vector<16xi1>
      %masked_cumsum3A_614 = tpu.scan <sum>, %convert_element_type3A_611 masked %broadcast_in_dim3A_613 : vector<16xi32>, vector<16xi1> -> vector<16xi32>
      %add3A_615 = vector.broadcast %add3A_564 : i32 to vector<16xi32>
      %add3A_616 = arith.addi %add3A_615, %masked_cumsum3A_614 : vector<16xi32>
      %sub3A_617 = arith.constant 1 : i32
      %sub3A_618 = vector.broadcast %sub3A_617 : i32 to vector<16xi32>
      %sub3A_619 = arith.subi %add3A_616, %sub3A_618 : vector<16xi32>
      %ge3A_620 = arith.constant 0 : i32
      %ge3A_621 = vector.broadcast %ge3A_620 : i32 to vector<16xi32>
      %ge3A_622 = arith.cmpi sge, %sub3A_619, %ge3A_621 : vector<16xi32>
      %lt3A_623 = arith.constant 128 : i32
      %lt3A_624 = vector.broadcast %lt3A_623 : i32 to vector<16xi32>
      %lt3A_625 = arith.cmpi slt, %sub3A_619, %lt3A_624 : vector<16xi32>
      %and3A_626 = arith.andi %ge3A_622, %lt3A_625 : vector<16xi1>
      %and3A_627 = arith.andi %and3A_610, %and3A_626 : vector<16xi1>
      tpu.vector_store_idx %arg14[%sub3A_619], %add3A_578 masked %and3A_627 : memref<128xi32, #tpu.memory_space<vmem>>[vector<16xi32>], vector<16xi32>, vector<16xi1>
      %convert_element_type3A_628 = arith.extui %and3A_610 : vector<16xi1> to vector<16xi32>
      %reduce_sum3A_629 = arith.constant true
      %reduce_sum3A_630 = vector.broadcast %reduce_sum3A_629 : i1 to vector<16xi1>
      %reduce_sum3A_631 = tpu.scan <sum>, %convert_element_type3A_628 masked %reduce_sum3A_630 : vector<16xi32>, vector<16xi1> -> vector<16xi32>
      %reduce_sum3A_632 = vector.extract %reduce_sum3A_631[15] : i32 from vector<16xi32>
      %add3A_633 = arith.addi %add3A_564, %reduce_sum3A_632 : i32
      %scan3A_634 = arith.constant 4 : i32
      %scan3A_635 = arith.addi %scan3A_358, %scan3A_634 : i32
      %mul3A_636 = arith.constant 16 : i32
      %mul3A_637 = arith.muli %scan3A_635, %mul3A_636 : i32
      %get3A_638 = arith.index_cast %mul3A_637 : i32 to index
      %get3A_639 = tpu.vector_load %arg6[%get3A_638] {strides = array<i32>} : memref<31744xi32, #tpu.memory_space<vmem>>, vector<16xi32>,
      %xor3A_640 = arith.constant -2147483648 : i32
      %xor3A_641 = vector.broadcast %xor3A_640 : i32 to vector<16xi32>
      %xor3A_642 = arith.xori %get3A_639, %xor3A_641 : vector<16xi32>
      %mul3A_643 = arith.constant 16 : i32
      %mul3A_644 = arith.muli %scan3A_635, %mul3A_643 : i32
      %add3A_645 = arith.addi %add3A, %mul3A_644 : i32
      %add3A_646 = vector.broadcast %add3A_645 : i32 to vector<16xi32>
      %add3A_647 = arith.addi %add3A_646, %iota3A : vector<16xi32>
      %lt3A_648 = arith.cmpi slt, %scan3A_635, %select_n3A : i32
      %gt3A_649 = vector.broadcast %xor3A_301 : i32 to vector<16xi32>
      %gt3A_650 = arith.cmpi sgt, %xor3A_642, %gt3A_649 : vector<16xi32>
      %and3A_651 = vector.broadcast %lt3A_648 : i1 to vector<16xi1>
      %and3A_652 = arith.andi %gt3A_650, %and3A_651 : vector<16xi1>
      %convert_element_type3A_653 = arith.extui %and3A_652 : vector<16xi1> to vector<16xi32>
      %broadcast_in_dim3A_654 = arith.constant true
      %broadcast_in_dim3A_655 = vector.broadcast %broadcast_in_dim3A_654 : i1 to vector<16xi1>
      %masked_cumsum3A_656 = tpu.scan <sum>, %convert_element_type3A_653 masked %broadcast_in_dim3A_655 : vector<16xi32>, vector<16xi1> -> vector<16xi32>
      %add3A_657 = vector.broadcast %add3A_606 : i32 to vector<16xi32>
      %add3A_658 = arith.addi %add3A_657, %masked_cumsum3A_656 : vector<16xi32>
      %sub3A_659 = arith.constant 1 : i32
      %sub3A_660 = vector.broadcast %sub3A_659 : i32 to vector<16xi32>
      %sub3A_661 = arith.subi %add3A_658, %sub3A_660 : vector<16xi32>
      %ge3A_662 = arith.constant 0 : i32
      %ge3A_663 = vector.broadcast %ge3A_662 : i32 to vector<16xi32>
      %ge3A_664 = arith.cmpi sge, %sub3A_661, %ge3A_663 : vector<16xi32>
      %lt3A_665 = arith.constant 128 : i32
      %lt3A_666 = vector.broadcast %lt3A_665 : i32 to vector<16xi32>
      %lt3A_667 = arith.cmpi slt, %sub3A_661, %lt3A_666 : vector<16xi32>
      %and3A_668 = arith.andi %ge3A_664, %lt3A_667 : vector<16xi1>
      %and3A_669 = arith.andi %and3A_652, %and3A_668 : vector<16xi1>
      tpu.vector_store_idx %arg12[%sub3A_661], %xor3A_642 masked %and3A_669 : memref<128xi32, #tpu.memory_space<vmem>>[vector<16xi32>], vector<16xi32>, vector<16xi1>
      tpu.vector_store_idx %arg13[%sub3A_661], %add3A_647 masked %and3A_669 : memref<128xi32, #tpu.memory_space<vmem>>[vector<16xi32>], vector<16xi32>, vector<16xi1>
      %convert_element_type3A_670 = arith.extui %and3A_652 : vector<16xi1> to vector<16xi32>
      %reduce_sum3A_671 = arith.constant true
      %reduce_sum3A_672 = vector.broadcast %reduce_sum3A_671 : i1 to vector<16xi1>
      %reduce_sum3A_673 = tpu.scan <sum>, %convert_element_type3A_670 masked %reduce_sum3A_672 : vector<16xi32>, vector<16xi1> -> vector<16xi32>
      %reduce_sum3A_674 = vector.extract %reduce_sum3A_673[15] : i32 from vector<16xi32>
      %add3A_675 = arith.addi %add3A_606, %reduce_sum3A_674 : i32
      %eq3A_676 = vector.broadcast %xor3A_301 : i32 to vector<16xi32>
      %eq3A_677 = arith.cmpi eq, %xor3A_642, %eq3A_676 : vector<16xi32>
      %and3A_678 = vector.broadcast %lt3A_648 : i1 to vector<16xi1>
      %and3A_679 = arith.andi %eq3A_677, %and3A_678 : vector<16xi1>
      %convert_element_type3A_680 = arith.extui %and3A_679 : vector<16xi1> to vector<16xi32>
      %broadcast_in_dim3A_681 = arith.constant true
      %broadcast_in_dim3A_682 = vector.broadcast %broadcast_in_dim3A_681 : i1 to vector<16xi1>
      %masked_cumsum3A_683 = tpu.scan <sum>, %convert_element_type3A_680 masked %broadcast_in_dim3A_682 : vector<16xi32>, vector<16xi1> -> vector<16xi32>
      %add3A_684 = vector.broadcast %add3A_633 : i32 to vector<16xi32>
      %add3A_685 = arith.addi %add3A_684, %masked_cumsum3A_683 : vector<16xi32>
      %sub3A_686 = arith.constant 1 : i32
      %sub3A_687 = vector.broadcast %sub3A_686 : i32 to vector<16xi32>
      %sub3A_688 = arith.subi %add3A_685, %sub3A_687 : vector<16xi32>
      %ge3A_689 = arith.constant 0 : i32
      %ge3A_690 = vector.broadcast %ge3A_689 : i32 to vector<16xi32>
      %ge3A_691 = arith.cmpi sge, %sub3A_688, %ge3A_690 : vector<16xi32>
      %lt3A_692 = arith.constant 128 : i32
      %lt3A_693 = vector.broadcast %lt3A_692 : i32 to vector<16xi32>
      %lt3A_694 = arith.cmpi slt, %sub3A_688, %lt3A_693 : vector<16xi32>
      %and3A_695 = arith.andi %ge3A_691, %lt3A_694 : vector<16xi1>
      %and3A_696 = arith.andi %and3A_679, %and3A_695 : vector<16xi1>
      tpu.vector_store_idx %arg14[%sub3A_688], %add3A_647 masked %and3A_696 : memref<128xi32, #tpu.memory_space<vmem>>[vector<16xi32>], vector<16xi32>, vector<16xi1>
      %convert_element_type3A_697 = arith.extui %and3A_679 : vector<16xi1> to vector<16xi32>
      %reduce_sum3A_698 = arith.constant true
      %reduce_sum3A_699 = vector.broadcast %reduce_sum3A_698 : i1 to vector<16xi1>
      %reduce_sum3A_700 = tpu.scan <sum>, %convert_element_type3A_697 masked %reduce_sum3A_699 : vector<16xi32>, vector<16xi1> -> vector<16xi32>
      %reduce_sum3A_701 = vector.extract %reduce_sum3A_700[15] : i32 from vector<16xi32>
      %add3A_702 = arith.addi %add3A_633, %reduce_sum3A_701 : i32
      %scan3A_703 = arith.constant 5 : i32
      %scan3A_704 = arith.addi %scan3A_358, %scan3A_703 : i32
      %mul3A_705 = arith.constant 16 : i32
      %mul3A_706 = arith.muli %scan3A_704, %mul3A_705 : i32
      %get3A_707 = arith.index_cast %mul3A_706 : i32 to index
      %get3A_708 = tpu.vector_load %arg6[%get3A_707] {strides = array<i32>} : memref<31744xi32, #tpu.memory_space<vmem>>, vector<16xi32>,
      %xor3A_709 = arith.constant -2147483648 : i32
      %xor3A_710 = vector.broadcast %xor3A_709 : i32 to vector<16xi32>
      %xor3A_711 = arith.xori %get3A_708, %xor3A_710 : vector<16xi32>
      %mul3A_712 = arith.constant 16 : i32
      %mul3A_713 = arith.muli %scan3A_704, %mul3A_712 : i32
      %add3A_714 = arith.addi %add3A, %mul3A_713 : i32
      %add3A_715 = vector.broadcast %add3A_714 : i32 to vector<16xi32>
      %add3A_716 = arith.addi %add3A_715, %iota3A : vector<16xi32>
      %lt3A_717 = arith.cmpi slt, %scan3A_704, %select_n3A : i32
      %gt3A_718 = vector.broadcast %xor3A_301 : i32 to vector<16xi32>
      %gt3A_719 = arith.cmpi sgt, %xor3A_711, %gt3A_718 : vector<16xi32>
      %and3A_720 = vector.broadcast %lt3A_717 : i1 to vector<16xi1>
      %and3A_721 = arith.andi %gt3A_719, %and3A_720 : vector<16xi1>
      %convert_element_type3A_722 = arith.extui %and3A_721 : vector<16xi1> to vector<16xi32>
      %broadcast_in_dim3A_723 = arith.constant true
      %broadcast_in_dim3A_724 = vector.broadcast %broadcast_in_dim3A_723 : i1 to vector<16xi1>
      %masked_cumsum3A_725 = tpu.scan <sum>, %convert_element_type3A_722 masked %broadcast_in_dim3A_724 : vector<16xi32>, vector<16xi1> -> vector<16xi32>
      %add3A_726 = vector.broadcast %add3A_675 : i32 to vector<16xi32>
      %add3A_727 = arith.addi %add3A_726, %masked_cumsum3A_725 : vector<16xi32>
      %sub3A_728 = arith.constant 1 : i32
      %sub3A_729 = vector.broadcast %sub3A_728 : i32 to vector<16xi32>
      %sub3A_730 = arith.subi %add3A_727, %sub3A_729 : vector<16xi32>
      %ge3A_731 = arith.constant 0 : i32
      %ge3A_732 = vector.broadcast %ge3A_731 : i32 to vector<16xi32>
      %ge3A_733 = arith.cmpi sge, %sub3A_730, %ge3A_732 : vector<16xi32>
      %lt3A_734 = arith.constant 128 : i32
      %lt3A_735 = vector.broadcast %lt3A_734 : i32 to vector<16xi32>
      %lt3A_736 = arith.cmpi slt, %sub3A_730, %lt3A_735 : vector<16xi32>
      %and3A_737 = arith.andi %ge3A_733, %lt3A_736 : vector<16xi1>
      %and3A_738 = arith.andi %and3A_721, %and3A_737 : vector<16xi1>
      tpu.vector_store_idx %arg12[%sub3A_730], %xor3A_711 masked %and3A_738 : memref<128xi32, #tpu.memory_space<vmem>>[vector<16xi32>], vector<16xi32>, vector<16xi1>
      tpu.vector_store_idx %arg13[%sub3A_730], %add3A_716 masked %and3A_738 : memref<128xi32, #tpu.memory_space<vmem>>[vector<16xi32>], vector<16xi32>, vector<16xi1>
      %convert_element_type3A_739 = arith.extui %and3A_721 : vector<16xi1> to vector<16xi32>
      %reduce_sum3A_740 = arith.constant true
      %reduce_sum3A_741 = vector.broadcast %reduce_sum3A_740 : i1 to vector<16xi1>
      %reduce_sum3A_742 = tpu.scan <sum>, %convert_element_type3A_739 masked %reduce_sum3A_741 : vector<16xi32>, vector<16xi1> -> vector<16xi32>
      %reduce_sum3A_743 = vector.extract %reduce_sum3A_742[15] : i32 from vector<16xi32>
      %add3A_744 = arith.addi %add3A_675, %reduce_sum3A_743 : i32
      %eq3A_745 = vector.broadcast %xor3A_301 : i32 to vector<16xi32>
      %eq3A_746 = arith.cmpi eq, %xor3A_711, %eq3A_745 : vector<16xi32>
      %and3A_747 = vector.broadcast %lt3A_717 : i1 to vector<16xi1>
      %and3A_748 = arith.andi %eq3A_746, %and3A_747 : vector<16xi1>
      %convert_element_type3A_749 = arith.extui %and3A_748 : vector<16xi1> to vector<16xi32>
      %broadcast_in_dim3A_750 = arith.constant true
      %broadcast_in_dim3A_751 = vector.broadcast %broadcast_in_dim3A_750 : i1 to vector<16xi1>
      %masked_cumsum3A_752 = tpu.scan <sum>, %convert_element_type3A_749 masked %broadcast_in_dim3A_751 : vector<16xi32>, vector<16xi1> -> vector<16xi32>
      %add3A_753 = vector.broadcast %add3A_702 : i32 to vector<16xi32>
      %add3A_754 = arith.addi %add3A_753, %masked_cumsum3A_752 : vector<16xi32>
      %sub3A_755 = arith.constant 1 : i32
      %sub3A_756 = vector.broadcast %sub3A_755 : i32 to vector<16xi32>
      %sub3A_757 = arith.subi %add3A_754, %sub3A_756 : vector<16xi32>
      %ge3A_758 = arith.constant 0 : i32
      %ge3A_759 = vector.broadcast %ge3A_758 : i32 to vector<16xi32>
      %ge3A_760 = arith.cmpi sge, %sub3A_757, %ge3A_759 : vector<16xi32>
      %lt3A_761 = arith.constant 128 : i32
      %lt3A_762 = vector.broadcast %lt3A_761 : i32 to vector<16xi32>
      %lt3A_763 = arith.cmpi slt, %sub3A_757, %lt3A_762 : vector<16xi32>
      %and3A_764 = arith.andi %ge3A_760, %lt3A_763 : vector<16xi1>
      %and3A_765 = arith.andi %and3A_748, %and3A_764 : vector<16xi1>
      tpu.vector_store_idx %arg14[%sub3A_757], %add3A_716 masked %and3A_765 : memref<128xi32, #tpu.memory_space<vmem>>[vector<16xi32>], vector<16xi32>, vector<16xi1>
      %convert_element_type3A_766 = arith.extui %and3A_748 : vector<16xi1> to vector<16xi32>
      %reduce_sum3A_767 = arith.constant true
      %reduce_sum3A_768 = vector.broadcast %reduce_sum3A_767 : i1 to vector<16xi1>
      %reduce_sum3A_769 = tpu.scan <sum>, %convert_element_type3A_766 masked %reduce_sum3A_768 : vector<16xi32>, vector<16xi1> -> vector<16xi32>
      %reduce_sum3A_770 = vector.extract %reduce_sum3A_769[15] : i32 from vector<16xi32>
      %add3A_771 = arith.addi %add3A_702, %reduce_sum3A_770 : i32
      %scan3A_772 = arith.constant 6 : i32
      %scan3A_773 = arith.addi %scan3A_358, %scan3A_772 : i32
      %mul3A_774 = arith.constant 16 : i32
      %mul3A_775 = arith.muli %scan3A_773, %mul3A_774 : i32
      %get3A_776 = arith.index_cast %mul3A_775 : i32 to index
      %get3A_777 = tpu.vector_load %arg6[%get3A_776] {strides = array<i32>} : memref<31744xi32, #tpu.memory_space<vmem>>, vector<16xi32>,
      %xor3A_778 = arith.constant -2147483648 : i32
      %xor3A_779 = vector.broadcast %xor3A_778 : i32 to vector<16xi32>
      %xor3A_780 = arith.xori %get3A_777, %xor3A_779 : vector<16xi32>
      %mul3A_781 = arith.constant 16 : i32
      %mul3A_782 = arith.muli %scan3A_773, %mul3A_781 : i32
      %add3A_783 = arith.addi %add3A, %mul3A_782 : i32
      %add3A_784 = vector.broadcast %add3A_783 : i32 to vector<16xi32>
      %add3A_785 = arith.addi %add3A_784, %iota3A : vector<16xi32>
      %lt3A_786 = arith.cmpi slt, %scan3A_773, %select_n3A : i32
      %gt3A_787 = vector.broadcast %xor3A_301 : i32 to vector<16xi32>
      %gt3A_788 = arith.cmpi sgt, %xor3A_780, %gt3A_787 : vector<16xi32>
      %and3A_789 = vector.broadcast %lt3A_786 : i1 to vector<16xi1>
      %and3A_790 = arith.andi %gt3A_788, %and3A_789 : vector<16xi1>
      %convert_element_type3A_791 = arith.extui %and3A_790 : vector<16xi1> to vector<16xi32>
      %broadcast_in_dim3A_792 = arith.constant true
      %broadcast_in_dim3A_793 = vector.broadcast %broadcast_in_dim3A_792 : i1 to vector<16xi1>
      %masked_cumsum3A_794 = tpu.scan <sum>, %convert_element_type3A_791 masked %broadcast_in_dim3A_793 : vector<16xi32>, vector<16xi1> -> vector<16xi32>
      %add3A_795 = vector.broadcast %add3A_744 : i32 to vector<16xi32>
      %add3A_796 = arith.addi %add3A_795, %masked_cumsum3A_794 : vector<16xi32>
      %sub3A_797 = arith.constant 1 : i32
      %sub3A_798 = vector.broadcast %sub3A_797 : i32 to vector<16xi32>
      %sub3A_799 = arith.subi %add3A_796, %sub3A_798 : vector<16xi32>
      %ge3A_800 = arith.constant 0 : i32
      %ge3A_801 = vector.broadcast %ge3A_800 : i32 to vector<16xi32>
      %ge3A_802 = arith.cmpi sge, %sub3A_799, %ge3A_801 : vector<16xi32>
      %lt3A_803 = arith.constant 128 : i32
      %lt3A_804 = vector.broadcast %lt3A_803 : i32 to vector<16xi32>
      %lt3A_805 = arith.cmpi slt, %sub3A_799, %lt3A_804 : vector<16xi32>
      %and3A_806 = arith.andi %ge3A_802, %lt3A_805 : vector<16xi1>
      %and3A_807 = arith.andi %and3A_790, %and3A_806 : vector<16xi1>
      tpu.vector_store_idx %arg12[%sub3A_799], %xor3A_780 masked %and3A_807 : memref<128xi32, #tpu.memory_space<vmem>>[vector<16xi32>], vector<16xi32>, vector<16xi1>
      tpu.vector_store_idx %arg13[%sub3A_799], %add3A_785 masked %and3A_807 : memref<128xi32, #tpu.memory_space<vmem>>[vector<16xi32>], vector<16xi32>, vector<16xi1>
      %convert_element_type3A_808 = arith.extui %and3A_790 : vector<16xi1> to vector<16xi32>
      %reduce_sum3A_809 = arith.constant true
      %reduce_sum3A_810 = vector.broadcast %reduce_sum3A_809 : i1 to vector<16xi1>
      %reduce_sum3A_811 = tpu.scan <sum>, %convert_element_type3A_808 masked %reduce_sum3A_810 : vector<16xi32>, vector<16xi1> -> vector<16xi32>
      %reduce_sum3A_812 = vector.extract %reduce_sum3A_811[15] : i32 from vector<16xi32>
      %add3A_813 = arith.addi %add3A_744, %reduce_sum3A_812 : i32
      %eq3A_814 = vector.broadcast %xor3A_301 : i32 to vector<16xi32>
      %eq3A_815 = arith.cmpi eq, %xor3A_780, %eq3A_814 : vector<16xi32>
      %and3A_816 = vector.broadcast %lt3A_786 : i1 to vector<16xi1>
      %and3A_817 = arith.andi %eq3A_815, %and3A_816 : vector<16xi1>
      %convert_element_type3A_818 = arith.extui %and3A_817 : vector<16xi1> to vector<16xi32>
      %broadcast_in_dim3A_819 = arith.constant true
      %broadcast_in_dim3A_820 = vector.broadcast %broadcast_in_dim3A_819 : i1 to vector<16xi1>
      %masked_cumsum3A_821 = tpu.scan <sum>, %convert_element_type3A_818 masked %broadcast_in_dim3A_820 : vector<16xi32>, vector<16xi1> -> vector<16xi32>
      %add3A_822 = vector.broadcast %add3A_771 : i32 to vector<16xi32>
      %add3A_823 = arith.addi %add3A_822, %masked_cumsum3A_821 : vector<16xi32>
      %sub3A_824 = arith.constant 1 : i32
      %sub3A_825 = vector.broadcast %sub3A_824 : i32 to vector<16xi32>
      %sub3A_826 = arith.subi %add3A_823, %sub3A_825 : vector<16xi32>
      %ge3A_827 = arith.constant 0 : i32
      %ge3A_828 = vector.broadcast %ge3A_827 : i32 to vector<16xi32>
      %ge3A_829 = arith.cmpi sge, %sub3A_826, %ge3A_828 : vector<16xi32>
      %lt3A_830 = arith.constant 128 : i32
      %lt3A_831 = vector.broadcast %lt3A_830 : i32 to vector<16xi32>
      %lt3A_832 = arith.cmpi slt, %sub3A_826, %lt3A_831 : vector<16xi32>
      %and3A_833 = arith.andi %ge3A_829, %lt3A_832 : vector<16xi1>
      %and3A_834 = arith.andi %and3A_817, %and3A_833 : vector<16xi1>
      tpu.vector_store_idx %arg14[%sub3A_826], %add3A_785 masked %and3A_834 : memref<128xi32, #tpu.memory_space<vmem>>[vector<16xi32>], vector<16xi32>, vector<16xi1>
      %convert_element_type3A_835 = arith.extui %and3A_817 : vector<16xi1> to vector<16xi32>
      %reduce_sum3A_836 = arith.constant true
      %reduce_sum3A_837 = vector.broadcast %reduce_sum3A_836 : i1 to vector<16xi1>
      %reduce_sum3A_838 = tpu.scan <sum>, %convert_element_type3A_835 masked %reduce_sum3A_837 : vector<16xi32>, vector<16xi1> -> vector<16xi32>
      %reduce_sum3A_839 = vector.extract %reduce_sum3A_838[15] : i32 from vector<16xi32>
      %add3A_840 = arith.addi %add3A_771, %reduce_sum3A_839 : i32
      %scan3A_841 = arith.constant 7 : i32
      %scan3A_842 = arith.addi %scan3A_358, %scan3A_841 : i32
      %mul3A_843 = arith.constant 16 : i32
      %mul3A_844 = arith.muli %scan3A_842, %mul3A_843 : i32
      %get3A_845 = arith.index_cast %mul3A_844 : i32 to index
      %get3A_846 = tpu.vector_load %arg6[%get3A_845] {strides = array<i32>} : memref<31744xi32, #tpu.memory_space<vmem>>, vector<16xi32>,
      %xor3A_847 = arith.constant -2147483648 : i32
      %xor3A_848 = vector.broadcast %xor3A_847 : i32 to vector<16xi32>
      %xor3A_849 = arith.xori %get3A_846, %xor3A_848 : vector<16xi32>
      %mul3A_850 = arith.constant 16 : i32
      %mul3A_851 = arith.muli %scan3A_842, %mul3A_850 : i32
      %add3A_852 = arith.addi %add3A, %mul3A_851 : i32
      %add3A_853 = vector.broadcast %add3A_852 : i32 to vector<16xi32>
      %add3A_854 = arith.addi %add3A_853, %iota3A : vector<16xi32>
      %lt3A_855 = arith.cmpi slt, %scan3A_842, %select_n3A : i32
      %gt3A_856 = vector.broadcast %xor3A_301 : i32 to vector<16xi32>
      %gt3A_857 = arith.cmpi sgt, %xor3A_849, %gt3A_856 : vector<16xi32>
      %and3A_858 = vector.broadcast %lt3A_855 : i1 to vector<16xi1>
      %and3A_859 = arith.andi %gt3A_857, %and3A_858 : vector<16xi1>
      %convert_element_type3A_860 = arith.extui %and3A_859 : vector<16xi1> to vector<16xi32>
      %broadcast_in_dim3A_861 = arith.constant true
      %broadcast_in_dim3A_862 = vector.broadcast %broadcast_in_dim3A_861 : i1 to vector<16xi1>
      %masked_cumsum3A_863 = tpu.scan <sum>, %convert_element_type3A_860 masked %broadcast_in_dim3A_862 : vector<16xi32>, vector<16xi1> -> vector<16xi32>
      %add3A_864 = vector.broadcast %add3A_813 : i32 to vector<16xi32>
      %add3A_865 = arith.addi %add3A_864, %masked_cumsum3A_863 : vector<16xi32>
      %sub3A_866 = arith.constant 1 : i32
      %sub3A_867 = vector.broadcast %sub3A_866 : i32 to vector<16xi32>
      %sub3A_868 = arith.subi %add3A_865, %sub3A_867 : vector<16xi32>
      %ge3A_869 = arith.constant 0 : i32
      %ge3A_870 = vector.broadcast %ge3A_869 : i32 to vector<16xi32>
      %ge3A_871 = arith.cmpi sge, %sub3A_868, %ge3A_870 : vector<16xi32>
      %lt3A_872 = arith.constant 128 : i32
      %lt3A_873 = vector.broadcast %lt3A_872 : i32 to vector<16xi32>
      %lt3A_874 = arith.cmpi slt, %sub3A_868, %lt3A_873 : vector<16xi32>
      %and3A_875 = arith.andi %ge3A_871, %lt3A_874 : vector<16xi1>
      %and3A_876 = arith.andi %and3A_859, %and3A_875 : vector<16xi1>
      tpu.vector_store_idx %arg12[%sub3A_868], %xor3A_849 masked %and3A_876 : memref<128xi32, #tpu.memory_space<vmem>>[vector<16xi32>], vector<16xi32>, vector<16xi1>
      tpu.vector_store_idx %arg13[%sub3A_868], %add3A_854 masked %and3A_876 : memref<128xi32, #tpu.memory_space<vmem>>[vector<16xi32>], vector<16xi32>, vector<16xi1>
      %convert_element_type3A_877 = arith.extui %and3A_859 : vector<16xi1> to vector<16xi32>
      %reduce_sum3A_878 = arith.constant true
      %reduce_sum3A_879 = vector.broadcast %reduce_sum3A_878 : i1 to vector<16xi1>
      %reduce_sum3A_880 = tpu.scan <sum>, %convert_element_type3A_877 masked %reduce_sum3A_879 : vector<16xi32>, vector<16xi1> -> vector<16xi32>
      %reduce_sum3A_881 = vector.extract %reduce_sum3A_880[15] : i32 from vector<16xi32>
      %add3A_882 = arith.addi %add3A_813, %reduce_sum3A_881 : i32
      %eq3A_883 = vector.broadcast %xor3A_301 : i32 to vector<16xi32>
      %eq3A_884 = arith.cmpi eq, %xor3A_849, %eq3A_883 : vector<16xi32>
      %and3A_885 = vector.broadcast %lt3A_855 : i1 to vector<16xi1>
      %and3A_886 = arith.andi %eq3A_884, %and3A_885 : vector<16xi1>
      %convert_element_type3A_887 = arith.extui %and3A_886 : vector<16xi1> to vector<16xi32>
      %broadcast_in_dim3A_888 = arith.constant true
      %broadcast_in_dim3A_889 = vector.broadcast %broadcast_in_dim3A_888 : i1 to vector<16xi1>
      %masked_cumsum3A_890 = tpu.scan <sum>, %convert_element_type3A_887 masked %broadcast_in_dim3A_889 : vector<16xi32>, vector<16xi1> -> vector<16xi32>
      %add3A_891 = vector.broadcast %add3A_840 : i32 to vector<16xi32>
      %add3A_892 = arith.addi %add3A_891, %masked_cumsum3A_890 : vector<16xi32>
      %sub3A_893 = arith.constant 1 : i32
      %sub3A_894 = vector.broadcast %sub3A_893 : i32 to vector<16xi32>
      %sub3A_895 = arith.subi %add3A_892, %sub3A_894 : vector<16xi32>
      %ge3A_896 = arith.constant 0 : i32
      %ge3A_897 = vector.broadcast %ge3A_896 : i32 to vector<16xi32>
      %ge3A_898 = arith.cmpi sge, %sub3A_895, %ge3A_897 : vector<16xi32>
      %lt3A_899 = arith.constant 128 : i32
      %lt3A_900 = vector.broadcast %lt3A_899 : i32 to vector<16xi32>
      %lt3A_901 = arith.cmpi slt, %sub3A_895, %lt3A_900 : vector<16xi32>
      %and3A_902 = arith.andi %ge3A_898, %lt3A_901 : vector<16xi1>
      %and3A_903 = arith.andi %and3A_886, %and3A_902 : vector<16xi1>
      tpu.vector_store_idx %arg14[%sub3A_895], %add3A_854 masked %and3A_903 : memref<128xi32, #tpu.memory_space<vmem>>[vector<16xi32>], vector<16xi32>, vector<16xi1>
      %convert_element_type3A_904 = arith.extui %and3A_886 : vector<16xi1> to vector<16xi32>
      %reduce_sum3A_905 = arith.constant true
      %reduce_sum3A_906 = vector.broadcast %reduce_sum3A_905 : i1 to vector<16xi1>
      %reduce_sum3A_907 = tpu.scan <sum>, %convert_element_type3A_904 masked %reduce_sum3A_906 : vector<16xi32>, vector<16xi1> -> vector<16xi32>
      %reduce_sum3A_908 = vector.extract %reduce_sum3A_907[15] : i32 from vector<16xi32>
      %add3A_909 = arith.addi %add3A_840, %reduce_sum3A_908 : i32
      scf.yield %add3A_882, %add3A_909 : i32, i32
    }
    %scan3A_311 = arith.constant 1984 : i32
    %min3A = arith.constant 128 : i32
    %min3A_312 = arith.minsi %scan3A_310#1, %min3A : i32
    %eq3A_313 = arith.constant 0 : i32
    %eq3A_314 = vector.broadcast %eq3A_313 : i32 to vector<16xi32>
    %eq3A_315 = arith.cmpi eq, %iota3A, %eq3A_314 : vector<16xi32>
    %eq3A_316 = arith.constant 1 : i32
    %eq3A_317 = vector.broadcast %eq3A_316 : i32 to vector<16xi32>
    %eq3A_318 = arith.cmpi eq, %iota3A, %eq3A_317 : vector<16xi32>
    %jit3A_319 = arith.constant 0 : i32
    %broadcast_in_dim3A_320 = vector.broadcast %min3A_312 : i32 to vector<16xi32>
    %broadcast_in_dim3A_321 = vector.broadcast %jit3A_319 : i32 to vector<16xi32>
    %select_n3A_322 = arith.select %eq3A_318, %broadcast_in_dim3A_320, %broadcast_in_dim3A_321 : vector<16xi1>, vector<16xi32>
    %broadcast_in_dim3A_323 = vector.broadcast %scan3A_310#0 : i32 to vector<16xi32>
    %select_n3A_324 = arith.select %eq3A_315, %broadcast_in_dim3A_323, %select_n3A_322 : vector<16xi1>, vector<16xi32>
    %swap3A = arith.constant 0 : index
    %swap3A_325 = tpu.vector_load %arg15[%swap3A] {strides = array<i32>} : memref<128xi32, #tpu.memory_space<vmem>>, vector<16xi32>,
    tpu.vector_store %arg15[%swap3A], %select_n3A_324 {strides = array<i32>} : memref<128xi32, #tpu.memory_space<vmem>>, vector<16xi32>,
    %broadcast_in_dim3A_326 = arith.constant 0 : i32
    %broadcast_in_dim3A_327 = vector.broadcast %broadcast_in_dim3A_326 : i32 to vector<16xi32>
    %swap3A_328 = arith.constant 16 : index
    %swap3A_329 = tpu.vector_load %arg15[%swap3A_328] {strides = array<i32>} : memref<128xi32, #tpu.memory_space<vmem>>, vector<16xi32>,
    tpu.vector_store %arg15[%swap3A_328], %broadcast_in_dim3A_327 {strides = array<i32>} : memref<128xi32, #tpu.memory_space<vmem>>, vector<16xi32>,
    %broadcast_in_dim3A_330 = arith.constant 0 : i32
    %broadcast_in_dim3A_331 = vector.broadcast %broadcast_in_dim3A_330 : i32 to vector<16xi32>
    %swap3A_332 = arith.constant 32 : index
    %swap3A_333 = tpu.vector_load %arg15[%swap3A_332] {strides = array<i32>} : memref<128xi32, #tpu.memory_space<vmem>>, vector<16xi32>,
    tpu.vector_store %arg15[%swap3A_332], %broadcast_in_dim3A_331 {strides = array<i32>} : memref<128xi32, #tpu.memory_space<vmem>>, vector<16xi32>,
    %broadcast_in_dim3A_334 = arith.constant 0 : i32
    %broadcast_in_dim3A_335 = vector.broadcast %broadcast_in_dim3A_334 : i32 to vector<16xi32>
    %swap3A_336 = arith.constant 48 : index
    %swap3A_337 = tpu.vector_load %arg15[%swap3A_336] {strides = array<i32>} : memref<128xi32, #tpu.memory_space<vmem>>, vector<16xi32>,
    tpu.vector_store %arg15[%swap3A_336], %broadcast_in_dim3A_335 {strides = array<i32>} : memref<128xi32, #tpu.memory_space<vmem>>, vector<16xi32>,
    %broadcast_in_dim3A_338 = arith.constant 0 : i32
    %broadcast_in_dim3A_339 = vector.broadcast %broadcast_in_dim3A_338 : i32 to vector<16xi32>
    %swap3A_340 = arith.constant 64 : index
    %swap3A_341 = tpu.vector_load %arg15[%swap3A_340] {strides = array<i32>} : memref<128xi32, #tpu.memory_space<vmem>>, vector<16xi32>,
    tpu.vector_store %arg15[%swap3A_340], %broadcast_in_dim3A_339 {strides = array<i32>} : memref<128xi32, #tpu.memory_space<vmem>>, vector<16xi32>,
    %broadcast_in_dim3A_342 = arith.constant 0 : i32
    %broadcast_in_dim3A_343 = vector.broadcast %broadcast_in_dim3A_342 : i32 to vector<16xi32>
    %swap3A_344 = arith.constant 80 : index
    %swap3A_345 = tpu.vector_load %arg15[%swap3A_344] {strides = array<i32>} : memref<128xi32, #tpu.memory_space<vmem>>, vector<16xi32>,
    tpu.vector_store %arg15[%swap3A_344], %broadcast_in_dim3A_343 {strides = array<i32>} : memref<128xi32, #tpu.memory_space<vmem>>, vector<16xi32>,
    %broadcast_in_dim3A_346 = arith.constant 0 : i32
    %broadcast_in_dim3A_347 = vector.broadcast %broadcast_in_dim3A_346 : i32 to vector<16xi32>
    %swap3A_348 = arith.constant 96 : index
    %swap3A_349 = tpu.vector_load %arg15[%swap3A_348] {strides = array<i32>} : memref<128xi32, #tpu.memory_space<vmem>>, vector<16xi32>,
    tpu.vector_store %arg15[%swap3A_348], %broadcast_in_dim3A_347 {strides = array<i32>} : memref<128xi32, #tpu.memory_space<vmem>>, vector<16xi32>,
    %broadcast_in_dim3A_350 = arith.constant 0 : i32
    %broadcast_in_dim3A_351 = vector.broadcast %broadcast_in_dim3A_350 : i32 to vector<16xi32>
    %swap3A_352 = arith.constant 112 : index
    %swap3A_353 = tpu.vector_load %arg15[%swap3A_352] {strides = array<i32>} : memref<128xi32, #tpu.memory_space<vmem>>, vector<16xi32>,
    tpu.vector_store %arg15[%swap3A_352], %broadcast_in_dim3A_351 {strides = array<i32>} : memref<128xi32, #tpu.memory_space<vmem>>, vector<16xi32>,
    "tpu.region"() ({
      %run_scoped3A = tpu.sem_alloc : memref<!tpu.dma_semaphore, #tpu.memory_space<semaphore_mem>>
      %dma_start3A = arith.constant 0 : i32
      %dma_start3A_358 = tpu.memref_slice %arg27[%arg1, %dma_start3A] : memref<16x128xi32, #tpu.memory_space<vmem_shared>> -> memref<1x128xi32, #tpu.memory_space<vmem_shared>>
      %dma_start3A_359 = tpu.memref_squeeze %dma_start3A_358 : memref<1x128xi32, #tpu.memory_space<vmem_shared>> -> memref<128xi32, #tpu.memory_space<vmem_shared>>
      %dma_start3A_360 = arith.constant 0 : i32
      %dma_start3A_361 = tpu.memref_slice %arg27[%arg1, %dma_start3A_360] : memref<16x128xi32, #tpu.memory_space<vmem_shared>> -> memref<1x128xi32, #tpu.memory_space<vmem_shared>>
      %dma_start3A_362 = tpu.memref_squeeze %dma_start3A_361 : memref<1x128xi32, #tpu.memory_space<vmem_shared>> -> memref<128xi32, #tpu.memory_space<vmem_shared>>
      tpu.enqueue_dma source(%arg15 : memref<128xi32, #tpu.memory_space<vmem>>) target(%dma_start3A_362 : memref<128xi32, #tpu.memory_space<vmem_shared>>) target_semaphore(%run_scoped3A : memref<!tpu.dma_semaphore, #tpu.memory_space<semaphore_mem>>)
      %dma_wait3A = arith.constant 0 : i32
      %dma_wait3A_363 = tpu.memref_slice %arg27[%arg1, %dma_wait3A] : memref<16x128xi32, #tpu.memory_space<vmem_shared>> -> memref<1x128xi32, #tpu.memory_space<vmem_shared>>
      %dma_wait3A_364 = tpu.memref_squeeze %dma_wait3A_363 : memref<1x128xi32, #tpu.memory_space<vmem_shared>> -> memref<128xi32, #tpu.memory_space<vmem_shared>>
      %dma_wait3A_365 = arith.constant 0 : i32
      %dma_wait3A_366 = tpu.memref_slice %arg27[%arg1, %dma_wait3A_365] : memref<16x128xi32, #tpu.memory_space<vmem_shared>> -> memref<1x128xi32, #tpu.memory_space<vmem_shared>>
      %dma_wait3A_367 = tpu.memref_squeeze %dma_wait3A_366 : memref<1x128xi32, #tpu.memory_space<vmem_shared>> -> memref<128xi32, #tpu.memory_space<vmem_shared>>
      tpu.wait_dma2 semaphore(%run_scoped3A : memref<!tpu.dma_semaphore, #tpu.memory_space<semaphore_mem>>) src(%arg15 : memref<128xi32, #tpu.memory_space<vmem>>) dst(%dma_wait3A_367 : memref<128xi32, #tpu.memory_space<vmem_shared>>)
      tpu.yield
    }) : () -> ()
    "tpu.region"() ({
      %run_scoped3A = tpu.sem_alloc : memref<!tpu.dma_semaphore, #tpu.memory_space<semaphore_mem>>
      %dma_start3A = arith.constant 0 : i32
      %dma_start3A_358 = tpu.memref_slice %arg24[%arg1, %dma_start3A] : memref<16x128xi32, #tpu.memory_space<vmem_shared>> -> memref<1x128xi32, #tpu.memory_space<vmem_shared>>
      %dma_start3A_359 = tpu.memref_squeeze %dma_start3A_358 : memref<1x128xi32, #tpu.memory_space<vmem_shared>> -> memref<128xi32, #tpu.memory_space<vmem_shared>>
      %dma_start3A_360 = arith.constant 0 : i32
      %dma_start3A_361 = tpu.memref_slice %arg24[%arg1, %dma_start3A_360] : memref<16x128xi32, #tpu.memory_space<vmem_shared>> -> memref<1x128xi32, #tpu.memory_space<vmem_shared>>
      %dma_start3A_362 = tpu.memref_squeeze %dma_start3A_361 : memref<1x128xi32, #tpu.memory_space<vmem_shared>> -> memref<128xi32, #tpu.memory_space<vmem_shared>>
      tpu.enqueue_dma source(%arg12 : memref<128xi32, #tpu.memory_space<vmem>>) target(%dma_start3A_362 : memref<128xi32, #tpu.memory_space<vmem_shared>>) target_semaphore(%run_scoped3A : memref<!tpu.dma_semaphore, #tpu.memory_space<semaphore_mem>>)
      %dma_wait3A = arith.constant 0 : i32
      %dma_wait3A_363 = tpu.memref_slice %arg24[%arg1, %dma_wait3A] : memref<16x128xi32, #tpu.memory_space<vmem_shared>> -> memref<1x128xi32, #tpu.memory_space<vmem_shared>>
      %dma_wait3A_364 = tpu.memref_squeeze %dma_wait3A_363 : memref<1x128xi32, #tpu.memory_space<vmem_shared>> -> memref<128xi32, #tpu.memory_space<vmem_shared>>
      %dma_wait3A_365 = arith.constant 0 : i32
      %dma_wait3A_366 = tpu.memref_slice %arg24[%arg1, %dma_wait3A_365] : memref<16x128xi32, #tpu.memory_space<vmem_shared>> -> memref<1x128xi32, #tpu.memory_space<vmem_shared>>
      %dma_wait3A_367 = tpu.memref_squeeze %dma_wait3A_366 : memref<1x128xi32, #tpu.memory_space<vmem_shared>> -> memref<128xi32, #tpu.memory_space<vmem_shared>>
      tpu.wait_dma2 semaphore(%run_scoped3A : memref<!tpu.dma_semaphore, #tpu.memory_space<semaphore_mem>>) src(%arg12 : memref<128xi32, #tpu.memory_space<vmem>>) dst(%dma_wait3A_367 : memref<128xi32, #tpu.memory_space<vmem_shared>>)
      tpu.yield
    }) : () -> ()
    "tpu.region"() ({
      %run_scoped3A = tpu.sem_alloc : memref<!tpu.dma_semaphore, #tpu.memory_space<semaphore_mem>>
      %dma_start3A = arith.constant 0 : i32
      %dma_start3A_358 = tpu.memref_slice %arg25[%arg1, %dma_start3A] : memref<16x128xi32, #tpu.memory_space<vmem_shared>> -> memref<1x128xi32, #tpu.memory_space<vmem_shared>>
      %dma_start3A_359 = tpu.memref_squeeze %dma_start3A_358 : memref<1x128xi32, #tpu.memory_space<vmem_shared>> -> memref<128xi32, #tpu.memory_space<vmem_shared>>
      %dma_start3A_360 = arith.constant 0 : i32
      %dma_start3A_361 = tpu.memref_slice %arg25[%arg1, %dma_start3A_360] : memref<16x128xi32, #tpu.memory_space<vmem_shared>> -> memref<1x128xi32, #tpu.memory_space<vmem_shared>>
      %dma_start3A_362 = tpu.memref_squeeze %dma_start3A_361 : memref<1x128xi32, #tpu.memory_space<vmem_shared>> -> memref<128xi32, #tpu.memory_space<vmem_shared>>
      tpu.enqueue_dma source(%arg13 : memref<128xi32, #tpu.memory_space<vmem>>) target(%dma_start3A_362 : memref<128xi32, #tpu.memory_space<vmem_shared>>) target_semaphore(%run_scoped3A : memref<!tpu.dma_semaphore, #tpu.memory_space<semaphore_mem>>)
      %dma_wait3A = arith.constant 0 : i32
      %dma_wait3A_363 = tpu.memref_slice %arg25[%arg1, %dma_wait3A] : memref<16x128xi32, #tpu.memory_space<vmem_shared>> -> memref<1x128xi32, #tpu.memory_space<vmem_shared>>
      %dma_wait3A_364 = tpu.memref_squeeze %dma_wait3A_363 : memref<1x128xi32, #tpu.memory_space<vmem_shared>> -> memref<128xi32, #tpu.memory_space<vmem_shared>>
      %dma_wait3A_365 = arith.constant 0 : i32
      %dma_wait3A_366 = tpu.memref_slice %arg25[%arg1, %dma_wait3A_365] : memref<16x128xi32, #tpu.memory_space<vmem_shared>> -> memref<1x128xi32, #tpu.memory_space<vmem_shared>>
      %dma_wait3A_367 = tpu.memref_squeeze %dma_wait3A_366 : memref<1x128xi32, #tpu.memory_space<vmem_shared>> -> memref<128xi32, #tpu.memory_space<vmem_shared>>
      tpu.wait_dma2 semaphore(%run_scoped3A : memref<!tpu.dma_semaphore, #tpu.memory_space<semaphore_mem>>) src(%arg13 : memref<128xi32, #tpu.memory_space<vmem>>) dst(%dma_wait3A_367 : memref<128xi32, #tpu.memory_space<vmem_shared>>)
      tpu.yield
    }) : () -> ()
    "tpu.region"() ({
      %run_scoped3A = tpu.sem_alloc : memref<!tpu.dma_semaphore, #tpu.memory_space<semaphore_mem>>
      %dma_start3A = arith.constant 0 : i32
      %dma_start3A_358 = tpu.memref_slice %arg26[%arg1, %dma_start3A] : memref<16x128xi32, #tpu.memory_space<vmem_shared>> -> memref<1x128xi32, #tpu.memory_space<vmem_shared>>
      %dma_start3A_359 = tpu.memref_squeeze %dma_start3A_358 : memref<1x128xi32, #tpu.memory_space<vmem_shared>> -> memref<128xi32, #tpu.memory_space<vmem_shared>>
      %dma_start3A_360 = arith.constant 0 : i32
      %dma_start3A_361 = tpu.memref_slice %arg26[%arg1, %dma_start3A_360] : memref<16x128xi32, #tpu.memory_space<vmem_shared>> -> memref<1x128xi32, #tpu.memory_space<vmem_shared>>
      %dma_start3A_362 = tpu.memref_squeeze %dma_start3A_361 : memref<1x128xi32, #tpu.memory_space<vmem_shared>> -> memref<128xi32, #tpu.memory_space<vmem_shared>>
      tpu.enqueue_dma source(%arg14 : memref<128xi32, #tpu.memory_space<vmem>>) target(%dma_start3A_362 : memref<128xi32, #tpu.memory_space<vmem_shared>>) target_semaphore(%run_scoped3A : memref<!tpu.dma_semaphore, #tpu.memory_space<semaphore_mem>>)
      %dma_wait3A = arith.constant 0 : i32
      %dma_wait3A_363 = tpu.memref_slice %arg26[%arg1, %dma_wait3A] : memref<16x128xi32, #tpu.memory_space<vmem_shared>> -> memref<1x128xi32, #tpu.memory_space<vmem_shared>>
      %dma_wait3A_364 = tpu.memref_squeeze %dma_wait3A_363 : memref<1x128xi32, #tpu.memory_space<vmem_shared>> -> memref<128xi32, #tpu.memory_space<vmem_shared>>
      %dma_wait3A_365 = arith.constant 0 : i32
      %dma_wait3A_366 = tpu.memref_slice %arg26[%arg1, %dma_wait3A_365] : memref<16x128xi32, #tpu.memory_space<vmem_shared>> -> memref<1x128xi32, #tpu.memory_space<vmem_shared>>
      %dma_wait3A_367 = tpu.memref_squeeze %dma_wait3A_366 : memref<1x128xi32, #tpu.memory_space<vmem_shared>> -> memref<128xi32, #tpu.memory_space<vmem_shared>>
      tpu.wait_dma2 semaphore(%run_scoped3A : memref<!tpu.dma_semaphore, #tpu.memory_space<semaphore_mem>>) src(%arg14 : memref<128xi32, #tpu.memory_space<vmem>>) dst(%dma_wait3A_367 : memref<128xi32, #tpu.memory_space<vmem_shared>>)
      tpu.yield
    }) : () -> ()
    %barrier3A_354 = arith.constant 0 : index
    tpu.barrier barrier_id(%barrier3A_354)
    %eq3A_355 = arith.constant 0 : i32
    %eq3A_356 = arith.cmpi eq, %arg1, %eq3A_355 : i32
    %convert_element_type3A = arith.extui %eq3A_356 : i1 to i32
    %cond3A = arith.constant 0 : i32
    %cond3A_357 = arith.cmpi ne, %convert_element_type3A, %cond3A : i32
    scf.if %cond3A_357 {
      "tpu.region"() ({
        %run_scoped3A = tpu.sem_alloc : memref<!tpu.dma_semaphore, #tpu.memory_space<semaphore_mem>>
        tpu.enqueue_dma source(%arg27 : memref<16x128xi32, #tpu.memory_space<vmem_shared>>) target(%arg19 : memref<16x128xi32, #tpu.memory_space<vmem>>) target_semaphore(%run_scoped3A : memref<!tpu.dma_semaphore, #tpu.memory_space<semaphore_mem>>)
        tpu.wait_dma2 semaphore(%run_scoped3A : memref<!tpu.dma_semaphore, #tpu.memory_space<semaphore_mem>>) src(%arg27 : memref<16x128xi32, #tpu.memory_space<vmem_shared>>) dst(%arg19 : memref<16x128xi32, #tpu.memory_space<vmem>>)
        tpu.yield
      }) : () -> ()
      "tpu.region"() ({
        %run_scoped3A = tpu.sem_alloc : memref<!tpu.dma_semaphore, #tpu.memory_space<semaphore_mem>>
        tpu.enqueue_dma source(%arg24 : memref<16x128xi32, #tpu.memory_space<vmem_shared>>) target(%arg16 : memref<16x128xi32, #tpu.memory_space<vmem>>) target_semaphore(%run_scoped3A : memref<!tpu.dma_semaphore, #tpu.memory_space<semaphore_mem>>)
        tpu.wait_dma2 semaphore(%run_scoped3A : memref<!tpu.dma_semaphore, #tpu.memory_space<semaphore_mem>>) src(%arg24 : memref<16x128xi32, #tpu.memory_space<vmem_shared>>) dst(%arg16 : memref<16x128xi32, #tpu.memory_space<vmem>>)
        tpu.yield
      }) : () -> ()
      "tpu.region"() ({
        %run_scoped3A = tpu.sem_alloc : memref<!tpu.dma_semaphore, #tpu.memory_space<semaphore_mem>>
        tpu.enqueue_dma source(%arg25 : memref<16x128xi32, #tpu.memory_space<vmem_shared>>) target(%arg17 : memref<16x128xi32, #tpu.memory_space<vmem>>) target_semaphore(%run_scoped3A : memref<!tpu.dma_semaphore, #tpu.memory_space<semaphore_mem>>)
        tpu.wait_dma2 semaphore(%run_scoped3A : memref<!tpu.dma_semaphore, #tpu.memory_space<semaphore_mem>>) src(%arg25 : memref<16x128xi32, #tpu.memory_space<vmem_shared>>) dst(%arg17 : memref<16x128xi32, #tpu.memory_space<vmem>>)
        tpu.yield
      }) : () -> ()
      "tpu.region"() ({
        %run_scoped3A = tpu.sem_alloc : memref<!tpu.dma_semaphore, #tpu.memory_space<semaphore_mem>>
        tpu.enqueue_dma source(%arg26 : memref<16x128xi32, #tpu.memory_space<vmem_shared>>) target(%arg18 : memref<16x128xi32, #tpu.memory_space<vmem>>) target_semaphore(%run_scoped3A : memref<!tpu.dma_semaphore, #tpu.memory_space<semaphore_mem>>)
        tpu.wait_dma2 semaphore(%run_scoped3A : memref<!tpu.dma_semaphore, #tpu.memory_space<semaphore_mem>>) src(%arg26 : memref<16x128xi32, #tpu.memory_space<vmem_shared>>) dst(%arg18 : memref<16x128xi32, #tpu.memory_space<vmem>>)
        tpu.yield
      }) : () -> ()
      %broadcast_in_dim3A_358 = arith.constant -2147483648 : i32
      %broadcast_in_dim3A_359 = vector.broadcast %broadcast_in_dim3A_358 : i32 to vector<16xi32>
      %swap3A_360 = arith.constant 0 : index
      %swap3A_361 = tpu.vector_load %arg20[%swap3A_360] {strides = array<i32>} : memref<128xi32, #tpu.memory_space<vmem>>, vector<16xi32>,
      tpu.vector_store %arg20[%swap3A_360], %broadcast_in_dim3A_359 {strides = array<i32>} : memref<128xi32, #tpu.memory_space<vmem>>, vector<16xi32>,
      %broadcast_in_dim3A_362 = arith.constant 2147483647 : i32
      %broadcast_in_dim3A_363 = vector.broadcast %broadcast_in_dim3A_362 : i32 to vector<16xi32>
      %swap3A_364 = arith.constant 0 : index
      %swap3A_365 = tpu.vector_load %arg21[%swap3A_364] {strides = array<i32>} : memref<128xi32, #tpu.memory_space<vmem>>, vector<16xi32>,
      tpu.vector_store %arg21[%swap3A_364], %broadcast_in_dim3A_363 {strides = array<i32>} : memref<128xi32, #tpu.memory_space<vmem>>, vector<16xi32>,
      %broadcast_in_dim3A_366 = arith.constant -2147483648 : i32
      %broadcast_in_dim3A_367 = vector.broadcast %broadcast_in_dim3A_366 : i32 to vector<16xi32>
      %swap3A_368 = arith.constant 16 : index
      %swap3A_369 = tpu.vector_load %arg20[%swap3A_368] {strides = array<i32>} : memref<128xi32, #tpu.memory_space<vmem>>, vector<16xi32>,
      tpu.vector_store %arg20[%swap3A_368], %broadcast_in_dim3A_367 {strides = array<i32>} : memref<128xi32, #tpu.memory_space<vmem>>, vector<16xi32>,
      %broadcast_in_dim3A_370 = arith.constant 2147483647 : i32
      %broadcast_in_dim3A_371 = vector.broadcast %broadcast_in_dim3A_370 : i32 to vector<16xi32>
      %swap3A_372 = arith.constant 16 : index
      %swap3A_373 = tpu.vector_load %arg21[%swap3A_372] {strides = array<i32>} : memref<128xi32, #tpu.memory_space<vmem>>, vector<16xi32>,
      tpu.vector_store %arg21[%swap3A_372], %broadcast_in_dim3A_371 {strides = array<i32>} : memref<128xi32, #tpu.memory_space<vmem>>, vector<16xi32>,
      %broadcast_in_dim3A_374 = arith.constant -2147483648 : i32
      %broadcast_in_dim3A_375 = vector.broadcast %broadcast_in_dim3A_374 : i32 to vector<16xi32>
      %swap3A_376 = arith.constant 32 : index
      %swap3A_377 = tpu.vector_load %arg20[%swap3A_376] {strides = array<i32>} : memref<128xi32, #tpu.memory_space<vmem>>, vector<16xi32>,
      tpu.vector_store %arg20[%swap3A_376], %broadcast_in_dim3A_375 {strides = array<i32>} : memref<128xi32, #tpu.memory_space<vmem>>, vector<16xi32>,
      %broadcast_in_dim3A_378 = arith.constant 2147483647 : i32
      %broadcast_in_dim3A_379 = vector.broadcast %broadcast_in_dim3A_378 : i32 to vector<16xi32>
      %swap3A_380 = arith.constant 32 : index
      %swap3A_381 = tpu.vector_load %arg21[%swap3A_380] {strides = array<i32>} : memref<128xi32, #tpu.memory_space<vmem>>, vector<16xi32>,
      tpu.vector_store %arg21[%swap3A_380], %broadcast_in_dim3A_379 {strides = array<i32>} : memref<128xi32, #tpu.memory_space<vmem>>, vector<16xi32>,
      %broadcast_in_dim3A_382 = arith.constant -2147483648 : i32
      %broadcast_in_dim3A_383 = vector.broadcast %broadcast_in_dim3A_382 : i32 to vector<16xi32>
      %swap3A_384 = arith.constant 48 : index
      %swap3A_385 = tpu.vector_load %arg20[%swap3A_384] {strides = array<i32>} : memref<128xi32, #tpu.memory_space<vmem>>, vector<16xi32>,
      tpu.vector_store %arg20[%swap3A_384], %broadcast_in_dim3A_383 {strides = array<i32>} : memref<128xi32, #tpu.memory_space<vmem>>, vector<16xi32>,
      %broadcast_in_dim3A_386 = arith.constant 2147483647 : i32
      %broadcast_in_dim3A_387 = vector.broadcast %broadcast_in_dim3A_386 : i32 to vector<16xi32>
      %swap3A_388 = arith.constant 48 : index
      %swap3A_389 = tpu.vector_load %arg21[%swap3A_388] {strides = array<i32>} : memref<128xi32, #tpu.memory_space<vmem>>, vector<16xi32>,
      tpu.vector_store %arg21[%swap3A_388], %broadcast_in_dim3A_387 {strides = array<i32>} : memref<128xi32, #tpu.memory_space<vmem>>, vector<16xi32>,
      %broadcast_in_dim3A_390 = arith.constant -2147483648 : i32
      %broadcast_in_dim3A_391 = vector.broadcast %broadcast_in_dim3A_390 : i32 to vector<16xi32>
      %swap3A_392 = arith.constant 64 : index
      %swap3A_393 = tpu.vector_load %arg20[%swap3A_392] {strides = array<i32>} : memref<128xi32, #tpu.memory_space<vmem>>, vector<16xi32>,
      tpu.vector_store %arg20[%swap3A_392], %broadcast_in_dim3A_391 {strides = array<i32>} : memref<128xi32, #tpu.memory_space<vmem>>, vector<16xi32>,
      %broadcast_in_dim3A_394 = arith.constant 2147483647 : i32
      %broadcast_in_dim3A_395 = vector.broadcast %broadcast_in_dim3A_394 : i32 to vector<16xi32>
      %swap3A_396 = arith.constant 64 : index
      %swap3A_397 = tpu.vector_load %arg21[%swap3A_396] {strides = array<i32>} : memref<128xi32, #tpu.memory_space<vmem>>, vector<16xi32>,
      tpu.vector_store %arg21[%swap3A_396], %broadcast_in_dim3A_395 {strides = array<i32>} : memref<128xi32, #tpu.memory_space<vmem>>, vector<16xi32>,
      %broadcast_in_dim3A_398 = arith.constant -2147483648 : i32
      %broadcast_in_dim3A_399 = vector.broadcast %broadcast_in_dim3A_398 : i32 to vector<16xi32>
      %swap3A_400 = arith.constant 80 : index
      %swap3A_401 = tpu.vector_load %arg20[%swap3A_400] {strides = array<i32>} : memref<128xi32, #tpu.memory_space<vmem>>, vector<16xi32>,
      tpu.vector_store %arg20[%swap3A_400], %broadcast_in_dim3A_399 {strides = array<i32>} : memref<128xi32, #tpu.memory_space<vmem>>, vector<16xi32>,
      %broadcast_in_dim3A_402 = arith.constant 2147483647 : i32
      %broadcast_in_dim3A_403 = vector.broadcast %broadcast_in_dim3A_402 : i32 to vector<16xi32>
      %swap3A_404 = arith.constant 80 : index
      %swap3A_405 = tpu.vector_load %arg21[%swap3A_404] {strides = array<i32>} : memref<128xi32, #tpu.memory_space<vmem>>, vector<16xi32>,
      tpu.vector_store %arg21[%swap3A_404], %broadcast_in_dim3A_403 {strides = array<i32>} : memref<128xi32, #tpu.memory_space<vmem>>, vector<16xi32>,
      %broadcast_in_dim3A_406 = arith.constant -2147483648 : i32
      %broadcast_in_dim3A_407 = vector.broadcast %broadcast_in_dim3A_406 : i32 to vector<16xi32>
      %swap3A_408 = arith.constant 96 : index
      %swap3A_409 = tpu.vector_load %arg20[%swap3A_408] {strides = array<i32>} : memref<128xi32, #tpu.memory_space<vmem>>, vector<16xi32>,
      tpu.vector_store %arg20[%swap3A_408], %broadcast_in_dim3A_407 {strides = array<i32>} : memref<128xi32, #tpu.memory_space<vmem>>, vector<16xi32>,
      %broadcast_in_dim3A_410 = arith.constant 2147483647 : i32
      %broadcast_in_dim3A_411 = vector.broadcast %broadcast_in_dim3A_410 : i32 to vector<16xi32>
      %swap3A_412 = arith.constant 96 : index
      %swap3A_413 = tpu.vector_load %arg21[%swap3A_412] {strides = array<i32>} : memref<128xi32, #tpu.memory_space<vmem>>, vector<16xi32>,
      tpu.vector_store %arg21[%swap3A_412], %broadcast_in_dim3A_411 {strides = array<i32>} : memref<128xi32, #tpu.memory_space<vmem>>, vector<16xi32>,
      %broadcast_in_dim3A_414 = arith.constant -2147483648 : i32
      %broadcast_in_dim3A_415 = vector.broadcast %broadcast_in_dim3A_414 : i32 to vector<16xi32>
      %swap3A_416 = arith.constant 112 : index
      %swap3A_417 = tpu.vector_load %arg20[%swap3A_416] {strides = array<i32>} : memref<128xi32, #tpu.memory_space<vmem>>, vector<16xi32>,
      tpu.vector_store %arg20[%swap3A_416], %broadcast_in_dim3A_415 {strides = array<i32>} : memref<128xi32, #tpu.memory_space<vmem>>, vector<16xi32>,
      %broadcast_in_dim3A_418 = arith.constant 2147483647 : i32
      %broadcast_in_dim3A_419 = vector.broadcast %broadcast_in_dim3A_418 : i32 to vector<16xi32>
      %swap3A_420 = arith.constant 112 : index
      %swap3A_421 = tpu.vector_load %arg21[%swap3A_420] {strides = array<i32>} : memref<128xi32, #tpu.memory_space<vmem>>, vector<16xi32>,
      tpu.vector_store %arg21[%swap3A_420], %broadcast_in_dim3A_419 {strides = array<i32>} : memref<128xi32, #tpu.memory_space<vmem>>, vector<16xi32>,
      %scan3A_422 = arith.constant 0 : i32
      %scan3A_423 = arith.constant 0 : i32
      %scan3A_424 = arith.constant 0 : i32
      %scan3A_425 = arith.constant 16 : i32
      %scan3A_426 = arith.addi %scan3A_424, %scan3A_425 : i32
      %scan3A_427 = arith.constant 1 : i32
      %scan3A_428:2 = scf.for %scan3A_430 = %scan3A_424 to %scan3A_426 step %scan3A_427 iter_args(%scan3A_431 = %scan3A_422, %scan3A_432 = %scan3A_423) -> (i32, i32)  : i32 {
        %get3A_433 = arith.index_cast %scan3A_430 : i32 to index
        %get3A_434 = arith.constant 0 : index
        %get3A_435 = tpu.vector_load %arg19[%get3A_433, %get3A_434] {strides = array<i32>} : memref<16x128xi32, #tpu.memory_space<vmem>>, vector<16xi32>,
        %slice3A = vector.extract_strided_slice %get3A_435 {offsets = [0], sizes = [1], strides = [1]} : vector<16xi32> to vector<1xi32>
        %squeeze3A = vector.extract %slice3A[0] : i32 from vector<1xi32>
        %slice3A_436 = vector.extract_strided_slice %get3A_435 {offsets = [1], sizes = [1], strides = [1]} : vector<16xi32> to vector<1xi32>
        %squeeze3A_437 = vector.extract %slice3A_436[0] : i32 from vector<1xi32>
        %scan3A_438 = arith.constant 0 : i32
        %scan3A_439 = arith.constant 0 : i32
        %scan3A_440 = arith.constant 8 : i32
        %scan3A_441 = arith.addi %scan3A_439, %scan3A_440 : i32
        %scan3A_442 = arith.constant 1 : i32
        %scan3A_443 = scf.for %scan3A_454 = %scan3A_439 to %scan3A_441 step %scan3A_442 iter_args(%scan3A_455 = %scan3A_438) -> (i32)  : i32 {
          %mul3A_456 = arith.constant 16 : i32
          %mul3A_457 = arith.muli %scan3A_454, %mul3A_456 : i32
          %add3A_458 = vector.broadcast %mul3A_457 : i32 to vector<16xi32>
          %add3A_459 = arith.addi %add3A_458, %iota3A : vector<16xi32>
          %add3A_460 = vector.broadcast %scan3A_431 : i32 to vector<16xi32>
          %add3A_461 = arith.addi %add3A_460, %add3A_459 : vector<16xi32>
          %lt3A = vector.broadcast %squeeze3A : i32 to vector<16xi32>
          %lt3A_462 = arith.cmpi slt, %add3A_459, %lt3A : vector<16xi32>
          %ge3A_463 = arith.constant 0 : i32
          %ge3A_464 = vector.broadcast %ge3A_463 : i32 to vector<16xi32>
          %ge3A_465 = arith.cmpi sge, %add3A_461, %ge3A_464 : vector<16xi32>
          %lt3A_466 = arith.constant 128 : i32
          %lt3A_467 = vector.broadcast %lt3A_466 : i32 to vector<16xi32>
          %lt3A_468 = arith.cmpi slt, %add3A_461, %lt3A_467 : vector<16xi32>
          %and3A_469 = arith.andi %ge3A_465, %lt3A_468 : vector<16xi1>
          %and3A_470 = arith.andi %lt3A_462, %and3A_469 : vector<16xi1>
          %mul3A_471 = arith.constant 16 : i32
          %mul3A_472 = arith.muli %scan3A_454, %mul3A_471 : i32
          %get3A_473 = arith.index_cast %scan3A_430 : i32 to index
          %get3A_474 = arith.index_cast %mul3A_472 : i32 to index
          %get3A_475 = tpu.vector_load %arg16[%get3A_473, %get3A_474] {strides = array<i32>} : memref<16x128xi32, #tpu.memory_space<vmem>>, vector<16xi32>,
          %mul3A_476 = arith.constant 16 : i32
          %mul3A_477 = arith.muli %scan3A_454, %mul3A_476 : i32
          %get3A_478 = arith.index_cast %scan3A_430 : i32 to index
          %get3A_479 = arith.index_cast %mul3A_477 : i32 to index
          %get3A_480 = tpu.vector_load %arg17[%get3A_478, %get3A_479] {strides = array<i32>} : memref<16x128xi32, #tpu.memory_space<vmem>>, vector<16xi32>,
          tpu.vector_store_idx %arg20[%add3A_461], %get3A_475 masked %and3A_470 : memref<128xi32, #tpu.memory_space<vmem>>[vector<16xi32>], vector<16xi32>, vector<16xi1>
          tpu.vector_store_idx %arg21[%add3A_461], %get3A_480 masked %and3A_470 : memref<128xi32, #tpu.memory_space<vmem>>[vector<16xi32>], vector<16xi32>, vector<16xi1>
          %scan3A_481 = arith.constant 0 : i32
          scf.yield %scan3A_481 : i32
        }
        %scan3A_444 = arith.constant 8 : i32
        %scan3A_445 = arith.constant 0 : i32
        %scan3A_446 = arith.constant 0 : i32
        %scan3A_447 = arith.constant 8 : i32
        %scan3A_448 = arith.addi %scan3A_446, %scan3A_447 : i32
        %scan3A_449 = arith.constant 1 : i32
        %scan3A_450 = scf.for %scan3A_454 = %scan3A_446 to %scan3A_448 step %scan3A_449 iter_args(%scan3A_455 = %scan3A_445) -> (i32)  : i32 {
          %mul3A_456 = arith.constant 16 : i32
          %mul3A_457 = arith.muli %scan3A_454, %mul3A_456 : i32
          %add3A_458 = vector.broadcast %mul3A_457 : i32 to vector<16xi32>
          %add3A_459 = arith.addi %add3A_458, %iota3A : vector<16xi32>
          %add3A_460 = vector.broadcast %scan3A_432 : i32 to vector<16xi32>
          %add3A_461 = arith.addi %add3A_460, %add3A_459 : vector<16xi32>
          %add3A_462 = vector.broadcast %add3A_294 : i32 to vector<16xi32>
          %add3A_463 = arith.addi %add3A_462, %add3A_461 : vector<16xi32>
          %lt3A = vector.broadcast %squeeze3A_437 : i32 to vector<16xi32>
          %lt3A_464 = arith.cmpi slt, %add3A_459, %lt3A : vector<16xi32>
          %lt3A_465 = vector.broadcast %sub3A_303 : i32 to vector<16xi32>
          %lt3A_466 = arith.cmpi slt, %add3A_461, %lt3A_465 : vector<16xi32>
          %and3A_467 = arith.andi %lt3A_464, %lt3A_466 : vector<16xi1>
          %ge3A_468 = arith.constant 0 : i32
          %ge3A_469 = vector.broadcast %ge3A_468 : i32 to vector<16xi32>
          %ge3A_470 = arith.cmpi sge, %add3A_463, %ge3A_469 : vector<16xi32>
          %lt3A_471 = arith.constant 128 : i32
          %lt3A_472 = vector.broadcast %lt3A_471 : i32 to vector<16xi32>
          %lt3A_473 = arith.cmpi slt, %add3A_463, %lt3A_472 : vector<16xi32>
          %and3A_474 = arith.andi %ge3A_470, %lt3A_473 : vector<16xi1>
          %and3A_475 = arith.andi %and3A_467, %and3A_474 : vector<16xi1>
          %mul3A_476 = arith.constant 16 : i32
          %mul3A_477 = arith.muli %scan3A_454, %mul3A_476 : i32
          %get3A_478 = arith.index_cast %scan3A_430 : i32 to index
          %get3A_479 = arith.index_cast %mul3A_477 : i32 to index
          %get3A_480 = tpu.vector_load %arg18[%get3A_478, %get3A_479] {strides = array<i32>} : memref<16x128xi32, #tpu.memory_space<vmem>>, vector<16xi32>,
          tpu.vector_store_idx %arg21[%add3A_463], %get3A_480 masked %and3A_475 : memref<128xi32, #tpu.memory_space<vmem>>[vector<16xi32>], vector<16xi32>, vector<16xi1>
          %broadcast_in_dim3A_481 = arith.constant 0 : i32
          %broadcast_in_dim3A_482 = vector.broadcast %broadcast_in_dim3A_481 : i32 to vector<16xi32>
          %add3A_483 = vector.broadcast %xor3A_301 : i32 to vector<16xi32>
          %add3A_484 = arith.addi %broadcast_in_dim3A_482, %add3A_483 : vector<16xi32>
          tpu.vector_store_idx %arg20[%add3A_463], %add3A_484 masked %and3A_475 : memref<128xi32, #tpu.memory_space<vmem>>[vector<16xi32>], vector<16xi32>, vector<16xi1>
          %scan3A_485 = arith.constant 0 : i32
          scf.yield %scan3A_485 : i32
        }
        %scan3A_451 = arith.constant 8 : i32
        %add3A_452 = arith.addi %scan3A_431, %squeeze3A : i32
        %add3A_453 = arith.addi %scan3A_432, %squeeze3A_437 : i32
        scf.yield %add3A_452, %add3A_453 : i32, i32
      }
      %scan3A_429 = arith.constant 16 : i32
      "tpu.region"() ({
        %run_scoped3A = tpu.sem_alloc : memref<!tpu.dma_semaphore, #tpu.memory_space<semaphore_mem>>
        %dma_start3A = arith.constant 0 : i32
        %dma_start3A_430 = tpu.memref_slice %arg3[%arg0, %dma_start3A] : memref<2x128xi32, #tpu.memory_space<hbm>> -> memref<1x128xi32, #tpu.memory_space<hbm>>
        %dma_start3A_431 = tpu.memref_squeeze %dma_start3A_430 : memref<1x128xi32, #tpu.memory_space<hbm>> -> memref<128xi32, #tpu.memory_space<hbm>>
        %dma_start3A_432 = arith.constant 0 : i32
        %dma_start3A_433 = tpu.memref_slice %arg3[%arg0, %dma_start3A_432] : memref<2x128xi32, #tpu.memory_space<hbm>> -> memref<1x128xi32, #tpu.memory_space<hbm>>
        %dma_start3A_434 = tpu.memref_squeeze %dma_start3A_433 : memref<1x128xi32, #tpu.memory_space<hbm>> -> memref<128xi32, #tpu.memory_space<hbm>>
        tpu.enqueue_dma source(%arg20 : memref<128xi32, #tpu.memory_space<vmem>>) target(%dma_start3A_434 : memref<128xi32, #tpu.memory_space<hbm>>) target_semaphore(%run_scoped3A : memref<!tpu.dma_semaphore, #tpu.memory_space<semaphore_mem>>)
        %dma_wait3A = arith.constant 0 : i32
        %dma_wait3A_435 = tpu.memref_slice %arg3[%arg0, %dma_wait3A] : memref<2x128xi32, #tpu.memory_space<hbm>> -> memref<1x128xi32, #tpu.memory_space<hbm>>
        %dma_wait3A_436 = tpu.memref_squeeze %dma_wait3A_435 : memref<1x128xi32, #tpu.memory_space<hbm>> -> memref<128xi32, #tpu.memory_space<hbm>>
        %dma_wait3A_437 = arith.constant 0 : i32
        %dma_wait3A_438 = tpu.memref_slice %arg3[%arg0, %dma_wait3A_437] : memref<2x128xi32, #tpu.memory_space<hbm>> -> memref<1x128xi32, #tpu.memory_space<hbm>>
        %dma_wait3A_439 = tpu.memref_squeeze %dma_wait3A_438 : memref<1x128xi32, #tpu.memory_space<hbm>> -> memref<128xi32, #tpu.memory_space<hbm>>
        tpu.wait_dma2 semaphore(%run_scoped3A : memref<!tpu.dma_semaphore, #tpu.memory_space<semaphore_mem>>) src(%arg20 : memref<128xi32, #tpu.memory_space<vmem>>) dst(%dma_wait3A_439 : memref<128xi32, #tpu.memory_space<hbm>>)
        tpu.yield
      }) : () -> ()
      "tpu.region"() ({
        %run_scoped3A = tpu.sem_alloc : memref<!tpu.dma_semaphore, #tpu.memory_space<semaphore_mem>>
        %dma_start3A = arith.constant 0 : i32
        %dma_start3A_430 = tpu.memref_slice %arg4[%arg0, %dma_start3A] : memref<2x128xi32, #tpu.memory_space<hbm>> -> memref<1x128xi32, #tpu.memory_space<hbm>>
        %dma_start3A_431 = tpu.memref_squeeze %dma_start3A_430 : memref<1x128xi32, #tpu.memory_space<hbm>> -> memref<128xi32, #tpu.memory_space<hbm>>
        %dma_start3A_432 = arith.constant 0 : i32
        %dma_start3A_433 = tpu.memref_slice %arg4[%arg0, %dma_start3A_432] : memref<2x128xi32, #tpu.memory_space<hbm>> -> memref<1x128xi32, #tpu.memory_space<hbm>>
        %dma_start3A_434 = tpu.memref_squeeze %dma_start3A_433 : memref<1x128xi32, #tpu.memory_space<hbm>> -> memref<128xi32, #tpu.memory_space<hbm>>
        tpu.enqueue_dma source(%arg21 : memref<128xi32, #tpu.memory_space<vmem>>) target(%dma_start3A_434 : memref<128xi32, #tpu.memory_space<hbm>>) target_semaphore(%run_scoped3A : memref<!tpu.dma_semaphore, #tpu.memory_space<semaphore_mem>>)
        %dma_wait3A = arith.constant 0 : i32
        %dma_wait3A_435 = tpu.memref_slice %arg4[%arg0, %dma_wait3A] : memref<2x128xi32, #tpu.memory_space<hbm>> -> memref<1x128xi32, #tpu.memory_space<hbm>>
        %dma_wait3A_436 = tpu.memref_squeeze %dma_wait3A_435 : memref<1x128xi32, #tpu.memory_space<hbm>> -> memref<128xi32, #tpu.memory_space<hbm>>
        %dma_wait3A_437 = arith.constant 0 : i32
        %dma_wait3A_438 = tpu.memref_slice %arg4[%arg0, %dma_wait3A_437] : memref<2x128xi32, #tpu.memory_space<hbm>> -> memref<1x128xi32, #tpu.memory_space<hbm>>
        %dma_wait3A_439 = tpu.memref_squeeze %dma_wait3A_438 : memref<1x128xi32, #tpu.memory_space<hbm>> -> memref<128xi32, #tpu.memory_space<hbm>>
        tpu.wait_dma2 semaphore(%run_scoped3A : memref<!tpu.dma_semaphore, #tpu.memory_space<semaphore_mem>>) src(%arg21 : memref<128xi32, #tpu.memory_space<vmem>>) dst(%dma_wait3A_439 : memref<128xi32, #tpu.memory_space<hbm>>)
        tpu.yield
      }) : () -> ()
    } else {
    }
    return
  }
}

module attributes {stable_mosaic.version = 14 : i64} {
  func.func @_score_body(%arg0: i32, %arg1: memref<2048x128xf32, #tpu.memory_space<vmem>>, %arg2: memref<128x8xf32, #tpu.memory_space<vmem>>, %arg3: memref<2048x8xf32, #tpu.memory_space<vmem>>) attributes {dimension_semantics = [#tpu.dimension_semantics<arbitrary>], iteration_bounds = array<i64: 62>, scalar_prefetch = 0 : i64, scratch_operands = 0 : i64, tpu.core_type = #tpu.core_type<tc>, window_params = [{transform_indices = @transform_0, window_bounds = array<i64: 2048, 128>}, {pipeline_mode = #tpu.pipeline_mode<synchronous>, transform_indices = @transform_1, window_bounds = array<i64: 128, 8>}, {transform_indices = @transform_2, window_bounds = array<i64: 2048, 8>}]} {
    %get3A = arith.constant 0 : index
    %get3A_0 = arith.constant 0 : index
    %get3A_1 = vector.load %arg1[%get3A, %get3A_0] : memref<2048x128xf32, #tpu.memory_space<vmem>>, vector<2048x128xf32>
    %get3A_2 = arith.constant 0 : index
    %get3A_3 = arith.constant 0 : index
    %get3A_4 = vector.load %arg2[%get3A_2, %get3A_3] : memref<128x8xf32, #tpu.memory_space<vmem>>, vector<128x8xf32>
    %dot_general3A = arith.constant dense<0.000000e+00> : vector<2048x8xf32>
    %dot_general3A_5 = tpu.matmul %get3A_1, %get3A_4, %dot_general3A {dimension_numbers = #tpu.dot_dimension_numbers<[1], [0], [0], [1], [0, 0, 1, 1], [], []>, precision = #tpu.contract_precision<fp32>, transpose_lhs_hint = false} : vector<2048x128xf32>, vector<128x8xf32>, vector<2048x8xf32> -> vector<2048x8xf32>
    %swap3A = arith.constant 0 : index
    %swap3A_6 = arith.constant 0 : index
    %swap3A_7 = vector.load %arg3[%swap3A, %swap3A_6] : memref<2048x8xf32, #tpu.memory_space<vmem>>, vector<2048x8xf32>
    tpu.vector_store %arg3[%swap3A, %swap3A_6], %dot_general3A_5 {strides = array<i32>} : memref<2048x8xf32, #tpu.memory_space<vmem>>, vector<2048x8xf32>,
    return
  }
  func.func @transform_0(%arg0: i32) -> (i32, i32) {
    %c0_i32 = arith.constant 0 : i32
    %c0_i32_0 = arith.constant 0 : i32
    return %arg0, %c0_i32 : i32, i32
  }
  func.func @transform_1(%arg0: i32) -> (i32, i32) {
    %c0_i32 = arith.constant 0 : i32
    %c0_i32_0 = arith.constant 0 : i32
    %c0_i32_1 = arith.constant 0 : i32
    return %c0_i32, %c0_i32_0 : i32, i32
  }
  func.func @transform_2(%arg0: i32) -> (i32, i32) {
    %c0_i32 = arith.constant 0 : i32
    %c0_i32_0 = arith.constant 0 : i32
    return %arg0, %c0_i32 : i32, i32
  }
}

module attributes {stable_mosaic.version = 14 : i64} {
  func.func @_final_body(%arg0: memref<1x256xi32, #tpu.memory_space<vmem>>, %arg1: memref<1x256xi32, #tpu.memory_space<vmem>>, %arg2: memref<1x100xf32, #tpu.memory_space<vmem>>, %arg3: memref<1x100xi32, #tpu.memory_space<vmem>>) attributes {dimension_semantics = [], scalar_prefetch = 0 : i64, scratch_operands = 0 : i64, tpu.core_type = #tpu.core_type<tc>} {
    %get3A = arith.constant 0 : index
    %get3A_0 = arith.constant 0 : index
    %get3A_1 = vector.load %arg0[%get3A, %get3A_0] : memref<1x256xi32, #tpu.memory_space<vmem>>, vector<1x256xi32>
    %get3A_2 = arith.constant 0 : index
    %get3A_3 = arith.constant 0 : index
    %get3A_4 = vector.load %arg1[%get3A_2, %get3A_3] : memref<1x256xi32, #tpu.memory_space<vmem>>, vector<1x256xi32>
    %iota3A = tpu.iota {dimensions = array<i32: 1>} : vector<1x128xi32>
    %broadcast_in_dim3A = arith.constant -2147483648 : i32
    %broadcast_in_dim3A_5 = vector.broadcast %broadcast_in_dim3A : i32 to vector<1x128xi32>
    %broadcast_in_dim3A_6 = arith.constant 2147483647 : i32
    %broadcast_in_dim3A_7 = vector.broadcast %broadcast_in_dim3A_6 : i32 to vector<1x128xi32>
    %scan3A = arith.constant 0 : i32
    %scan3A_8 = arith.constant 100 : i32
    %scan3A_9 = arith.addi %scan3A, %scan3A_8 : i32
    %scan3A_10 = arith.constant 1 : i32
    %scan3A_11:3 = scf.for %scan3A_23 = %scan3A to %scan3A_9 step %scan3A_10 iter_args(%scan3A_24 = %get3A_1, %scan3A_25 = %broadcast_in_dim3A_5, %scan3A_26 = %broadcast_in_dim3A_7) -> (vector<1x256xi32>, vector<1x128xi32>, vector<1x128xi32>)  : i32 {
      %reduce_max3A = vector.shape_cast %scan3A_24 : vector<1x256xi32> to vector<1x1x256xi32>
      %reduce_max3A_27 = arith.constant dense<-2147483648> : vector<1xi32>
      %reduce_max3A_28 = vector.multi_reduction <maxsi>, %reduce_max3A, %reduce_max3A_27 [1, 2] : vector<1x1x256xi32> to vector<1xi32>
      %reduce_max3A_29 = vector.shape_cast %reduce_max3A_28 : vector<1xi32> to vector<1x1x1xi32>
      %reduce_max3A_30 = vector.extract %reduce_max3A_29[0, 0, 0] : i32 from vector<1x1x1xi32>
      %eq3A = vector.broadcast %reduce_max3A_30 : i32 to vector<1x256xi32>
      %eq3A_31 = arith.cmpi eq, %scan3A_24, %eq3A : vector<1x256xi32>
      %jit3A = arith.constant 2147483647 : i32
      %broadcast_in_dim3A_32 = vector.broadcast %jit3A : i32 to vector<1x256xi32>
      %select_n3A_33 = arith.select %eq3A_31, %get3A_4, %broadcast_in_dim3A_32 : vector<1x256xi1>, vector<1x256xi32>
      %reduce_min3A = vector.shape_cast %select_n3A_33 : vector<1x256xi32> to vector<1x1x256xi32>
      %reduce_min3A_34 = arith.constant dense<2147483647> : vector<1xi32>
      %reduce_min3A_35 = vector.multi_reduction <minsi>, %reduce_min3A, %reduce_min3A_34 [1, 2] : vector<1x1x256xi32> to vector<1xi32>
      %reduce_min3A_36 = vector.shape_cast %reduce_min3A_35 : vector<1xi32> to vector<1x1x1xi32>
      %reduce_min3A_37 = vector.extract %reduce_min3A_36[0, 0, 0] : i32 from vector<1x1x1xi32>
      %eq3A_38 = vector.broadcast %scan3A_23 : i32 to vector<1x128xi32>
      %eq3A_39 = arith.cmpi eq, %iota3A, %eq3A_38 : vector<1x128xi32>
      %broadcast_in_dim3A_40 = vector.broadcast %reduce_max3A_30 : i32 to vector<1x128xi32>
      %select_n3A_41 = arith.select %eq3A_39, %broadcast_in_dim3A_40, %scan3A_25 : vector<1x128xi1>, vector<1x128xi32>
      %eq3A_42 = vector.broadcast %scan3A_23 : i32 to vector<1x128xi32>
      %eq3A_43 = arith.cmpi eq, %iota3A, %eq3A_42 : vector<1x128xi32>
      %broadcast_in_dim3A_44 = vector.broadcast %reduce_min3A_37 : i32 to vector<1x128xi32>
      %select_n3A_45 = arith.select %eq3A_43, %broadcast_in_dim3A_44, %scan3A_26 : vector<1x128xi1>, vector<1x128xi32>
      %eq3A_46 = vector.broadcast %reduce_max3A_30 : i32 to vector<1x256xi32>
      %eq3A_47 = arith.cmpi eq, %scan3A_24, %eq3A_46 : vector<1x256xi32>
      %eq3A_48 = vector.broadcast %reduce_min3A_37 : i32 to vector<1x256xi32>
      %eq3A_49 = arith.cmpi eq, %get3A_4, %eq3A_48 : vector<1x256xi32>
      %and3A = arith.andi %eq3A_47, %eq3A_49 : vector<1x256xi1>
      %jit3A_50 = arith.constant -2147483648 : i32
      %broadcast_in_dim3A_51 = vector.broadcast %jit3A_50 : i32 to vector<1x256xi32>
      %select_n3A_52 = arith.select %and3A, %broadcast_in_dim3A_51, %scan3A_24 : vector<1x256xi1>, vector<1x256xi32>
      scf.yield %select_n3A_52, %select_n3A_41, %select_n3A_45 : vector<1x256xi32>, vector<1x128xi32>, vector<1x128xi32>
    }
    %scan3A_12 = arith.constant 100 : i32
    %ge3A = arith.constant 0 : i32
    %ge3A_13 = vector.broadcast %ge3A : i32 to vector<1x128xi32>
    %ge3A_14 = arith.cmpi sge, %scan3A_11#1, %ge3A_13 : vector<1x128xi32>
    %xor3A = arith.constant 2147483647 : i32
    %xor3A_15 = vector.broadcast %xor3A : i32 to vector<1x128xi32>
    %xor3A_16 = arith.xori %scan3A_11#1, %xor3A_15 : vector<1x128xi32>
    %select_n3A = arith.select %ge3A_14, %scan3A_11#1, %xor3A_16 : vector<1x128xi1>, vector<1x128xi32>
    %bitcast_convert_type3A = tpu.bitcast %select_n3A : vector<1x128xi32> -> vector<1x128xf32>
    %slice3A = vector.extract_strided_slice %bitcast_convert_type3A {offsets = [0, 0], sizes = [1, 100], strides = [1, 1]} : vector<1x128xf32> to vector<1x100xf32>
    %swap3A = arith.constant 0 : index
    %swap3A_17 = arith.constant 0 : index
    %swap3A_18 = vector.load %arg2[%swap3A, %swap3A_17] : memref<1x100xf32, #tpu.memory_space<vmem>>, vector<1x100xf32>
    tpu.vector_store %arg2[%swap3A, %swap3A_17], %slice3A {strides = array<i32>} : memref<1x100xf32, #tpu.memory_space<vmem>>, vector<1x100xf32>,
    %slice3A_19 = vector.extract_strided_slice %scan3A_11#2 {offsets = [0, 0], sizes = [1, 100], strides = [1, 1]} : vector<1x128xi32> to vector<1x100xi32>
    %swap3A_20 = arith.constant 0 : index
    %swap3A_21 = arith.constant 0 : index
    %swap3A_22 = vector.load %arg3[%swap3A_20, %swap3A_21] : memref<1x100xi32, #tpu.memory_space<vmem>>, vector<1x100xi32>
    tpu.vector_store %arg3[%swap3A_20, %swap3A_21], %slice3A_19 {strides = array<i32>} : memref<1x100xi32, #tpu.memory_space<vmem>>, vector<1x100xi32>,
    return
  }
}

</mosaic_0001>

<sc_bundles>
// kernel: kernel.5.cloned.1.call-start
scs
__scs_entry_jumppad:
0x0: {  	(pc) =	sbr.rel $0x88, $3  }
0x1: {  	(tag) =	ssettag $0x0;
	lr =	simm.s32 $0x1  }
0x2: {  	[smem:$0x3F9F] =	sst lr;
	_ =	strace $0xD0000000  }
0x3: {  	_ = 	snop  }
0x4: {  	_ = 	snop  }
0x5: {  	_ = 	snop  }
0x6: {  	_ = 	snop  }
0x7: {  	_ = 	snop  }
__scs_overlays_trampoline_lowered:
0x8: {  	[smem:$0x3FAE] =	sst s0  }
0x9: {  	[smem:$0x3FAF] =	sst s1  }
0xa: {  	[smem:$0x3FB0] =	sst s2  }
0xb: {  	[smem:$0x3FB1] =	sst s3  }
0xc: {  	[smem:$0x3FB2] =	sst s4  }
0xd: {  	[smem:$0x3FB3] =	sst s5  }
0xe: {  	[smem:$0x3FB4] =	sst s6  }
0xf: {  	[smem:$0x3FB5] =	sst s7  }
0x10: {  	[smem:$0x3FB6] =	sst s8  }
0x11: {  	[smem:$0x3FB7] =	sst s9;
	s0 =	simm.s32 @!p0 $0x0  }
0x12: {  	s1 =	sld [smem:$0x3F9D];
	s0 =	simm.s32 @p0 $0x1  }
0x13: {  	[smem:$0x3FB8] =	sst s0;
	s0 =	simm.s32 @!p1 $0x0  }
0x14: {  	s2 =	sld [smem:$0x3F9C];
	s0 =	simm.s32 @p1 $0x1  }
0x15: {  	[smem:$0x3FB9] =	sst s0;
	s0 =	simm.s32 @!p2 $0x0  }
0x16: {  	s3 =	sld [smem:$0x3FDB];
	s0 =	simm.s32 @p2 $0x1  }
0x17: {  	s4 =	simm.s32 $0x1BF5;
	[smem:$0x3FBB] =	sst s0  }
0x18: {  	s0 =	sld [smem:$0x3F9E];
	_ =	swait.ge [sflag:s4], $0x0  }
0x19: {  	s7 =	sld [smem:$0x3F9F]  }
0x1a: {  	s8 =	sadd.s32 $0xFFFFE003, lr  }
0x1b: {  	s9 =	sadd.s32 $0xFFFFFEF7, lr;
	s5 =	simm.s32 $0xFFFFFFFF;
	p2 =	slt.u32 s8, $0xFFFFF086  }
0x1c: {  	p1 =	slt.u32 s9, $0xF7A;
	s5 =	simm.s32 @!p2 $0x0  }
0x1d: {  	s5 =	simm.s32 @p1 $0x1;
	p0 =	seq.s32 s7, s2  }
0x1e: {  	s7 =	smul.u32 @!p0 $0xF7A, s2;
	p2 =	seq.s32 @!p0 s5, $0x0  }
0x1f: {  	s9 =	smul.u32 $0xF7A, s1;
	s8 =	simm.s32 @!p0 $0x1BF5;
	p2 =	por !p2, p0  }
0x20: {  	[sflag:s8] =	ssyncset.s32 @!p0 $0xFFFFF086;
	s6 =	sadd.s32 @!p0 s3, s7;
	s7 =	simm.s32 @!p0 $0x108  }
0x21: {  	s3 =	sadd.s32 s3, s9;
	s6 =	sadd.s32 @!p0 $0x88, s6;
	s7 =	simm.s32 @p2 $0x1082  }
0x22: {  	[simem:s7], [sflag:s8] =	dma.local @!p0 [hbm:s6], $0xF7A  }
0x23: {  	s9 =	sor.u32 $0xD0000000, s2;
	s6 =	simm.s32 $0x108;
	_ =	swait.ge @!p0 [sflag:s8], $0x0  }
0x24: {  	s3 =	sadd.s32 $0x88, s3;
	s6 =	simm.s32 @!p1 $0x1082;
	[sflag:s4] =	ssyncset.s32 $0xFFFFF086  }
0x25: {  	[simem:s6], [sflag:s4] =	dma.local [hbm:s3], $0xF7A  }
0x26: {  	[smem:$0x3F9F] =	sst s1;
	(tag) =	ssettag s2;
	_ =	strace s9  }
0x27: {  	s1 =	sld [smem:$0x3FAF]  }
0x28: {  	s2 =	sld [smem:$0x3FB0]  }
0x29: {  	s4 =	sld [smem:$0x3FB2]  }
0x2a: {  	p0 =	seq.s32 s5, $0x0;
	s5 =	sld [smem:$0x3FB3]  }
0x2b: {  	s6 =	sld [smem:$0x3FB4]  }
0x2c: {  	s7 =	sld [smem:$0x3FB5]  }
0x2d: {  	s3 =	simm.s32 $0x108;
	s8 =	sld [smem:$0x3FB6]  }
0x2e: {  	s3 =	simm.s32 @!p0 $0x1082;
	s9 =	sld [smem:$0x3FB7]  }
0x2f: {  	lr =	sadd.s32 s0, s3;
	s0 =	sld [smem:$0x3FAE]  }
0x30: {  	s3 =	sld [smem:$0x3FB1]  }
0x31: {  	[smem:$0x3FBA] =	sst s10  }
0x32: {  	s10 =	sld [smem:$0x3FB8];
	_ =	sdelay $0x3  }
0x33: {  	p0 =	seq.s32 s10, $0x1;
	s10 =	sld [smem:$0x3FBA];
	_ =	sdelay $0x3  }
0x34: {  	[smem:$0x3FBA] =	sst s10  }
0x35: {  	s10 =	sld [smem:$0x3FB9];
	_ =	sdelay $0x3  }
0x36: {  	p1 =	seq.s32 s10, $0x1;
	s10 =	sld [smem:$0x3FBA];
	_ =	sdelay $0x3  }
0x37: {  	[smem:$0x3FBA] =	sst s10  }
0x38: {  	s10 =	sld [smem:$0x3FBB]  }
0x39: {  	_ = 	snop;
	(pc) =	sbr.ind lr, $3  }
0x3a: {  	_ = 	snop  }
0x3b: {  	_ = 	snop  }
0x3c: {  	p2 =	seq.s32 s10, $0x1;
	s10 =	sld [smem:$0x3FBA]  }
0x3d: {  	_ =	shalt  }
0x3e: {  	_ =	shalt  }
0x3f: {  	_ =	shalt  }
0x40: {  	_ =	shalt  }
0x41: {  	_ =	shalt  }
0x42: {  	_ =	shalt  }
0x43: {  	_ =	shalt  }
0x44: {  	_ =	shalt  }
0x45: {  	_ =	shalt  }
0x46: {  	_ =	shalt  }
0x47: {  	_ =	shalt  }
0x48: {  	_ =	shalt  }
0x49: {  	_ =	shalt  }
0x4a: {  	_ =	shalt  }
0x4b: {  	_ =	shalt  }
0x4c: {  	_ =	shalt  }
0x4d: {  	_ =	shalt  }
0x4e: {  	_ =	shalt  }
0x4f: {  	_ =	shalt  }
0x50: {  	_ =	shalt  }
0x51: {  	_ =	shalt  }
0x52: {  	_ =	shalt  }
0x53: {  	_ =	shalt  }
0x54: {  	_ =	shalt  }
0x55: {  	_ =	shalt  }
0x56: {  	_ =	shalt  }
0x57: {  	_ =	shalt  }
0x58: {  	_ =	shalt  }
0x59: {  	_ =	shalt  }
0x5a: {  	_ =	shalt  }
0x5b: {  	_ =	shalt  }
0x5c: {  	_ =	shalt  }
0x5d: {  	_ =	shalt  }
0x5e: {  	_ =	shalt  }
0x5f: {  	_ =	shalt  }
0x60: {  	_ =	shalt  }
0x61: {  	_ =	shalt  }
0x62: {  	_ =	shalt  }
0x63: {  	_ =	shalt  }
0x64: {  	_ =	shalt  }
0x65: {  	_ =	shalt  }
0x66: {  	_ =	shalt  }
0x67: {  	_ =	shalt  }
0x68: {  	_ =	shalt  }
0x69: {  	_ =	shalt  }
0x6a: {  	_ =	shalt  }
0x6b: {  	_ =	shalt  }
0x6c: {  	_ =	shalt  }
0x6d: {  	_ =	shalt  }
0x6e: {  	_ =	shalt  }
0x6f: {  	_ =	shalt  }
0x70: {  	_ =	shalt  }
0x71: {  	_ =	shalt  }
0x72: {  	_ =	shalt  }
0x73: {  	_ =	shalt  }
0x74: {  	_ =	shalt  }
0x75: {  	_ =	shalt  }
0x76: {  	_ =	shalt  }
0x77: {  	_ =	shalt  }
0x78: {  	_ =	shalt  }
0x79: {  	_ =	shalt  }
0x7a: {  	_ =	shalt  }
0x7b: {  	_ =	shalt  }
0x7c: {  	_ =	shalt  }
0x7d: {  	_ =	shalt  }
0x7e: {  	_ =	shalt  }
0x7f: {  	_ =	shalt  }
0x80: {  	_ =	shalt  }
0x81: {  	_ =	shalt  }
0x82: {  	_ =	shalt  }
0x83: {  	_ =	shalt  }
0x84: {  	_ =	shalt  }
0x85: {  	_ =	shalt  }
0x86: {  	_ =	shalt  }
0x87: {  	_ =	shalt  }
.Lfunc_end0:
.L_simem_size_0:
called_computation_lowered:
.L_overlay_start_0:
0x88: {  	s2 =	sld [smem:$0x3FD9]  }
0x89: {  	s3 =	sld [smem:$0x3FFE];
	_ =	sdelay $0x1  }
0x8a: {  	s1 =	srdreg.scid  }
0x8b: {  	s0 =	sand.u32 $0x1, s1  }
0x8c: {  	s16 =	sshll.u32 s0, $0xA;
	s2 =	sadd.s32 s3, s2  }
0x8d: {  	s2 =	sadd.s32 s2, s16  }
0x8e: {  	[smem:$0x3FC6] =	sst s2  }
0x8f: {  	_ = 	snop  }
0x90: {  	(tm) =	ssettm $0x1  }
0x91: {  	s17 =	sld [smem:$0x3FFB];
	_ =	sdelay $0x3  }
0x92: {  	_ =	strace s17  }
0x93: {  	s2 =	sld [smem:$0x3FFC];
	_ =	sdelay $0x3  }
0x94: {  	_ =	strace s2  }
0x95: {  	s2 =	sld [smem:$0x3FFD];
	_ =	sdelay $0x3  }
0x96: {  	_ =	strace s2  }
0x97: {  	_ =	strace $0x8FFFFFFF  }
0x98: {  	s18 =	sld [smem:$0x3FDB];
	_ =	sdelay $0x1  }
0x99: {  	s19 =	simm.s32 $_scs_section_size  }
0x9a: {  	s4 =	simm.s32 $_size__tile_overlayer_lowered;
	s5 =	simm.s32 $_tile_overlayer_lowered  }
0x9b: {  	s22 =	simm.s32 $0x1BFF;
	s21 =	sshll.u32 s5, $0x1;
	s2 =	sadd.s32 s19, s18  }
0x9c: {  	s6 =	simm.s32 $0x0;
	s20 =	sshll.u32 s4, $0x1;
	s4 =	sadd.s32 s21, s2  }
0x9d: {  	[timem:s6], [sflag:s22] =	dma.local [hbm:s4], s20  }
0x9e: {  	_ =	swait.ge [sflag:s22], s20  }
0x9f: {  	s3 =	ssub.s32 $0x0, s20;
	[sflag:s22] =	ssyncset.done $0x0  }
0xa0: {  	[sflag:s22] =	ssyncadd.s32 s3;
	_ =	sdelay $0x1  }
0xa1: {  	s23 =	simm.s32 $0x1B8B  }
0xa2: {  	_ =	swait.ge [sflag:s23], $0x1  }
0xa3: {  	[sflag:s23] =	ssyncset.done $0x0  }
0xa4: {  	s25 =	simm.s32 $0x1B8E;
	s24 =	sld [smem:$0x3FFE];
	[sflag:s23] =	ssyncadd.s32 $0xFFFFFFFF  }
0xa5: {  	s26 =	simm.s32 $execute0_lowered;
	[smem:$0x3FD2] =	sst s25  }
0xa6: {  	s4 =	sshll.u32 s26, $0x1;
	_ =	strace $0x80000046;
	[dreg:$0x1] =	wrdreg $0xFFFFFFFF  }
0xa7: {  	s28 =	simm.s32 $_size_execute0_lowered;
	s2 =	sadd.s32 s2, s4;
	[dreg:$0x0] =	wrdreg $0x0  }
0xa8: {  	s4 =	sshll.u32 s28, $0x1;
	[dreg:$0x2] =	wrdreg s2  }
0xa9: {  	[dreg:$0x3] =	wrdreg s4  }
0xaa: {  	[dreg:$0x4] =	wrdreg $0xC0  }
0xab: {  	_ =	task [dreg:s6], $0x5FFFF  }
0xac: {  	[dreg:$0x1] =	wrdreg $0xFFFFFFFF  }
0xad: {  	[dreg:$0x0] =	wrdreg $0x60  }
0xae: {  	[dreg:$0x2] =	wrdreg s24  }
0xaf: {  	[dreg:$0x3] =	wrdreg $0x134800  }
0xb0: {  	[dreg:$0x4] =	wrdreg $0x135000  }
0xb1: {  	[dreg:$0x5] =	wrdreg $0x135800  }
0xb2: {  	[dreg:$0x6] =	wrdreg $0x136000  }
0xb3: {  	[dreg:$0x7] =	wrdreg $0x12C000  }
0xb4: {  	[dreg:$0x8] =	wrdreg $0x134000  }
0xb5: {  	[dreg:$0x9] =	wrdreg $0x9  }
0xb6: {  	_ =	task.clear_ibuf [dreg:s6], $0xAFFFF;
	_ =	strace $0x90000046  }
0xb7: {  	s29 =	simm.s32 $0x9;
	_ =	strace $0x80000048  }
0xb8: {  	_ =	swait.ge [sflag:s29], $0x1  }
0xb9: {  	[sflag:s29] =	ssyncadd.s32 $0xFFFFFFFF  }
0xba: {  	_ =	strace $0x90000048  }
0xbb: {  	_ =	sfence  }
0xbc: {  	s30 =	sld [smem:$0x0];
	_ =	sdelay $0x2  }
0xbd: {  	s31 =	sshll.u32 s1, $0xD;
	s1 =	sshrl.u32 s1, $0x2  }
0xbe: {  	s3 =	sand.u32 $0x4000, s31;
	s1 =	sadd.s32 s1, s30  }
0xbf: {  	s0 =	sor.u32 s3, s0;
	s1 =	sshll.u32 s1, $0x11  }
0xc0: {  	s0 =	sor.u32 s1, s0  }
0xc1: {  	s0 =	sadd.s32 $0x8F2B, s0  }
0xc2: {  	[sflag:s0] =	ssyncadd.remote.s32 $0x1  }
0xc3: {  	_ =	sfence.sel $0xFFFF  }
0xc4: {  	[dreg:$0x0] =	wrdreg $0xFFFFFFFF;
	(pc) =	sbr.abs _section_cstart, $3  }
0xc5: {  	[dreg:$0x1] =	wrdreg $0xFFFFFFFF  }
0xc6: {  	_ =	task.clear_ibuf [dreg:s6], $0x2FFFF;
	_ =	strace $0x9FFFFFFF  }
0xc7: {  	(tm) =	ssettm $0x7FFFFFFF  }
tec
execute0_lowered:
.L_overlay_start_1:
0x0: {  	(tag) =	ssettag $0x1  }
0x1: {  	s0 =	rddreg [dreg:$0x0]  }
0x2: {  	s9 =	rddreg [dreg:$0x1]  }
0x3: {  	s17 =	rddreg [dreg:$0x2]  }
0x4: {  	s18 =	rddreg [dreg:$0x3]  }
0x5: {  	s19 =	rddreg [dreg:$0x4]  }
0x6: {  	s1 =	srdreg.scid;
	s4 =	rddreg [dreg:$0x5]  }
0x7: {  	s2 =	stileid.u32;
	s20 =	rddreg [dreg:$0x6]  }
0x8: {  	s6 =	simm.s32 $0x0;
	s7 =	simm.s32 $0x3E4;
	s31 =	simm.s32 $0x1  }
0x9: {  	s1 =	sand.u32 $0x1, s1;
	s5 =	smul.u32 $0x7C00, s2;
	[smem:$0x7FF] =	sst s6  }
0xa: {  	p1 =	seq.s32 s2, $0xF;
	s22 =	sshll.u32 s2, $0xB;
	s23 =	sshll.u32 s2, $0x7  }
0xb: {  	s12 =	sshll.u32 s2, $0x6;
	s25 =	sshll.u32 s2, $0xA;
	s6 =	simm.s32 $0x10A00  }
0xc: {  	s3 =	smul.u32 $0x7C000, s1;
	_ =	strace $0x80000047;
	s15 =	sshll.u32 s1, $0x4  }
0xd: {  	p0 =	seq.s32 s1, $0x1;
	s1 =	ssub.s32 $0x2, s1;
	s8 =	sand.u32 $0x380, s23  }
0xe: {  	s13 =	sand.u32 $0x40, s12;
	s12 =	sadd.s32 s12, s20;
	s7 =	simm.s32 @!p0 $0x7C0  }
0xf: {  	s16 =	sshrl.u32 s1, $0x1;
	[dreg:$0xb] =	wrdreg s12;
	p0 =	sne.s32 s2, $0x0  }
0x10: {  	s3 =	sadd.s32 s5, s3;
	s7 =	simm.s32 @!p1 $0x7C0;
	s1 =	ssub.s32 s1, s16  }
0x11: {  	s16 =	sadd.s32 s25, s4;
	s5 =	sshrl.u32 s3, $0x3;
	s21 =	sadd.s32 $0xFFFFFFFF, s7  }
0x12: {  	s10 =	sadd.s32 $0xFFFFFFFE, s7;
	s11 =	sadd.s32 $0xFFFFFFFD, s7;
	s25 =	smax.u32 s1, $0x1  }
0x13: {  	s28 =	sadd.s32 $0xFFFFFFFB, s7;
	s29 =	sadd.s32 $0xFFFFFFFA, s7;
	s30 =	sadd.s32 $0xFFFFFFF9, s7  }
0x14: {  	s5 =	sadd.s32 s5, s0;
	s0 =	sadd.s32 s15, s0;
	[dreg:$0x9] =	wrdreg s21  }
0x15: {  	s15 =	sshll.u32 s2, $0x9;
	s21 =	sadd.s32 s23, s9;
	[dreg:$0x13] =	wrdreg s25  }
0x16: {  	s5 =	sadd.s32 $0x1F1200, s5;
	s26 =	sshrl.u32 s15, $0x2;
	[dreg:$0xe] =	wrdreg s21  }
0x17: {  	s24 =	sand.u32 $0x1C00, s15;
	[dreg:$0x8] =	wrdreg s5;
	s15 =	sadd.s32 s26, s20  }
0x18: {  	s1 =	simm.s32 $0x0;
	s20 =	sadd.s32 s23, s19;
	[dreg:$0xc] =	wrdreg s15  }
0x19: {  	s5 =	sand.u32 $0x4000, s22;
	s22 =	sadd.s32 s23, s17;
	[dreg:$0xd] =	wrdreg s20  }
0x1a: {  	s2 =	simm.s32 $0x10880;
	s23 =	sadd.s32 s23, s18;
	[dreg:$0xf] =	wrdreg s22  }
0x1b: {  	s14 =	sadd.s32 s24, s4;
	s24 =	sadd.s32 $0x1200, s0;
	[dreg:$0x10] =	wrdreg s23  }
.Ltmp0:
0x1c: {  	s0 =	sadd.s32 $0x1400, s0;
	[dreg:$0x11] =	wrdreg s24;
	(pc) =	sbr.rel .LBB2_1-.Ltmp0, $4  }
0x1d: {  	s26 =	sor.u32 $0x70, s3;
	s5 =	sadd.s32 s5, s4;
	[dreg:$0x12] =	wrdreg s0  }
0x1e: {  	v0 =	vimm.s32 $0x0;
	v1 =	vlaneseq.u32;
	[dreg:$0x14] =	wrdreg s26;
	s26 =	sadd.s32 $0xFFFFFFFC, s7;
	s4 =	simm.s32 $0xF800  }
0x1f: {  	vm0 =	vmxor vm0, vm0;
	vm1 =	vcmask $0x300;
	vm2 =	vcmask $0x704;
	s22 =	simm.s32 $0x10900;
	s23 =	simm.s32 $0x10980;
	s5 =	sadd.s32 s8, s5  }
0x20: {  	v3 =	vimm.s32 $0x80000000;
	v4 =	vimm.s32 $0x7FFFFFFF;
	v2 =	vor.u32 $0x80000000, v1;
	s15 =	simm.s32 $0x12B80;
	s8 =	simm.s32 $0x12B00;
	[dreg:$0xa] =	wrdreg s5  }
.LBB2_41:
0x21: {  	s1 =	sadd.s32 $0x1, s1;
	s0 =	rddreg [dreg:$0x13]  }
0x22: {  	p1 =	sne.s32 s1, s0  }
.Ltmp1:
0x23: {  	_ = 	snop;
	(pc) =	sbr.rel @!p1 .LBB2_42-.Ltmp1, $1  }
0x24: {  	_ =	sdelay $0x3  }
.LBB2_1:
0x25: {  	[dreg:$0x15] =	wrdreg s1  }
0x26: {  	s0 =	simm.s32 $0x0;
	s25 =	rddreg [dreg:$0x8]  }
0x27: {  	[tilespmem:s0], [sflag:$0x1] =	stream.linear.gather [hbm4b:s25+s0], $0x7C00, $0x38;
	[tilespmem:$0x13680] =	vst v63  }
0x28: {  	_ =	swait.ge [sflag:s31], $0x7C00  }
0x29: {  	[sflag:s31] =	ssyncset.done $0x0  }
0x2a: {  	s0 =	simm.s32 $0x0;
	[sflag:s31] =	ssyncadd.s32 $0xFFFF8400  }
.LBB2_2:
0x2b: {  	p1 =	sne.s32 s0, $0xFC0  }
.Ltmp2:
0x2c: {  	_ = 	snop;
	(pc) =	sbr.rel @p1 .LBB2_2-.Ltmp2, $3  }
0x2d: {  	_ =	sdelay $0x1  }
0x2e: {  	s1 =	sshra.s32 s0, $0x2  }
0x2f: {  	s0 =	sadd.s32 $0x40, s0;
	[tilespmem:s1+$0xF800] =	vst v0  }
0x30: {  	s0 =	simm.s32 $0xFFFFFFF8  }
0x31: {  	s1 =	simm.s32 $0x40;
	s5 =	simm.s32 $0x7C40;
	s9 =	rddreg [dreg:$0x9]  }
.LBB2_4:
0x32: {  	v5 =	vld [tilespmem:s1+$0xFFFFFFC0];
	_ =	sdelay $0x4  }
0x33: {  	s0 =	sadd.s32 $0x8, s0;
	v6 =	vor.u32 $0x80000000, v5;
	v7 =	vxor.u32 $0xFFFFFFFF, v5;
	vm3 =	vlt.s32 v5, $0x0  }
0x34: {  	p1 =	slt.u32 s0, s7;
	v5 =	vsel vm3, v7, v6;
	vm3 =	vmmov vm0  }
0x35: {  	v6 =	vshrl.u32 v5, $0x16;
	vm3 =	vmneg @p1 vm3  }
0x36: {  	(xrf1) =	vunique.msk.u32 vm3, v6;
	_ =	sdelay $0xd  }
0x37: {  	_, v7, vm3 =	vpop (xrf1);
	_ =	sdelay $0x4  }
0x38: {  	[tilespmem:s5+$0xFFFFFFC0] =	vst v5  }
0x39: {  	[tilespmem:v6+s4+$0x0] =	vst.idx.add.s32.msk vm3, v7  }
0x3a: {  	v5 =	vld [tilespmem:s1+$0xFFFFFFD0];
	_ =	sdelay $0x4  }
0x3b: {  	v6 =	vor.u32 $0x80000000, v5;
	v7 =	vxor.u32 $0xFFFFFFFF, v5;
	vm3 =	vlt.s32 v5, $0x0  }
0x3c: {  	p1 =	slt.u32 s0, s9;
	v5 =	vsel vm3, v7, v6;
	vm3 =	vmmov vm0  }
0x3d: {  	v6 =	vshrl.u32 v5, $0x16;
	vm3 =	vmneg @p1 vm3  }
0x3e: {  	(xrf1) =	vunique.msk.u32 vm3, v6;
	_ =	sdelay $0xd  }
0x3f: {  	_, v7, vm3 =	vpop (xrf1);
	_ =	sdelay $0x4  }
0x40: {  	[tilespmem:s5+$0xFFFFFFD0] =	vst v5  }
0x41: {  	[tilespmem:v6+s4+$0x0] =	vst.idx.add.s32.msk vm3, v7  }
0x42: {  	v5 =	vld [tilespmem:s1+$0xFFFFFFE0];
	_ =	sdelay $0x4  }
0x43: {  	v6 =	vor.u32 $0x80000000, v5;
	v7 =	vxor.u32 $0xFFFFFFFF, v5;
	vm3 =	vlt.s32 v5, $0x0  }
0x44: {  	p1 =	slt.u32 s0, s10;
	v5 =	vsel vm3, v7, v6;
	vm3 =	vmmov vm0  }
0x45: {  	v6 =	vshrl.u32 v5, $0x16;
	vm3 =	vmneg @p1 vm3  }
0x46: {  	(xrf1) =	vunique.msk.u32 vm3, v6;
	_ =	sdelay $0xd  }
0x47: {  	_, v7, vm3 =	vpop (xrf1);
	_ =	sdelay $0x4  }
0x48: {  	[tilespmem:s5+$0xFFFFFFE0] =	vst v5  }
0x49: {  	[tilespmem:v6+s4+$0x0] =	vst.idx.add.s32.msk vm3, v7  }
0x4a: {  	v5 =	vld [tilespmem:s1+$0xFFFFFFF0];
	_ =	sdelay $0x4  }
0x4b: {  	v6 =	vor.u32 $0x80000000, v5;
	v7 =	vxor.u32 $0xFFFFFFFF, v5;
	vm3 =	vlt.s32 v5, $0x0  }
0x4c: {  	p1 =	slt.u32 s0, s11;
	v5 =	vsel vm3, v7, v6;
	vm3 =	vmmov vm0  }
0x4d: {  	v6 =	vshrl.u32 v5, $0x16;
	vm3 =	vmneg @p1 vm3  }
0x4e: {  	(xrf1) =	vunique.msk.u32 vm3, v6;
	_ =	sdelay $0xd  }
0x4f: {  	_, v7, vm3 =	vpop (xrf1);
	_ =	sdelay $0x4  }
0x50: {  	[tilespmem:s5+$0xFFFFFFF0] =	vst v5  }
0x51: {  	[tilespmem:v6+s4+$0x0] =	vst.idx.add.s32.msk vm3, v7  }
0x52: {  	v5 =	vld [tilespmem:s1+$0x0];
	_ =	sdelay $0x4  }
0x53: {  	v6 =	vor.u32 $0x80000000, v5;
	v7 =	vxor.u32 $0xFFFFFFFF, v5;
	vm3 =	vlt.s32 v5, $0x0  }
0x54: {  	p1 =	slt.u32 s0, s26;
	v5 =	vsel vm3, v7, v6;
	vm3 =	vmmov vm0  }
0x55: {  	v6 =	vshrl.u32 v5, $0x16;
	vm3 =	vmneg @p1 vm3  }
0x56: {  	(xrf1) =	vunique.msk.u32 vm3, v6;
	_ =	sdelay $0xd  }
0x57: {  	_, v7, vm3 =	vpop (xrf1);
	_ =	sdelay $0x4  }
0x58: {  	[tilespmem:s5+$0x0] =	vst v5  }
0x59: {  	[tilespmem:v6+s4+$0x0] =	vst.idx.add.s32.msk vm3, v7  }
0x5a: {  	v5 =	vld [tilespmem:s1+$0x10];
	_ =	sdelay $0x4  }
0x5b: {  	v6 =	vor.u32 $0x80000000, v5;
	v7 =	vxor.u32 $0xFFFFFFFF, v5;
	vm3 =	vlt.s32 v5, $0x0  }
0x5c: {  	p1 =	slt.u32 s0, s28;
	v5 =	vsel vm3, v7, v6;
	vm3 =	vmmov vm0  }
0x5d: {  	v6 =	vshrl.u32 v5, $0x16;
	vm3 =	vmneg @p1 vm3  }
0x5e: {  	(xrf1) =	vunique.msk.u32 vm3, v6;
	_ =	sdelay $0xd  }
0x5f: {  	_, v7, vm3 =	vpop (xrf1);
	_ =	sdelay $0x4  }
0x60: {  	[tilespmem:s5+$0x10] =	vst v5  }
0x61: {  	[tilespmem:v6+s4+$0x0] =	vst.idx.add.s32.msk vm3, v7  }
0x62: {  	v5 =	vld [tilespmem:s1+$0x20];
	_ =	sdelay $0x4  }
0x63: {  	v6 =	vor.u32 $0x80000000, v5;
	v7 =	vxor.u32 $0xFFFFFFFF, v5;
	vm3 =	vlt.s32 v5, $0x0  }
0x64: {  	p1 =	slt.u32 s0, s29;
	v5 =	vsel vm3, v7, v6;
	vm3 =	vmmov vm0  }
0x65: {  	v6 =	vshrl.u32 v5, $0x16;
	vm3 =	vmneg @p1 vm3  }
0x66: {  	(xrf1) =	vunique.msk.u32 vm3, v6;
	_ =	sdelay $0xd  }
0x67: {  	_, v7, vm3 =	vpop (xrf1);
	_ =	sdelay $0x4  }
0x68: {  	[tilespmem:s5+$0x20] =	vst v5  }
0x69: {  	[tilespmem:v6+s4+$0x0] =	vst.idx.add.s32.msk vm3, v7  }
0x6a: {  	v5 =	vld [tilespmem:s1+$0x30];
	_ =	sdelay $0x4  }
0x6b: {  	v6 =	vor.u32 $0x80000000, v5;
	v7 =	vxor.u32 $0xFFFFFFFF, v5;
	vm3 =	vlt.s32 v5, $0x0  }
0x6c: {  	p1 =	slt.u32 s0, s30;
	v5 =	vsel vm3, v7, v6;
	vm3 =	vmmov vm0  }
0x6d: {  	v6 =	vshrl.u32 v5, $0x16;
	vm3 =	vmneg @p1 vm3  }
0x6e: {  	(xrf1) =	vunique.msk.u32 vm3, v6;
	_ =	sdelay $0xd  }
0x6f: {  	_, v7, vm3 =	vpop (xrf1)  }
0x70: {  	p1 =	slt.u32 s0, $0x7B8  }
.Ltmp3:
0x71: {  	_ = 	snop;
	(pc) =	sbr.rel @p1 .LBB2_4-.Ltmp3, $3  }
0x72: {  	_ =	sdelay $0x1  }
0x73: {  	[tilespmem:s5+$0x30] =	vst v5  }
0x74: {  	s1 =	sadd.s32 $0x80, s1;
	s5 =	sadd.s32 $0x80, s5;
	[tilespmem:v6+s4+$0x0] =	vst.idx.add.s32.msk vm3, v7  }
0x75: {  	s0 =	rddreg [dreg:$0xa];
	s1 =	simm.s32 $0x80;
	s3 =	simm.s32 $0x400  }
0x76: {  	[spmem:s0] =	stream.strided.scatter [tilespmem:s4], [sflag:$0x1], $0x400, s3, s1, $0x38;
	[tilespmem:$0x13680] =	vst v63  }
0x77: {  	_ =	swait.ge [sflag:s31], $0x400  }
0x78: {  	[sflag:s31] =	ssyncset.done $0x0  }
0x79: {  	[sflag:s31] =	ssyncadd.s32 $0xFFFFFC00  }
0x7a: {  	s0 =	simm.s32 $0x0;
	[bflag:$0x0] =	sbarrier.arrive $0xFFFF  }
0x7b: {  	s24 =	sand.u32 $0x4000, s0;
	[tilespmem:$0x10800] =	vst v0  }
0x7c: {  	s25 =	sand.u32 $0x380, s0;
	s1 =	sadd.s32 s24, s14;
	[tilespmem:$0x10810] =	vst v0  }
0x7d: {  	s1 =	sadd.s32 s25, s1;
	[tilespmem:$0x10820] =	vst v0  }
0x7e: {  	s1 =	sadd.s32 s13, s1;
	[tilespmem:$0x10830] =	vst v0  }
0x7f: {  	[tilespmem:s2], [sflag:$0x1] =	stream.linear.gather [spmem:s1], $0x40, $0x38;
	[tilespmem:$0x13680] =	vst v63  }
0x80: {  	_ =	swait.ge [sflag:s31], $0x40  }
0x81: {  	[sflag:s31] =	ssyncset.done $0x0  }
0x82: {  	[sflag:s31] =	ssyncadd.s32 $0xFFFFFFC0  }
0x83: {  	v7 =	vld [tilespmem:$0x108B0]  }
0x84: {  	v5 =	vld [tilespmem:$0x108A0]  }
0x85: {  	v8 =	vld [tilespmem:$0x10890]  }
0x86: {  	v6 =	vld [tilespmem:$0x10800]  }
0x87: {  	v9 =	vld [tilespmem:$0x10830]  }
0x88: {  	s1 =	simm.s32 $0x800;
	v10 =	vld [tilespmem:$0x10810]  }
.LBB2_6:
0x89: {  	p1 =	sne.s32 s1, $0x7800  }
0x8a: {  	v11 =	vld [tilespmem:$0x10820];
	s0 =	sadd.s32 $0x80, s0;
	s3 =	smov.u32 s1;
	s1 =	sadd.s32 $0x800, s1  }
0x8b: {  	v12 =	vld [tilespmem:$0x10880];
	_ =	sdelay $0x1  }
0x8c: {  	v7 =	vadd.s32 v9, v7  }
0x8d: {  	s3 =	sand.u32 $0x4000, s3;
	v8 =	vadd.s32 v10, v8;
	[tilespmem:$0x10830] =	vst v7  }
0x8e: {  	s5 =	sand.u32 $0x380, s0;
	s3 =	sadd.s32 s3, s14;
	[tilespmem:$0x10810] =	vst v8;
	v5 =	vadd.s32 v11, v5  }
0x8f: {  	s3 =	sadd.s32 s5, s3;
	v6 =	vadd.s32 v6, v12;
	[tilespmem:$0x10820] =	vst v5  }
0x90: {  	s3 =	sadd.s32 s13, s3;
	[tilespmem:$0x10800] =	vst v6  }
0x91: {  	[tilespmem:s2], [sflag:$0x1] =	stream.linear.gather [spmem:s3], $0x40, $0x38;
	[tilespmem:$0x13680] =	vst v63  }
0x92: {  	_ =	swait.ge [sflag:s31], $0x40  }
0x93: {  	[sflag:s31] =	ssyncset.done $0x0  }
0x94: {  	[sflag:s31] =	ssyncadd.s32 $0xFFFFFFC0  }
0x95: {  	v7 =	vld [tilespmem:$0x108B0]  }
.Ltmp4:
0x96: {  	v5 =	vld [tilespmem:$0x108A0];
	(pc) =	sbr.rel @p1 .LBB2_6-.Ltmp4, $4  }
0x97: {  	v8 =	vld [tilespmem:$0x10890]  }
0x98: {  	v6 =	vld [tilespmem:$0x10800]  }
0x99: {  	v9 =	vld [tilespmem:$0x10830]  }
0x9a: {  	v10 =	vld [tilespmem:$0x10810]  }
0x9b: {  	v11 =	vld [tilespmem:$0x10820]  }
0x9c: {  	v12 =	vld [tilespmem:$0x10880];
	_ =	sdelay $0x1  }
0x9d: {  	v7 =	vadd.s32 v9, v7  }
0x9e: {  	v8 =	vadd.s32 v10, v8;
	[tilespmem:$0x10830] =	vst v7  }
0x9f: {  	[tilespmem:$0x10810] =	vst v8;
	v5 =	vadd.s32 v11, v5  }
0xa0: {  	v6 =	vadd.s32 v6, v12;
	[tilespmem:$0x10820] =	vst v5  }
0xa1: {  	s0 =	rddreg [dreg:$0xb];
	s1 =	simm.s32 $0x10800;
	[tilespmem:$0x10800] =	vst v6  }
0xa2: {  	[spmem:s0] =	stream.linear.scatter [tilespmem:s1], [sflag:$0x1], $0x40, $0x38;
	[tilespmem:$0x13680] =	vst v63  }
0xa3: {  	_ =	swait.ge [sflag:s31], $0x40  }
0xa4: {  	[sflag:s31] =	ssyncset.done $0x0  }
0xa5: {  	[sflag:s31] =	ssyncadd.s32 $0xFFFFFFC0  }
0xa6: {  	[bflag:$0x0] =	sbarrier.arrive $0xFFFF  }
0xa7: {  	s19 =	simm.s32 $0x10000;
	s20 =	rddreg [dreg:$0x6]  }
0xa8: {  	[tilespmem:s19], [sflag:$0x1] =	stream.linear.gather [spmem:s20], $0x400, $0x38;
	[tilespmem:$0x13680] =	vst v63  }
0xa9: {  	_ =	swait.ge [sflag:s31], $0x400  }
0xaa: {  	[sflag:s31] =	ssyncset.done $0x0  }
0xab: {  	[sflag:s31] =	ssyncadd.s32 $0xFFFFFC00  }
0xac: {  	v5 =	vld [tilespmem:s19+$0x0]  }
0xad: {  	s21 =	simm.s32 $0x10010  }
0xae: {  	v6 =	vld [tilespmem:s21+$0x0];
	_ =	sdelay $0x2  }
0xaf: {  	(xrf0) =	vadd.scan.msk.s32 $0xffff, v5;
	_ =	sdelay $0x1  }
0xb0: {  	(xrf0) =	vadd.scan.msk.s32 $0xffff, v6;
	_ =	sdelay $0x3  }
0xb1: {  	s24 =	simm.s32 $0x10020;
	v6, _, _ =	vpop (xrf0)  }
0xb2: {  	v7 =	vld [tilespmem:s24+$0x0];
	(v2sf) =	vpush v6, $0xF  }
0xb3: {  	v6, _, _ =	vpop (xrf0)  }
0xb4: {  	(v2sf) =	vpush v6, $0xF;
	_ =	sdelay $0x2  }
0xb5: {  	s25 =	simm.s32 $0x10030;
	(xrf0) =	vadd.scan.msk.s32 $0xffff, v7  }
0xb6: {  	v5 =	vld [tilespmem:s25+$0x0];
	_ =	sdelay $0x2  }
0xb7: {  	s5 =	simm.s32 $0xC  }
0xb8: {  	s3 =	simm.s32 $0x10;
	s17 =	simm.s32 $0x0;
	s0 =	simm.s32 $0x0  }
0xb9: {  	s1 =	simm.s32 $0x8;
	s20 =	simm.s32 $0x10040;
	s19 =	simm.s32 $0x4;
	(xrf0) =	vadd.scan.msk.s32 $0xffff, v5;
	v5, _, _ =	vpop (xrf0)  }
.LBB2_8:
0xba: {  	v6 =	vld [tilespmem:s20+$0x0];
	p1 =	sne.s32 s3, $0xFC;
	(v2sf) =	vpush v5, $0xF;
	s12 =	smov.u32 s3;
	s3 =	sadd.s32 $0x4, s3  }
.Ltmp5:
0xbb: {  	(pc) =	sbr.rel @p1 .LBB2_8-.Ltmp5, $4  }
0xbc: {  	_ = 	snop  }
0xbd: {  	s21 =	sshra.s32 s17, $0x2;
	s17 =	smov.u32 s19;
	s24 =	spop (v2sf)  }
0xbe: {  	s19 =	smov.u32 s1;
	s1 =	smov.u32 s5;
	[smem:s21] =	sst s24  }
0xbf: {  	s20 =	sadd.s32 $0x10, s20;
	s5 =	smov.u32 s12;
	(xrf0) =	vadd.scan.msk.s32 $0xffff, v6;
	v5, _, _ =	vpop (xrf0)  }
0xc0: {  	_ =	sdelay $0x4  }
0xc1: {  	(v2sf) =	vpush v5, $0xF;
	v5, _, _ =	vpop (xrf0)  }
0xc2: {  	(v2sf) =	vpush v5, $0xF;
	_ =	sdelay $0xb  }
0xc3: {  	s3 =	spop (v2sf);
	s12 =	sshra.s32 s17, $0x2  }
0xc4: {  	s18 =	sshra.s32 s19, $0x2;
	[smem:s12] =	sst s3;
	s19 =	spop (v2sf)  }
0xc5: {  	s1 =	sshra.s32 s1, $0x2;
	[smem:s18] =	sst s19;
	s20 =	spop (v2sf)  }
0xc6: {  	s21 =	sshra.s32 s5, $0x2;
	[smem:s1] =	sst s20;
	s24 =	spop (v2sf)  }
0xc7: {  	[smem:s21] =	sst s24  }
0xc8: {  	s25 =	sld [smem:$0x3F];
	_ =	sdelay $0x1  }
0xc9: {  	p2 =	por $0x1, $0x1;
	s17 =	simm.s32 $0x3E;
	s3 =	simm.s32 $0x3E  }
0xca: {  	s12 =	simm.s32 $0x0;
	s19 =	simm.s32 $0x0;
	s5 =	sadd.s32 $0x0, s25  }
0xcb: {  	s1 =	simm.s32 $0x3F;
	s20 =	simm.s32 $0x0;
	p3 =	sgt.s32 s5, $0x63  }
.LBB2_10:
0xcc: {  	s21 =	sld [smem:s17+$0x0];
	p2 =	por !p2, !p3  }
0xcd: {  	s24 =	smov.u32 s3;
	p1 =	sne.s32 s3, $0x0;
	s3 =	sadd.s32 $0xFFFFFFFF, s3  }
.Ltmp6:
0xce: {  	s25 =	simm.s32 $0x1;
	p2 =	por !p2, !p2;
	(pc) =	sbr.rel @p1 .LBB2_10-.Ltmp6, $4  }
0xcf: {  	s25 =	simm.s32 @!p2 $0x0;
	s0 =	smov.u32 @p2 s1;
	s1 =	smov.u32 s24  }
0xd0: {  	s20 =	smov.u32 @p2 s19;
	s19 =	smov.u32 s5;
	s12 =	sor.u32 s25, s12  }
0xd1: {  	s5 =	sadd.s32 s5, s21  }
0xd2: {  	s17 =	sadd.s32 $0xFFFFFFFF, s17;
	p2 =	seq.s32 s12, $0x0;
	p3 =	sgt.s32 s5, $0x63  }
0xd3: {  	p1 =	por !p2, !p3  }
0xd4: {  	p1 =	por !p1, !p1  }
0xd5: {  	s0 =	smov.u32 @p1 s1  }
0xd6: {  	s0 =	sshll.u32 s0, $0x4  }
0xd7: {  	s3 =	simm.s32 $0x0;
	s20 =	smov.u32 @p1 s19;
	s1 =	simm.s32 $0x40;
	v5 =	vld [tilespmem:s0+$0x10000]  }
.LBB2_12:
0xd8: {  	p1 =	seq.s32 s1, $0x1FC0;
	[tilespmem:s3+$0xF800] =	vst v0;
	s3 =	smov.u32 s1;
	s1 =	sadd.s32 $0x40, s1  }
.Ltmp7:
0xd9: {  	(pc) =	sbr.rel @!p1 .LBB2_12-.Ltmp7, $2  }
0xda: {  	_ =	sdelay $0x2  }
0xdb: {  	s3 =	sshra.s32 s3, $0x2  }
0xdc: {  	(xrf0) =	vadd.scan.msk.s32 $0xffff, v5;
	_ =	sdelay $0x5  }
0xdd: {  	v6, _, _ =	vpop (xrf0)  }
0xde: {  	v8 =	vadd.s32 s20, v5;
	v7 =	vbroadcast v6, $0xF  }
0xdf: {  	v6 =	vsub.s32 v8, v6  }
0xe0: {  	v6 =	vadd.s32 v7, v6  }
0xe1: {  	vm3 =	vgt.s32 v6, $0x63  }
0xe2: {  	v6 =	vnsel vm3, $0x7FFFFFFF, v2  }
0xe3: {  	(xrf0) =	vmax.scan.msk.u32 $0xffff, v6;
	_ =	sdelay $0x5  }
0xe4: {  	v6, _, _ =	vpop (xrf0)  }
0xe5: {  	(v2sf) =	vpush v6, $0xF;
	_ =	sdelay $0xe  }
0xe6: {  	s1 =	spop (v2sf)  }
0xe7: {  	s21 =	sxor.u32 $0x80000000, s1  }
0xe8: {  	s0 =	sadd.s32 s0, s21  }
0xe9: {  	[tilespmem:s3+$0xF800] =	vst v0;
	s1 =	simm.s32 $0x7C40;
	[dreg:$0x16] =	wrdreg s0;
	v6 =	vmov s0;
	s0 =	simm.s32 $0xFFFFFFF8  }
.LBB2_14:
0xea: {  	v7 =	vld [tilespmem:s1+$0xFFFFFFC0];
	_ =	sdelay $0x3  }
0xeb: {  	s0 =	sadd.s32 $0x8, s0  }
0xec: {  	vm3 =	vmmov vm0;
	p1 =	slt.u32 s0, s7;
	v8 =	vshrl.u32 v7, $0x16  }
0xed: {  	vm3 =	vmneg @p1 vm3;
	v7 =	vshrl.u32 v7, $0xB;
	vm4 =	veq.s32 v8, v6  }
0xee: {  	v7 =	vand.u32 $0x7FF, v7;
	vm3 =	vmand vm3, vm4  }
0xef: {  	(xrf1) =	vunique.msk.u32 vm3, v7;
	_ =	sdelay $0xd  }
0xf0: {  	_, v8, vm3 =	vpop (xrf1);
	_ =	sdelay $0x5  }
0xf1: {  	[tilespmem:v7+s4+$0x0] =	vst.idx.add.s32.msk vm3, v8  }
0xf2: {  	v7 =	vld [tilespmem:s1+$0xFFFFFFD0];
	_ =	sdelay $0x4  }
0xf3: {  	p1 =	slt.u32 s0, s9;
	vm3 =	vmmov vm0;
	v8 =	vshrl.u32 v7, $0x16  }
0xf4: {  	vm3 =	vmneg @p1 vm3;
	v7 =	vshrl.u32 v7, $0xB;
	vm9 =	veq.s32 v8, v6  }
0xf5: {  	v7 =	vand.u32 $0x7FF, v7;
	vm3 =	vmand vm3, vm9  }
0xf6: {  	(xrf1) =	vunique.msk.u32 vm3, v7;
	_ =	sdelay $0xd  }
0xf7: {  	_, v8, vm3 =	vpop (xrf1);
	_ =	sdelay $0x5  }
0xf8: {  	[tilespmem:v7+s4+$0x0] =	vst.idx.add.s32.msk vm3, v8  }
0xf9: {  	v7 =	vld [tilespmem:s1+$0xFFFFFFE0];
	_ =	sdelay $0x4  }
0xfa: {  	p1 =	slt.u32 s0, s10;
	vm3 =	vmmov vm0;
	v8 =	vshrl.u32 v7, $0x16  }
0xfb: {  	vm3 =	vmneg @p1 vm3;
	v7 =	vshrl.u32 v7, $0xB;
	vm10 =	veq.s32 v8, v6  }
0xfc: {  	v7 =	vand.u32 $0x7FF, v7;
	vm3 =	vmand vm3, vm10  }
0xfd: {  	(xrf1) =	vunique.msk.u32 vm3, v7;
	_ =	sdelay $0xd  }
0xfe: {  	_, v8, vm3 =	vpop (xrf1);
	_ =	sdelay $0x5  }
0xff: {  	[tilespmem:v7+s4+$0x0] =	vst.idx.add.s32.msk vm3, v8  }
0x100: {  	v7 =	vld [tilespmem:s1+$0xFFFFFFF0];
	_ =	sdelay $0x4  }
0x101: {  	p1 =	slt.u32 s0, s11;
	vm3 =	vmmov vm0;
	v8 =	vshrl.u32 v7, $0x16  }
0x102: {  	vm3 =	vmneg @p1 vm3;
	v7 =	vshrl.u32 v7, $0xB;
	vm11 =	veq.s32 v8, v6  }
0x103: {  	v7 =	vand.u32 $0x7FF, v7;
	vm3 =	vmand vm3, vm11  }
0x104: {  	(xrf1) =	vunique.msk.u32 vm3, v7;
	_ =	sdelay $0xd  }
0x105: {  	_, v8, vm3 =	vpop (xrf1);
	_ =	sdelay $0x5  }
0x106: {  	[tilespmem:v7+s4+$0x0] =	vst.idx.add.s32.msk vm3, v8  }
0x107: {  	v7 =	vld [tilespmem:s1+$0x0];
	_ =	sdelay $0x4  }
0x108: {  	p1 =	slt.u32 s0, s26;
	vm3 =	vmmov vm0;
	v8 =	vshrl.u32 v7, $0x16  }
0x109: {  	vm3 =	vmneg @p1 vm3;
	v7 =	vshrl.u32 v7, $0xB;
	vm12 =	veq.s32 v8, v6  }
0x10a: {  	v7 =	vand.u32 $0x7FF, v7;
	vm3 =	vmand vm3, vm12  }
0x10b: {  	(xrf1) =	vunique.msk.u32 vm3, v7;
	_ =	sdelay $0xd  }
0x10c: {  	_, v8, vm3 =	vpop (xrf1);
	_ =	sdelay $0x5  }
0x10d: {  	[tilespmem:v7+s4+$0x0] =	vst.idx.add.s32.msk vm3, v8  }
0x10e: {  	v7 =	vld [tilespmem:s1+$0x10];
	_ =	sdelay $0x4  }
0x10f: {  	p1 =	slt.u32 s0, s28;
	vm3 =	vmmov vm0;
	v8 =	vshrl.u32 v7, $0x16  }
0x110: {  	vm3 =	vmneg @p1 vm3;
	v7 =	vshrl.u32 v7, $0xB;
	vm13 =	veq.s32 v8, v6  }
0x111: {  	v7 =	vand.u32 $0x7FF, v7;
	vm3 =	vmand vm3, vm13  }
0x112: {  	(xrf1) =	vunique.msk.u32 vm3, v7;
	_ =	sdelay $0xd  }
0x113: {  	_, v8, vm3 =	vpop (xrf1);
	_ =	sdelay $0x5  }
0x114: {  	[tilespmem:v7+s4+$0x0] =	vst.idx.add.s32.msk vm3, v8  }
0x115: {  	v7 =	vld [tilespmem:s1+$0x20];
	_ =	sdelay $0x4  }
0x116: {  	p1 =	slt.u32 s0, s29;
	vm3 =	vmmov vm0;
	v8 =	vshrl.u32 v7, $0x16  }
0x117: {  	vm3 =	vmneg @p1 vm3;
	v7 =	vshrl.u32 v7, $0xB;
	vm14 =	veq.s32 v8, v6  }
0x118: {  	v7 =	vand.u32 $0x7FF, v7;
	vm3 =	vmand vm3, vm14  }
0x119: {  	(xrf1) =	vunique.msk.u32 vm3, v7;
	_ =	sdelay $0xd  }
0x11a: {  	_, v8, vm3 =	vpop (xrf1);
	_ =	sdelay $0x5  }
0x11b: {  	[tilespmem:v7+s4+$0x0] =	vst.idx.add.s32.msk vm3, v8  }
0x11c: {  	v7 =	vld [tilespmem:s1+$0x30];
	_ =	sdelay $0x4  }
0x11d: {  	p1 =	slt.u32 s0, s30;
	vm3 =	vmmov vm0;
	v8 =	vshrl.u32 v7, $0x16  }
0x11e: {  	vm3 =	vmneg @p1 vm3;
	v7 =	vshrl.u32 v7, $0xB;
	vm15 =	veq.s32 v8, v6  }
0x11f: {  	v7 =	vand.u32 $0x7FF, v7;
	vm3 =	vmand vm3, vm15  }
0x120: {  	(xrf1) =	vunique.msk.u32 vm3, v7;
	_ =	sdelay $0xd  }
0x121: {  	_, v8, vm3 =	vpop (xrf1)  }
0x122: {  	p1 =	slt.u32 s0, $0x7B8  }
.Ltmp8:
0x123: {  	_ = 	snop;
	(pc) =	sbr.rel @p1 .LBB2_14-.Ltmp8, $2  }
0x124: {  	_ =	sdelay $0x2  }
0x125: {  	s1 =	sadd.s32 $0x80, s1;
	[tilespmem:v7+s4+$0x0] =	vst.idx.add.s32.msk vm3, v8  }
0x126: {  	s0 =	rddreg [dreg:$0xa];
	s1 =	simm.s32 $0x80;
	s3 =	simm.s32 $0x400  }
0x127: {  	[spmem:s0] =	stream.strided.scatter [tilespmem:s4], [sflag:$0x1], $0x800, s3, s1, $0x38;
	[tilespmem:$0x13680] =	vst v63  }
0x128: {  	_ =	swait.ge [sflag:s31], $0x800  }
0x129: {  	[sflag:s31] =	ssyncset.done $0x0  }
0x12a: {  	[sflag:s31] =	ssyncadd.s32 $0xFFFFF800  }
0x12b: {  	[bflag:$0x0] =	sbarrier.arrive $0xFFFF  }
0x12c: {  	[tilespmem:$0x10800] =	vst v0  }
0x12d: {  	[tilespmem:$0x10810] =	vst v0  }
0x12e: {  	[tilespmem:$0x10820] =	vst v0  }
0x12f: {  	[tilespmem:$0x10830] =	vst v0  }
0x130: {  	s0 =	simm.s32 $0x0;
	[tilespmem:$0x10840] =	vst v0  }
0x131: {  	s24 =	sand.u32 $0x4000, s0;
	[tilespmem:$0x10850] =	vst v0  }
0x132: {  	s25 =	sand.u32 $0x380, s0;
	s1 =	sadd.s32 s24, s16;
	[tilespmem:$0x10860] =	vst v0  }
0x133: {  	s1 =	sadd.s32 s25, s1;
	[tilespmem:$0x10870] =	vst v0  }
0x134: {  	[tilespmem:s2], [sflag:$0x1] =	stream.linear.gather [spmem:s1], $0x80, $0x38;
	[tilespmem:$0x13680] =	vst v63  }
0x135: {  	_ =	swait.ge [sflag:s31], $0x80  }
0x136: {  	[sflag:s31] =	ssyncset.done $0x0  }
0x137: {  	[sflag:s31] =	ssyncadd.s32 $0xFFFFFF80  }
0x138: {  	v6 =	vld [tilespmem:$0x108F0]  }
0x139: {  	v8 =	vld [tilespmem:$0x108C0]  }
0x13a: {  	s1 =	simm.s32 $0x800;
	v7 =	vld [tilespmem:$0x108E0]  }
.LBB2_16:
0x13b: {  	p1 =	sne.s32 s1, $0x7800  }
0x13c: {  	v9 =	vld [tilespmem:$0x10890];
	s0 =	sadd.s32 $0x80, s0;
	s3 =	smov.u32 s1;
	s1 =	sadd.s32 $0x800, s1  }
0x13d: {  	v10 =	vld [tilespmem:$0x108D0]  }
0x13e: {  	v11 =	vld [tilespmem:$0x108B0]  }
0x13f: {  	v12 =	vld [tilespmem:$0x108A0]  }
0x140: {  	v13 =	vld [tilespmem:$0x10840]  }
0x141: {  	v14 =	vld [tilespmem:$0x10830]  }
0x142: {  	v15 =	vld [tilespmem:$0x10800]  }
0x143: {  	v16 =	vld [tilespmem:$0x10820]  }
0x144: {  	v17 =	vld [tilespmem:$0x10810]  }
0x145: {  	v18 =	vld [tilespmem:$0x10850]  }
0x146: {  	v8 =	vadd.s32 v13, v8;
	v11 =	vadd.s32 v14, v11;
	v13 =	vld [tilespmem:$0x10870]  }
0x147: {  	[tilespmem:$0x10840] =	vst v8;
	v8 =	vld [tilespmem:$0x10860]  }
0x148: {  	v14 =	vld [tilespmem:$0x10880];
	v12 =	vadd.s32 v16, v12;
	[tilespmem:$0x10830] =	vst v11  }
0x149: {  	s3 =	sand.u32 $0x4000, s3;
	v9 =	vadd.s32 v17, v9;
	[tilespmem:$0x10820] =	vst v12  }
0x14a: {  	s5 =	sand.u32 $0x380, s0;
	s3 =	sadd.s32 s3, s16;
	[tilespmem:$0x10810] =	vst v9;
	v9 =	vadd.s32 v18, v10  }
0x14b: {  	s3 =	sadd.s32 s5, s3;
	[tilespmem:$0x10850] =	vst v9;
	v6 =	vadd.s32 v13, v6  }
0x14c: {  	v7 =	vadd.s32 v8, v7;
	[tilespmem:$0x10870] =	vst v6  }
0x14d: {  	v6 =	vadd.s32 v15, v14;
	[tilespmem:$0x10860] =	vst v7  }
0x14e: {  	[tilespmem:$0x10800] =	vst v6  }
0x14f: {  	[tilespmem:s2], [sflag:$0x1] =	stream.linear.gather [spmem:s3], $0x80, $0x38;
	[tilespmem:$0x13680] =	vst v63  }
0x150: {  	_ =	swait.ge [sflag:s31], $0x80  }
.Ltmp9:
0x151: {  	[sflag:s31] =	ssyncset.done $0x0;
	(pc) =	sbr.rel @p1 .LBB2_16-.Ltmp9, $4  }
0x152: {  	[sflag:s31] =	ssyncadd.s32 $0xFFFFFF80  }
0x153: {  	v6 =	vld [tilespmem:$0x108F0]  }
0x154: {  	v8 =	vld [tilespmem:$0x108C0]  }
0x155: {  	v7 =	vld [tilespmem:$0x108E0]  }
0x156: {  	v9 =	vld [tilespmem:$0x10890]  }
0x157: {  	v10 =	vld [tilespmem:$0x108D0]  }
0x158: {  	v11 =	vld [tilespmem:$0x108B0]  }
0x159: {  	v12 =	vld [tilespmem:$0x108A0]  }
0x15a: {  	v13 =	vld [tilespmem:$0x10840]  }
0x15b: {  	v14 =	vld [tilespmem:$0x10830]  }
0x15c: {  	v15 =	vld [tilespmem:$0x10800]  }
0x15d: {  	v16 =	vld [tilespmem:$0x10820]  }
0x15e: {  	v17 =	vld [tilespmem:$0x10810]  }
0x15f: {  	v18 =	vld [tilespmem:$0x10850]  }
0x160: {  	v61 =	vld [tilespmem:$0x10870];
	v8 =	vadd.s32 v13, v8  }
0x161: {  	v62 =	vld [tilespmem:$0x10880];
	v11 =	vadd.s32 v14, v11;
	[tilespmem:$0x10840] =	vst v8  }
0x162: {  	v12 =	vadd.s32 v16, v12;
	v8 =	vld [tilespmem:$0x10860];
	[tilespmem:$0x10830] =	vst v11  }
0x163: {  	v9 =	vadd.s32 v17, v9;
	[tilespmem:$0x10820] =	vst v12  }
0x164: {  	v63 =	vadd.s32 v18, v10;
	[tilespmem:$0x10810] =	vst v9  }
0x165: {  	v6 =	vadd.s32 v61, v6;
	[tilespmem:$0x10850] =	vst v63  }
0x166: {  	[tilespmem:$0x10870] =	vst v6;
	v6 =	vadd.s32 v15, v62  }
0x167: {  	[tilespmem:$0x10800] =	vst v6;
	v7 =	vadd.s32 v8, v7  }
0x168: {  	s0 =	rddreg [dreg:$0xc];
	s1 =	simm.s32 $0x10800;
	[tilespmem:$0x10860] =	vst v7  }
0x169: {  	[spmem:s0] =	stream.linear.scatter [tilespmem:s1], [sflag:$0x1], $0x80, $0x38;
	[tilespmem:$0x13680] =	vst v63  }
0x16a: {  	_ =	swait.ge [sflag:s31], $0x80  }
0x16b: {  	[sflag:s31] =	ssyncset.done $0x0  }
0x16c: {  	[sflag:s31] =	ssyncadd.s32 $0xFFFFFF80  }
0x16d: {  	[bflag:$0x0] =	sbarrier.arrive $0xFFFF  }
0x16e: {  	s17 =	simm.s32 $0x10000;
	s18 =	rddreg [dreg:$0x6]  }
0x16f: {  	[tilespmem:s17], [sflag:$0x1] =	stream.linear.gather [spmem:s18], $0x800, $0x38;
	[tilespmem:$0x13680] =	vst v63  }
0x170: {  	_ =	swait.ge [sflag:s31], $0x800  }
0x171: {  	[sflag:s31] =	ssyncset.done $0x0  }
0x172: {  	[sflag:s31] =	ssyncadd.s32 $0xFFFFF800  }
0x173: {  	v6 =	vld [tilespmem:s17+$0x0]  }
0x174: {  	s19 =	simm.s32 $0x10010  }
0x175: {  	v7 =	vld [tilespmem:s19+$0x0];
	_ =	sdelay $0x2  }
0x176: {  	(xrf0) =	vadd.scan.msk.s32 $0xffff, v6;
	_ =	sdelay $0x1  }
0x177: {  	(xrf0) =	vadd.scan.msk.s32 $0xffff, v7;
	_ =	sdelay $0x3  }
0x178: {  	s24 =	simm.s32 $0x10020;
	v7, _, _ =	vpop (xrf0)  }
0x179: {  	v8 =	vld [tilespmem:s24+$0x0];
	(v2sf) =	vpush v7, $0xF  }
0x17a: {  	v7, _, _ =	vpop (xrf0)  }
0x17b: {  	(v2sf) =	vpush v7, $0xF;
	_ =	sdelay $0x2  }
0x17c: {  	s25 =	simm.s32 $0x10030;
	(xrf0) =	vadd.scan.msk.s32 $0xffff, v8  }
0x17d: {  	v6 =	vld [tilespmem:s25+$0x0];
	_ =	sdelay $0x3  }
0x17e: {  	s5 =	simm.s32 $0x0;
	s3 =	simm.s32 $0x10;
	s1 =	simm.s32 $0x4  }
0x17f: {  	s0 =	simm.s32 $0x8;
	s24 =	simm.s32 $0xC;
	s17 =	simm.s32 $0x10040;
	(xrf0) =	vadd.scan.msk.s32 $0xffff, v6;
	v6, _, _ =	vpop (xrf0)  }
.LBB2_18:
0x180: {  	v7 =	vld [tilespmem:s17+$0x0];
	p1 =	sne.s32 s3, $0x1FC;
	(v2sf) =	vpush v6, $0xF;
	s12 =	smov.u32 s3;
	s3 =	sadd.s32 $0x4, s3  }
.Ltmp10:
0x181: {  	(pc) =	sbr.rel @p1 .LBB2_18-.Ltmp10, $4  }
0x182: {  	_ = 	snop  }
0x183: {  	s25 =	sshra.s32 s5, $0x2;
	s5 =	smov.u32 s1;
	s18 =	spop (v2sf)  }
0x184: {  	s1 =	smov.u32 s0;
	s0 =	smov.u32 s24;
	[smem:s25] =	sst s18  }
0x185: {  	s17 =	sadd.s32 $0x10, s17;
	s24 =	smov.u32 s12;
	(xrf0) =	vadd.scan.msk.s32 $0xffff, v7;
	v6, _, _ =	vpop (xrf0)  }
0x186: {  	v7 =	vmov s21  }
0x187: {  	vm3 =	vlt.s32 v7, v1  }
0x188: {  	v5 =	vnsel vm3, $0x0, v5  }
0x189: {  	(xrf0) =	vadd.scan.msk.s32 $0xffff, v5;
	_ =	sdelay $0x4  }
0x18a: {  	(v2sf) =	vpush v6, $0xF;
	v5, _, _ =	vpop (xrf0)  }
0x18b: {  	(v2sf) =	vpush v5, $0xF;
	v5, _, _ =	vpop (xrf0)  }
0x18c: {  	(v2sf) =	vpush v5, $0xF;
	_ =	sdelay $0xa  }
0x18d: {  	s3 =	spop (v2sf);
	s5 =	sshra.s32 s5, $0x2  }
0x18e: {  	s1 =	sshra.s32 s1, $0x2;
	[smem:s5] =	sst s3;
	s12 =	spop (v2sf)  }
0x18f: {  	s0 =	sshra.s32 s0, $0x2;
	[smem:s1] =	sst s12;
	s12 =	spop (v2sf)  }
0x190: {  	s17 =	sshra.s32 s24, $0x2;
	[smem:s0] =	sst s12;
	s18 =	spop (v2sf)  }
0x191: {  	[smem:s17] =	sst s18;
	s19 =	spop (v2sf)  }
0x192: {  	s21 =	sld [smem:$0x7F]  }
0x193: {  	s25 =	simm.s32 $0x7F;
	p2 =	por $0x1, $0x1;
	s0 =	sadd.s32 s20, s19  }
0x194: {  	s5 =	simm.s32 $0x0;
	s3 =	simm.s32 $0x7E;
	s24 =	sadd.s32 $0x0, s0  }
0x195: {  	s17 =	simm.s32 $0x0;
	s20 =	simm.s32 $0x0;
	s1 =	sadd.s32 s21, s24  }
0x196: {  	s24 =	simm.s32 $0x7E;
	p3 =	sgt.s32 s1, $0x63;
	s1 =	simm.s32 $0x0  }
.LBB2_20:
0x197: {  	s12 =	sld [smem:s24+$0x0];
	p2 =	por !p2, !p3;
	s18 =	smov.u32 s3  }
0x198: {  	s19 =	smov.u32 s20;
	p1 =	sne.s32 s3, $0x0;
	s3 =	sadd.s32 $0xFFFFFFFF, s3  }
.Ltmp11:
0x199: {  	s9 =	simm.s32 $0x1;
	p2 =	por !p2, !p2;
	(pc) =	sbr.rel @p1 .LBB2_20-.Ltmp11, $4  }
0x19a: {  	s20 =	sadd.s32 s20, s21;
	s9 =	simm.s32 @!p2 $0x0;
	s5 =	smov.u32 @p2 s25  }
0x19b: {  	s21 =	sadd.s32 s0, s20;
	s1 =	smov.u32 @p2 s19;
	s17 =	sor.u32 s9, s17  }
0x19c: {  	s25 =	smov.u32 s18;
	s9 =	sadd.s32 s12, s21;
	s21 =	smov.u32 s12  }
0x19d: {  	s24 =	sadd.s32 $0xFFFFFFFF, s24;
	p2 =	seq.s32 s17, $0x0;
	p3 =	sgt.s32 s9, $0x63  }
0x19e: {  	p1 =	por !p2, !p3  }
0x19f: {  	p1 =	por !p1, !p1  }
0x1a0: {  	s5 =	smov.u32 @p1 s25  }
0x1a1: {  	s3 =	sshll.u32 s5, $0x4  }
0x1a2: {  	s12 =	simm.s32 $0x40;
	s1 =	smov.u32 @p1 s20;
	s5 =	simm.s32 $0x0;
	v5 =	vld [tilespmem:s3+$0x10000]  }
.LBB2_22:
0x1a3: {  	p1 =	sne.s32 s12, $0x1FC0;
	[tilespmem:s5+$0xF800] =	vst v0;
	s5 =	smov.u32 s12;
	s12 =	sadd.s32 $0x40, s12  }
.Ltmp12:
0x1a4: {  	(pc) =	sbr.rel @p1 .LBB2_22-.Ltmp12, $2  }
0x1a5: {  	_ =	sdelay $0x2  }
0x1a6: {  	s5 =	sshra.s32 s5, $0x2  }
0x1a7: {  	(xrf0) =	vadd.scan.msk.s32 $0xffff, v5;
	_ =	sdelay $0x5  }
0x1a8: {  	s20 =	sadd.s32 s0, s1;
	v6, _, _ =	vpop (xrf0)  }
0x1a9: {  	v8 =	vadd.s32 s20, v5;
	v7 =	vbroadcast v6, $0xF  }
0x1aa: {  	v6 =	vsub.s32 v8, v6  }
0x1ab: {  	v6 =	vadd.s32 v7, v6  }
0x1ac: {  	vm3 =	vgt.s32 v6, $0x63  }
0x1ad: {  	v6 =	vnsel vm3, $0x7FFFFFFF, v2  }
0x1ae: {  	(xrf0) =	vmax.scan.msk.u32 $0xffff, v6;
	_ =	sdelay $0x5  }
0x1af: {  	v6, _, _ =	vpop (xrf0)  }
0x1b0: {  	(v2sf) =	vpush v6, $0xF;
	_ =	sdelay $0xe  }
0x1b1: {  	s19 =	spop (v2sf)  }
0x1b2: {  	s25 =	rddreg [dreg:$0x16];
	s24 =	sxor.u32 $0x80000000, s19  }
0x1b3: {  	s0 =	sshll.u32 s25, $0xB;
	s21 =	sadd.s32 s3, s24  }
0x1b4: {  	s3 =	rddreg [dreg:$0x9];
	s0 =	sor.u32 s0, s21  }
0x1b5: {  	[tilespmem:s5+$0xF800] =	vst v0;
	s1 =	simm.s32 $0x7C40;
	[dreg:$0x17] =	wrdreg s21;
	v6 =	vmov s0;
	s0 =	simm.s32 $0xFFFFFFF8  }
.LBB2_24:
0x1b6: {  	v7 =	vld [tilespmem:s1+$0xFFFFFFC0];
	_ =	sdelay $0x3  }
0x1b7: {  	s0 =	sadd.s32 $0x8, s0  }
0x1b8: {  	vm3 =	vmmov vm0;
	p1 =	slt.u32 s0, s7;
	v8 =	vshrl.u32 v7, $0xB  }
0x1b9: {  	vm3 =	vmneg @p1 vm3;
	vm4 =	veq.s32 v8, v6  }
0x1ba: {  	v7 =	vand.u32 $0x7FF, v7;
	vm3 =	vmand vm3, vm4  }
0x1bb: {  	(xrf1) =	vunique.msk.u32 vm3, v7;
	_ =	sdelay $0xd  }
0x1bc: {  	_, v8, vm3 =	vpop (xrf1);
	_ =	sdelay $0x5  }
0x1bd: {  	[tilespmem:v7+s4+$0x0] =	vst.idx.add.s32.msk vm3, v8  }
0x1be: {  	v7 =	vld [tilespmem:s1+$0xFFFFFFD0];
	_ =	sdelay $0x4  }
0x1bf: {  	p1 =	slt.u32 s0, s3;
	vm3 =	vmmov vm0;
	v8 =	vshrl.u32 v7, $0xB  }
0x1c0: {  	vm3 =	vmneg @p1 vm3;
	vm9 =	veq.s32 v8, v6  }
0x1c1: {  	v7 =	vand.u32 $0x7FF, v7;
	vm3 =	vmand vm3, vm9  }
0x1c2: {  	(xrf1) =	vunique.msk.u32 vm3, v7;
	_ =	sdelay $0xd  }
0x1c3: {  	_, v8, vm3 =	vpop (xrf1);
	_ =	sdelay $0x5  }
0x1c4: {  	[tilespmem:v7+s4+$0x0] =	vst.idx.add.s32.msk vm3, v8  }
0x1c5: {  	v7 =	vld [tilespmem:s1+$0xFFFFFFE0];
	_ =	sdelay $0x4  }
0x1c6: {  	p1 =	slt.u32 s0, s10;
	vm3 =	vmmov vm0;
	v8 =	vshrl.u32 v7, $0xB  }
0x1c7: {  	vm3 =	vmneg @p1 vm3;
	vm10 =	veq.s32 v8, v6  }
0x1c8: {  	v7 =	vand.u32 $0x7FF, v7;
	vm3 =	vmand vm3, vm10  }
0x1c9: {  	(xrf1) =	vunique.msk.u32 vm3, v7;
	_ =	sdelay $0xd  }
0x1ca: {  	_, v8, vm3 =	vpop (xrf1);
	_ =	sdelay $0x5  }
0x1cb: {  	[tilespmem:v7+s4+$0x0] =	vst.idx.add.s32.msk vm3, v8  }
0x1cc: {  	v7 =	vld [tilespmem:s1+$0xFFFFFFF0];
	_ =	sdelay $0x4  }
0x1cd: {  	p1 =	slt.u32 s0, s11;
	vm3 =	vmmov vm0;
	v8 =	vshrl.u32 v7, $0xB  }
0x1ce: {  	vm3 =	vmneg @p1 vm3;
	vm11 =	veq.s32 v8, v6  }
0x1cf: {  	v7 =	vand.u32 $0x7FF, v7;
	vm3 =	vmand vm3, vm11  }
0x1d0: {  	(xrf1) =	vunique.msk.u32 vm3, v7;
	_ =	sdelay $0xd  }
0x1d1: {  	_, v8, vm3 =	vpop (xrf1);
	_ =	sdelay $0x5  }
0x1d2: {  	[tilespmem:v7+s4+$0x0] =	vst.idx.add.s32.msk vm3, v8  }
0x1d3: {  	v7 =	vld [tilespmem:s1+$0x0];
	_ =	sdelay $0x4  }
0x1d4: {  	p1 =	slt.u32 s0, s26;
	vm3 =	vmmov vm0;
	v8 =	vshrl.u32 v7, $0xB  }
0x1d5: {  	vm3 =	vmneg @p1 vm3;
	vm12 =	veq.s32 v8, v6  }
0x1d6: {  	v7 =	vand.u32 $0x7FF, v7;
	vm3 =	vmand vm3, vm12  }
0x1d7: {  	(xrf1) =	vunique.msk.u32 vm3, v7;
	_ =	sdelay $0xd  }
0x1d8: {  	_, v8, vm3 =	vpop (xrf1);
	_ =	sdelay $0x5  }
0x1d9: {  	[tilespmem:v7+s4+$0x0] =	vst.idx.add.s32.msk vm3, v8  }
0x1da: {  	v7 =	vld [tilespmem:s1+$0x10];
	_ =	sdelay $0x4  }
0x1db: {  	p1 =	slt.u32 s0, s28;
	vm3 =	vmmov vm0;
	v8 =	vshrl.u32 v7, $0xB  }
0x1dc: {  	vm3 =	vmneg @p1 vm3;
	vm13 =	veq.s32 v8, v6  }
0x1dd: {  	v7 =	vand.u32 $0x7FF, v7;
	vm3 =	vmand vm3, vm13  }
0x1de: {  	(xrf1) =	vunique.msk.u32 vm3, v7;
	_ =	sdelay $0xd  }
0x1df: {  	_, v8, vm3 =	vpop (xrf1);
	_ =	sdelay $0x5  }
0x1e0: {  	[tilespmem:v7+s4+$0x0] =	vst.idx.add.s32.msk vm3, v8  }
0x1e1: {  	v7 =	vld [tilespmem:s1+$0x20];
	_ =	sdelay $0x4  }
0x1e2: {  	p1 =	slt.u32 s0, s29;
	vm3 =	vmmov vm0;
	v8 =	vshrl.u32 v7, $0xB  }
0x1e3: {  	vm3 =	vmneg @p1 vm3;
	vm14 =	veq.s32 v8, v6  }
0x1e4: {  	v7 =	vand.u32 $0x7FF, v7;
	vm3 =	vmand vm3, vm14  }
0x1e5: {  	(xrf1) =	vunique.msk.u32 vm3, v7;
	_ =	sdelay $0xd  }
0x1e6: {  	_, v8, vm3 =	vpop (xrf1);
	_ =	sdelay $0x5  }
0x1e7: {  	[tilespmem:v7+s4+$0x0] =	vst.idx.add.s32.msk vm3, v8  }
0x1e8: {  	v7 =	vld [tilespmem:s1+$0x30];
	_ =	sdelay $0x4  }
0x1e9: {  	p1 =	slt.u32 s0, s30;
	vm3 =	vmmov vm0;
	v8 =	vshrl.u32 v7, $0xB  }
0x1ea: {  	vm3 =	vmneg @p1 vm3;
	vm15 =	veq.s32 v8, v6  }
0x1eb: {  	v7 =	vand.u32 $0x7FF, v7;
	vm3 =	vmand vm3, vm15  }
0x1ec: {  	(xrf1) =	vunique.msk.u32 vm3, v7;
	_ =	sdelay $0xd  }
0x1ed: {  	_, v8, vm3 =	vpop (xrf1)  }
0x1ee: {  	p1 =	slt.u32 s0, $0x7B8  }
.Ltmp13:
0x1ef: {  	_ = 	snop;
	(pc) =	sbr.rel @p1 .LBB2_24-.Ltmp13, $2  }
0x1f0: {  	_ =	sdelay $0x2  }
0x1f1: {  	s1 =	sadd.s32 $0x80, s1;
	[tilespmem:v7+s4+$0x0] =	vst.idx.add.s32.msk vm3, v8  }
0x1f2: {  	s0 =	rddreg [dreg:$0xa];
	s1 =	simm.s32 $0x80;
	s3 =	simm.s32 $0x400  }
0x1f3: {  	[spmem:s0] =	stream.strided.scatter [tilespmem:s4], [sflag:$0x1], $0x800, s3, s1, $0x38;
	[tilespmem:$0x13680] =	vst v63  }
0x1f4: {  	_ =	swait.ge [sflag:s31], $0x800  }
0x1f5: {  	[sflag:s31] =	ssyncset.done $0x0  }
0x1f6: {  	[sflag:s31] =	ssyncadd.s32 $0xFFFFF800  }
0x1f7: {  	[bflag:$0x0] =	sbarrier.arrive $0xFFFF  }
0x1f8: {  	[tilespmem:$0x10800] =	vst v0  }
0x1f9: {  	[tilespmem:$0x10810] =	vst v0  }
0x1fa: {  	[tilespmem:$0x10820] =	vst v0  }
0x1fb: {  	[tilespmem:$0x10830] =	vst v0  }
0x1fc: {  	s0 =	simm.s32 $0x0;
	[tilespmem:$0x10840] =	vst v0  }
0x1fd: {  	s21 =	sand.u32 $0x4000, s0;
	[tilespmem:$0x10850] =	vst v0  }
0x1fe: {  	s25 =	sand.u32 $0x380, s0;
	s1 =	sadd.s32 s21, s16;
	[tilespmem:$0x10860] =	vst v0  }
0x1ff: {  	s1 =	sadd.s32 s25, s1;
	[tilespmem:$0x10870] =	vst v0  }
0x200: {  	[tilespmem:s2], [sflag:$0x1] =	stream.linear.gather [spmem:s1], $0x80, $0x38;
	[tilespmem:$0x13680] =	vst v63  }
0x201: {  	_ =	swait.ge [sflag:s31], $0x80  }
0x202: {  	[sflag:s31] =	ssyncset.done $0x0  }
0x203: {  	[sflag:s31] =	ssyncadd.s32 $0xFFFFFF80  }
0x204: {  	v6 =	vld [tilespmem:$0x108F0]  }
0x205: {  	v8 =	vld [tilespmem:$0x108C0]  }
0x206: {  	s1 =	simm.s32 $0x800;
	v7 =	vld [tilespmem:$0x108E0]  }
.LBB2_26:
0x207: {  	p1 =	sne.s32 s1, $0x7800  }
0x208: {  	v9 =	vld [tilespmem:$0x10890];
	s0 =	sadd.s32 $0x80, s0;
	s3 =	smov.u32 s1;
	s1 =	sadd.s32 $0x800, s1  }
0x209: {  	v10 =	vld [tilespmem:$0x108D0]  }
0x20a: {  	v11 =	vld [tilespmem:$0x108B0]  }
0x20b: {  	v12 =	vld [tilespmem:$0x108A0]  }
0x20c: {  	v13 =	vld [tilespmem:$0x10840]  }
0x20d: {  	v14 =	vld [tilespmem:$0x10830]  }
0x20e: {  	v15 =	vld [tilespmem:$0x10800]  }
0x20f: {  	v16 =	vld [tilespmem:$0x10820]  }
0x210: {  	v17 =	vld [tilespmem:$0x10810]  }
0x211: {  	v18 =	vld [tilespmem:$0x10850]  }
0x212: {  	v8 =	vadd.s32 v13, v8;
	v11 =	vadd.s32 v14, v11;
	v13 =	vld [tilespmem:$0x10870]  }
0x213: {  	[tilespmem:$0x10840] =	vst v8;
	v8 =	vld [tilespmem:$0x10860]  }
0x214: {  	v14 =	vld [tilespmem:$0x10880];
	v12 =	vadd.s32 v16, v12;
	[tilespmem:$0x10830] =	vst v11  }
0x215: {  	s3 =	sand.u32 $0x4000, s3;
	v9 =	vadd.s32 v17, v9;
	[tilespmem:$0x10820] =	vst v12  }
0x216: {  	s5 =	sand.u32 $0x380, s0;
	s3 =	sadd.s32 s3, s16;
	[tilespmem:$0x10810] =	vst v9;
	v9 =	vadd.s32 v18, v10  }
0x217: {  	s3 =	sadd.s32 s5, s3;
	[tilespmem:$0x10850] =	vst v9;
	v6 =	vadd.s32 v13, v6  }
0x218: {  	v7 =	vadd.s32 v8, v7;
	[tilespmem:$0x10870] =	vst v6  }
0x219: {  	v6 =	vadd.s32 v15, v14;
	[tilespmem:$0x10860] =	vst v7  }
0x21a: {  	[tilespmem:$0x10800] =	vst v6  }
0x21b: {  	[tilespmem:s2], [sflag:$0x1] =	stream.linear.gather [spmem:s3], $0x80, $0x38;
	[tilespmem:$0x13680] =	vst v63  }
0x21c: {  	_ =	swait.ge [sflag:s31], $0x80  }
.Ltmp14:
0x21d: {  	[sflag:s31] =	ssyncset.done $0x0;
	(pc) =	sbr.rel @p1 .LBB2_26-.Ltmp14, $4  }
0x21e: {  	[sflag:s31] =	ssyncadd.s32 $0xFFFFFF80  }
0x21f: {  	v6 =	vld [tilespmem:$0x108F0]  }
0x220: {  	v8 =	vld [tilespmem:$0x108C0]  }
0x221: {  	v7 =	vld [tilespmem:$0x108E0]  }
0x222: {  	v9 =	vld [tilespmem:$0x10890]  }
0x223: {  	v10 =	vld [tilespmem:$0x108D0]  }
0x224: {  	v11 =	vld [tilespmem:$0x108B0]  }
0x225: {  	v12 =	vld [tilespmem:$0x108A0]  }
0x226: {  	v13 =	vld [tilespmem:$0x10840]  }
0x227: {  	v14 =	vld [tilespmem:$0x10830]  }
0x228: {  	v15 =	vld [tilespmem:$0x10800]  }
0x229: {  	v16 =	vld [tilespmem:$0x10820]  }
0x22a: {  	v17 =	vld [tilespmem:$0x10810]  }
0x22b: {  	v18 =	vld [tilespmem:$0x10850]  }
0x22c: {  	v61 =	vld [tilespmem:$0x10870];
	v8 =	vadd.s32 v13, v8  }
0x22d: {  	v62 =	vld [tilespmem:$0x10880];
	v11 =	vadd.s32 v14, v11;
	[tilespmem:$0x10840] =	vst v8  }
0x22e: {  	v12 =	vadd.s32 v16, v12;
	v8 =	vld [tilespmem:$0x10860];
	[tilespmem:$0x10830] =	vst v11  }
0x22f: {  	v9 =	vadd.s32 v17, v9;
	[tilespmem:$0x10820] =	vst v12  }
0x230: {  	v63 =	vadd.s32 v18, v10;
	[tilespmem:$0x10810] =	vst v9  }
0x231: {  	v6 =	vadd.s32 v61, v6;
	[tilespmem:$0x10850] =	vst v63  }
0x232: {  	[tilespmem:$0x10870] =	vst v6;
	v6 =	vadd.s32 v15, v62  }
0x233: {  	[tilespmem:$0x10800] =	vst v6;
	v7 =	vadd.s32 v8, v7  }
0x234: {  	s0 =	rddreg [dreg:$0xc];
	s1 =	simm.s32 $0x10800;
	[tilespmem:$0x10860] =	vst v7  }
0x235: {  	[spmem:s0] =	stream.linear.scatter [tilespmem:s1], [sflag:$0x1], $0x80, $0x38;
	[tilespmem:$0x13680] =	vst v63  }
0x236: {  	_ =	swait.ge [sflag:s31], $0x80  }
0x237: {  	[sflag:s31] =	ssyncset.done $0x0  }
0x238: {  	[sflag:s31] =	ssyncadd.s32 $0xFFFFFF80  }
0x239: {  	[bflag:$0x0] =	sbarrier.arrive $0xFFFF  }
0x23a: {  	s17 =	simm.s32 $0x10000;
	s18 =	rddreg [dreg:$0x6]  }
0x23b: {  	[tilespmem:s17], [sflag:$0x1] =	stream.linear.gather [spmem:s18], $0x800, $0x38;
	[tilespmem:$0x13680] =	vst v63  }
0x23c: {  	_ =	swait.ge [sflag:s31], $0x800  }
0x23d: {  	[sflag:s31] =	ssyncset.done $0x0  }
0x23e: {  	[sflag:s31] =	ssyncadd.s32 $0xFFFFF800  }
0x23f: {  	v6 =	vld [tilespmem:s17+$0x0]  }
0x240: {  	s19 =	simm.s32 $0x10010  }
0x241: {  	v7 =	vld [tilespmem:s19+$0x0];
	_ =	sdelay $0x2  }
0x242: {  	(xrf0) =	vadd.scan.msk.s32 $0xffff, v6;
	_ =	sdelay $0x1  }
0x243: {  	(xrf0) =	vadd.scan.msk.s32 $0xffff, v7;
	_ =	sdelay $0x3  }
0x244: {  	s21 =	simm.s32 $0x10020;
	v7, _, _ =	vpop (xrf0)  }
0x245: {  	v8 =	vld [tilespmem:s21+$0x0];
	(v2sf) =	vpush v7, $0xF  }
0x246: {  	v7, _, _ =	vpop (xrf0)  }
0x247: {  	(v2sf) =	vpush v7, $0xF;
	_ =	sdelay $0x2  }
0x248: {  	s25 =	simm.s32 $0x10030;
	(xrf0) =	vadd.scan.msk.s32 $0xffff, v8  }
0x249: {  	v6 =	vld [tilespmem:s25+$0x0];
	_ =	sdelay $0x3  }
0x24a: {  	s5 =	simm.s32 $0x0;
	s3 =	simm.s32 $0x10;
	s1 =	simm.s32 $0x4  }
0x24b: {  	s0 =	simm.s32 $0x8;
	s17 =	simm.s32 $0x10040;
	s25 =	simm.s32 $0xC;
	(xrf0) =	vadd.scan.msk.s32 $0xffff, v6;
	v6, _, _ =	vpop (xrf0)  }
.LBB2_28:
0x24c: {  	v7 =	vld [tilespmem:s17+$0x0];
	p1 =	sne.s32 s3, $0x1FC;
	(v2sf) =	vpush v6, $0xF;
	s9 =	smov.u32 s3;
	s3 =	sadd.s32 $0x4, s3  }
.Ltmp15:
0x24d: {  	(pc) =	sbr.rel @p1 .LBB2_28-.Ltmp15, $4  }
0x24e: {  	_ = 	snop  }
0x24f: {  	s12 =	sshra.s32 s5, $0x2;
	s5 =	smov.u32 s1;
	s18 =	spop (v2sf)  }
0x250: {  	s1 =	smov.u32 s0;
	s0 =	smov.u32 s25;
	[smem:s12] =	sst s18  }
0x251: {  	s17 =	sadd.s32 $0x10, s17;
	s25 =	smov.u32 s9;
	(xrf0) =	vadd.scan.msk.s32 $0xffff, v7;
	v6, _, _ =	vpop (xrf0)  }
0x252: {  	v7 =	vmov s24  }
0x253: {  	vm3 =	vlt.s32 v7, v1  }
0x254: {  	v5 =	vnsel vm3, $0x0, v5  }
0x255: {  	(xrf0) =	vadd.scan.msk.s32 $0xffff, v5;
	_ =	sdelay $0x4  }
0x256: {  	(v2sf) =	vpush v6, $0xF;
	v5, _, _ =	vpop (xrf0)  }
0x257: {  	(v2sf) =	vpush v5, $0xF;
	v5, _, _ =	vpop (xrf0)  }
0x258: {  	(v2sf) =	vpush v5, $0xF;
	_ =	sdelay $0xa  }
0x259: {  	s3 =	spop (v2sf);
	s5 =	sshra.s32 s5, $0x2  }
0x25a: {  	s1 =	sshra.s32 s1, $0x2;
	[smem:s5] =	sst s3;
	s9 =	spop (v2sf)  }
0x25b: {  	s0 =	sshra.s32 s0, $0x2;
	[smem:s1] =	sst s9;
	s17 =	spop (v2sf)  }
0x25c: {  	s18 =	sshra.s32 s25, $0x2;
	[smem:s0] =	sst s17;
	s19 =	spop (v2sf)  }
0x25d: {  	[smem:s18] =	sst s19;
	s21 =	spop (v2sf)  }
0x25e: {  	s24 =	sld [smem:$0x7F]  }
0x25f: {  	p2 =	por $0x1, $0x1;
	s12 =	simm.s32 $0x0;
	s0 =	sadd.s32 s20, s21  }
0x260: {  	s3 =	simm.s32 $0x7E;
	s1 =	simm.s32 $0x0;
	s25 =	sadd.s32 $0x0, s0  }
0x261: {  	s17 =	simm.s32 $0x7F;
	s20 =	simm.s32 $0x0;
	s5 =	sadd.s32 s24, s25  }
0x262: {  	s25 =	simm.s32 $0x7E;
	p3 =	sgt.s32 s5, $0x63;
	s5 =	simm.s32 $0x0  }
.LBB2_30:
0x263: {  	s9 =	sld [smem:s25+$0x0];
	p2 =	por !p2, !p3;
	s18 =	smov.u32 s3  }
0x264: {  	s19 =	smov.u32 s20;
	p1 =	sne.s32 s3, $0x0;
	s3 =	sadd.s32 $0xFFFFFFFF, s3  }
.Ltmp16:
0x265: {  	s21 =	simm.s32 $0x1;
	p2 =	por !p2, !p2;
	(pc) =	sbr.rel @p1 .LBB2_30-.Ltmp16, $4  }
0x266: {  	s20 =	sadd.s32 s20, s24;
	s21 =	simm.s32 @!p2 $0x0;
	s1 =	smov.u32 @p2 s17  }
0x267: {  	s17 =	sadd.s32 s0, s20;
	s5 =	smov.u32 @p2 s19;
	s12 =	sor.u32 s21, s12  }
0x268: {  	s19 =	sadd.s32 s9, s17;
	s24 =	smov.u32 s9;
	s17 =	smov.u32 s18  }
0x269: {  	s25 =	sadd.s32 $0xFFFFFFFF, s25;
	p2 =	seq.s32 s12, $0x0;
	p3 =	sgt.s32 s19, $0x63  }
0x26a: {  	p1 =	por !p2, !p3  }
0x26b: {  	p1 =	por !p1, !p1  }
0x26c: {  	s1 =	smov.u32 @p1 s17  }
0x26d: {  	s1 =	sshll.u32 s1, $0x4  }
0x26e: {  	v6 =	vld [tilespmem:s1+$0x10000];
	_ =	sdelay $0x4  }
0x26f: {  	(xrf0) =	vadd.scan.msk.s32 $0xffff, v6;
	_ =	sdelay $0x4  }
0x270: {  	s5 =	smov.u32 @p1 s20  }
0x271: {  	s20 =	sadd.s32 s0, s5;
	v5, _, _ =	vpop (xrf0)  }
0x272: {  	v8 =	vadd.s32 s20, v6;
	v7 =	vbroadcast v5, $0xF  }
0x273: {  	v5 =	vsub.s32 v8, v5  }
0x274: {  	v5 =	vadd.s32 v7, v5  }
0x275: {  	vm3 =	vgt.s32 v5, $0x63  }
0x276: {  	v5 =	vnsel vm3, $0x7FFFFFFF, v2  }
0x277: {  	(xrf0) =	vmax.scan.msk.u32 $0xffff, v5;
	_ =	sdelay $0x5  }
0x278: {  	v5, _, _ =	vpop (xrf0)  }
0x279: {  	(v2sf) =	vpush v5, $0xF;
	_ =	sdelay $0xd  }
0x27a: {  	s25 =	rddreg [dreg:$0x16]  }
0x27b: {  	s3 =	rddreg [dreg:$0x17];
	s24 =	spop (v2sf)  }
0x27c: {  	s3 =	sshll.u32 s3, $0xB;
	s0 =	sshll.u32 s25, $0x16;
	s24 =	sxor.u32 $0x80000000, s24  }
0x27d: {  	s0 =	sor.u32 s0, s3;
	s1 =	sadd.s32 s1, s24  }
0x27e: {  	s0 =	sor.u32 s1, s0  }
0x27f: {  	s19 =	simm.s32 $0x7C40;
	s21 =	rddreg [dreg:$0x14];
	s1 =	sxor.u32 $0x80000000, s0  }
0x280: {  	s25 =	simm.s32 $0x0;
	s0 =	simm.s32 $0x0;
	v5 =	vmov s1;
	s1 =	simm.s32 $0x0  }
.LBB2_32:
0x281: {  	v7 =	vld [tilespmem:s19+$0xFFFFFFC0];
	_ =	sdelay $0x4  }
0x282: {  	p1 =	slt.u32 s25, s7;
	vm3 =	vmmov vm0;
	v7 =	vxor.u32 $0x80000000, v7  }
0x283: {  	vm3 =	vmneg @p1 vm3;
	vm4 =	vgt.s32 v7, v5  }
0x284: {  	vm4 =	vmand vm3, vm4  }
0x285: {  	vm5 =	veq.s32 v7, v5;
	v8 =	vsel vm4, $0x1, v0  }
0x286: {  	vm3 =	vmand vm3, vm5;
	(xrf0) =	vadd.scan.msk.s32 $0xffff, v8  }
0x287: {  	v8 =	vsel vm3, $0x1, v0  }
0x288: {  	(xrf0) =	vadd.scan.msk.s32 $0xffff, v8  }
0x289: {  	v8 =	vmov s1  }
0x28a: {  	v8 =	vadd.s32 $0xFFFFFFFF, v8  }
0x28b: {  	v9 =	vmov s0;
	v8 =	vbroadcast v8, $0x0  }
0x28c: {  	v9 =	vadd.s32 $0xFFFFFFFF, v9;
	v10, _, _ =	vpop (xrf0)  }
0x28d: {  	v9 =	vbroadcast v9, $0x0;
	v8 =	vadd.s32 v10, v8  }
0x28e: {  	v11, _, _ =	vpop (xrf0);
	vm10 =	vlt.u32 v8, $0x80  }
0x28f: {  	v9 =	vadd.s32 v11, v9;
	vm4 =	vmand vm4, vm10  }
0x290: {  	vm11 =	vlt.u32 v9, $0x80  }
0x291: {  	vm3 =	vmand vm3, vm11;
	_ =	sdelay $0x1  }
0x292: {  	(v2sf) =	vpush v10, $0xF  }
0x293: {  	s3 =	sadd.s32 $0xFFFFFF90, s21  }
0x294: {  	v35 =	vor.u32 s3, v1;
	(v2sf) =	vpush v11, $0xF;
	[tilespmem:v8+s22+$0x0] =	vst.idx.msk vm4, v7  }
0x295: {  	[tilespmem:v8+s23+$0x0] =	vst.idx.msk vm4, v35  }
0x296: {  	[tilespmem:v9+s6+$0x0] =	vst.idx.msk vm3, v35  }
0x297: {  	v7 =	vld [tilespmem:s19+$0xFFFFFFD0];
	_ =	sdelay $0x3  }
0x298: {  	s9 =	sadd.s32 $0x1, s25  }
0x299: {  	p1 =	slt.u32 s9, s7;
	vm3 =	vmmov vm0;
	v7 =	vxor.u32 $0x80000000, v7  }
0x29a: {  	vm3 =	vmneg @p1 vm3;
	vm12 =	vgt.s32 v7, v5  }
0x29b: {  	vm4 =	vmand vm3, vm12  }
0x29c: {  	vm13 =	veq.s32 v7, v5;
	v8 =	vsel vm4, $0x1, v0  }
0x29d: {  	vm3 =	vmand vm3, vm13;
	(xrf0) =	vadd.scan.msk.s32 $0xffff, v8  }
0x29e: {  	s12 =	spop (v2sf);
	v8 =	vsel vm3, $0x1, v0  }
0x29f: {  	s1 =	sadd.s32 s1, s12;
	(xrf0) =	vadd.scan.msk.s32 $0xffff, v8  }
0x2a0: {  	s17 =	spop (v2sf);
	v8 =	vmov s1  }
0x2a1: {  	s18 =	sadd.s32 s0, s17;
	v8 =	vadd.s32 $0xFFFFFFFF, v8  }
0x2a2: {  	v36 =	vmov s18;
	v8 =	vbroadcast v8, $0x0  }
0x2a3: {  	v9 =	vadd.s32 $0xFFFFFFFF, v36;
	v37, _, _ =	vpop (xrf0)  }
0x2a4: {  	v9 =	vbroadcast v9, $0x0;
	v8 =	vadd.s32 v37, v8  }
0x2a5: {  	v38, _, _ =	vpop (xrf0);
	vm14 =	vlt.u32 v8, $0x80  }
0x2a6: {  	v9 =	vadd.s32 v38, v9;
	vm4 =	vmand vm4, vm14  }
0x2a7: {  	vm15 =	vlt.u32 v9, $0x80  }
0x2a8: {  	vm3 =	vmand vm3, vm15;
	_ =	sdelay $0x1  }
0x2a9: {  	(v2sf) =	vpush v37, $0xF  }
0x2aa: {  	s5 =	sadd.s32 $0xFFFFFFA0, s21  }
0x2ab: {  	v39 =	vor.u32 s5, v1;
	(v2sf) =	vpush v38, $0xF;
	[tilespmem:v8+s22+$0x0] =	vst.idx.msk vm4, v7  }
0x2ac: {  	[tilespmem:v8+s23+$0x0] =	vst.idx.msk vm4, v39  }
0x2ad: {  	[tilespmem:v9+s6+$0x0] =	vst.idx.msk vm3, v39  }
0x2ae: {  	v7 =	vld [tilespmem:s19+$0xFFFFFFE0];
	_ =	sdelay $0x3  }
0x2af: {  	s9 =	sadd.s32 $0x2, s25  }
0x2b0: {  	p1 =	slt.u32 s9, s7;
	vm3 =	vmmov vm0;
	v7 =	vxor.u32 $0x80000000, v7  }
0x2b1: {  	vm3 =	vmneg @p1 vm3;
	vm8 =	vgt.s32 v7, v5  }
0x2b2: {  	vm4 =	vmand vm3, vm8  }
0x2b3: {  	vm9 =	veq.s32 v7, v5;
	v8 =	vsel vm4, $0x1, v0  }
0x2b4: {  	vm3 =	vmand vm3, vm9;
	(xrf0) =	vadd.scan.msk.s32 $0xffff, v8  }
0x2b5: {  	s12 =	spop (v2sf);
	v8 =	vsel vm3, $0x1, v0  }
0x2b6: {  	s1 =	sadd.s32 s1, s12;
	(xrf0) =	vadd.scan.msk.s32 $0xffff, v8  }
0x2b7: {  	s17 =	spop (v2sf);
	v8 =	vmov s1  }
0x2b8: {  	s0 =	sadd.s32 s18, s17;
	v8 =	vadd.s32 $0xFFFFFFFF, v8  }
0x2b9: {  	v40 =	vmov s0;
	v8 =	vbroadcast v8, $0x0  }
0x2ba: {  	v9 =	vadd.s32 $0xFFFFFFFF, v40;
	v41, _, _ =	vpop (xrf0)  }
0x2bb: {  	v9 =	vbroadcast v9, $0x0;
	v8 =	vadd.s32 v41, v8  }
0x2bc: {  	v42, _, _ =	vpop (xrf0);
	vm10 =	vlt.u32 v8, $0x80  }
0x2bd: {  	v9 =	vadd.s32 v42, v9;
	vm4 =	vmand vm4, vm10  }
0x2be: {  	vm11 =	vlt.u32 v9, $0x80  }
0x2bf: {  	vm3 =	vmand vm3, vm11;
	_ =	sdelay $0x1  }
0x2c0: {  	(v2sf) =	vpush v41, $0xF  }
0x2c1: {  	s18 =	sadd.s32 $0xFFFFFFB0, s21  }
0x2c2: {  	v43 =	vor.u32 s18, v1;
	(v2sf) =	vpush v42, $0xF;
	[tilespmem:v8+s22+$0x0] =	vst.idx.msk vm4, v7  }
0x2c3: {  	[tilespmem:v8+s23+$0x0] =	vst.idx.msk vm4, v43  }
0x2c4: {  	[tilespmem:v9+s6+$0x0] =	vst.idx.msk vm3, v43  }
0x2c5: {  	v7 =	vld [tilespmem:s19+$0xFFFFFFF0];
	_ =	sdelay $0x3  }
0x2c6: {  	s5 =	sadd.s32 $0x3, s25  }
0x2c7: {  	p1 =	slt.u32 s5, s7;
	vm3 =	vmmov vm0;
	v7 =	vxor.u32 $0x80000000, v7  }
0x2c8: {  	vm3 =	vmneg @p1 vm3;
	vm12 =	vgt.s32 v7, v5  }
0x2c9: {  	vm4 =	vmand vm3, vm12  }
0x2ca: {  	vm13 =	veq.s32 v7, v5;
	v8 =	vsel vm4, $0x1, v0  }
0x2cb: {  	vm3 =	vmand vm3, vm13;
	(xrf0) =	vadd.scan.msk.s32 $0xffff, v8  }
0x2cc: {  	s9 =	spop (v2sf);
	v8 =	vsel vm3, $0x1, v0  }
0x2cd: {  	s1 =	sadd.s32 s1, s9;
	(xrf0) =	vadd.scan.msk.s32 $0xffff, v8  }
0x2ce: {  	s12 =	spop (v2sf);
	v8 =	vmov s1  }
0x2cf: {  	s0 =	sadd.s32 s0, s12;
	v8 =	vadd.s32 $0xFFFFFFFF, v8  }
0x2d0: {  	v44 =	vmov s0;
	v8 =	vbroadcast v8, $0x0  }
0x2d1: {  	v9 =	vadd.s32 $0xFFFFFFFF, v44;
	v45, _, _ =	vpop (xrf0)  }
0x2d2: {  	v9 =	vbroadcast v9, $0x0;
	v8 =	vadd.s32 v45, v8  }
0x2d3: {  	v46, _, _ =	vpop (xrf0);
	vm14 =	vlt.u32 v8, $0x80  }
0x2d4: {  	v9 =	vadd.s32 v46, v9;
	vm4 =	vmand vm4, vm14  }
0x2d5: {  	vm15 =	vlt.u32 v9, $0x80  }
0x2d6: {  	vm3 =	vmand vm3, vm15;
	_ =	sdelay $0x1  }
0x2d7: {  	(v2sf) =	vpush v45, $0xF  }
0x2d8: {  	s17 =	sadd.s32 $0xFFFFFFC0, s21  }
0x2d9: {  	v47 =	vor.u32 s17, v1;
	(v2sf) =	vpush v46, $0xF;
	[tilespmem:v8+s22+$0x0] =	vst.idx.msk vm4, v7  }
0x2da: {  	[tilespmem:v8+s23+$0x0] =	vst.idx.msk vm4, v47  }
0x2db: {  	[tilespmem:v9+s6+$0x0] =	vst.idx.msk vm3, v47  }
0x2dc: {  	v7 =	vld [tilespmem:s19+$0x0];
	_ =	sdelay $0x3  }
0x2dd: {  	s18 =	sadd.s32 $0x4, s25  }
0x2de: {  	p1 =	slt.u32 s18, s7;
	vm3 =	vmmov vm0;
	v7 =	vxor.u32 $0x80000000, v7  }
0x2df: {  	vm3 =	vmneg @p1 vm3;
	vm8 =	vgt.s32 v7, v5  }
0x2e0: {  	vm4 =	vmand vm3, vm8  }
0x2e1: {  	vm9 =	veq.s32 v7, v5;
	v8 =	vsel vm4, $0x1, v0  }
0x2e2: {  	vm3 =	vmand vm3, vm9;
	(xrf0) =	vadd.scan.msk.s32 $0xffff, v8  }
0x2e3: {  	s5 =	spop (v2sf);
	v8 =	vsel vm3, $0x1, v0  }
0x2e4: {  	s1 =	sadd.s32 s1, s5;
	(xrf0) =	vadd.scan.msk.s32 $0xffff, v8  }
0x2e5: {  	s9 =	spop (v2sf);
	v8 =	vmov s1  }
0x2e6: {  	s0 =	sadd.s32 s0, s9;
	v8 =	vadd.s32 $0xFFFFFFFF, v8  }
0x2e7: {  	v48 =	vmov s0;
	v8 =	vbroadcast v8, $0x0  }
0x2e8: {  	v9 =	vadd.s32 $0xFFFFFFFF, v48;
	v49, _, _ =	vpop (xrf0)  }
0x2e9: {  	v9 =	vbroadcast v9, $0x0;
	v8 =	vadd.s32 v49, v8  }
0x2ea: {  	v50, _, _ =	vpop (xrf0);
	vm10 =	vlt.u32 v8, $0x80  }
0x2eb: {  	v9 =	vadd.s32 v50, v9;
	vm4 =	vmand vm4, vm10  }
0x2ec: {  	vm11 =	vlt.u32 v9, $0x80  }
0x2ed: {  	vm3 =	vmand vm3, vm11;
	_ =	sdelay $0x1  }
0x2ee: {  	(v2sf) =	vpush v49, $0xF  }
0x2ef: {  	s12 =	sadd.s32 $0xFFFFFFD0, s21  }
0x2f0: {  	v51 =	vor.u32 s12, v1;
	(v2sf) =	vpush v50, $0xF;
	[tilespmem:v8+s22+$0x0] =	vst.idx.msk vm4, v7  }
0x2f1: {  	[tilespmem:v8+s23+$0x0] =	vst.idx.msk vm4, v51  }
0x2f2: {  	[tilespmem:v9+s6+$0x0] =	vst.idx.msk vm3, v51  }
0x2f3: {  	v7 =	vld [tilespmem:s19+$0x10];
	_ =	sdelay $0x3  }
0x2f4: {  	s17 =	sadd.s32 $0x5, s25  }
0x2f5: {  	p1 =	slt.u32 s17, s7;
	vm3 =	vmmov vm0;
	v7 =	vxor.u32 $0x80000000, v7  }
0x2f6: {  	vm3 =	vmneg @p1 vm3;
	vm12 =	vgt.s32 v7, v5  }
0x2f7: {  	vm4 =	vmand vm3, vm12  }
0x2f8: {  	vm13 =	veq.s32 v7, v5;
	v8 =	vsel vm4, $0x1, v0  }
0x2f9: {  	vm3 =	vmand vm3, vm13;
	(xrf0) =	vadd.scan.msk.s32 $0xffff, v8  }
0x2fa: {  	s18 =	spop (v2sf);
	v8 =	vsel vm3, $0x1, v0  }
0x2fb: {  	s1 =	sadd.s32 s1, s18;
	(xrf0) =	vadd.scan.msk.s32 $0xffff, v8  }
0x2fc: {  	s5 =	spop (v2sf);
	v8 =	vmov s1  }
0x2fd: {  	s0 =	sadd.s32 s0, s5;
	v8 =	vadd.s32 $0xFFFFFFFF, v8  }
0x2fe: {  	v52 =	vmov s0;
	v8 =	vbroadcast v8, $0x0  }
0x2ff: {  	v9 =	vadd.s32 $0xFFFFFFFF, v52;
	v53, _, _ =	vpop (xrf0)  }
0x300: {  	v9 =	vbroadcast v9, $0x0;
	v8 =	vadd.s32 v53, v8  }
0x301: {  	v54, _, _ =	vpop (xrf0);
	vm14 =	vlt.u32 v8, $0x80  }
0x302: {  	v9 =	vadd.s32 v54, v9;
	vm4 =	vmand vm4, vm14  }
0x303: {  	vm15 =	vlt.u32 v9, $0x80  }
0x304: {  	vm3 =	vmand vm3, vm15;
	_ =	sdelay $0x1  }
0x305: {  	(v2sf) =	vpush v53, $0xF  }
0x306: {  	s9 =	sadd.s32 $0xFFFFFFE0, s21  }
0x307: {  	v55 =	vor.u32 s9, v1;
	(v2sf) =	vpush v54, $0xF;
	[tilespmem:v8+s22+$0x0] =	vst.idx.msk vm4, v7  }
0x308: {  	[tilespmem:v8+s23+$0x0] =	vst.idx.msk vm4, v55  }
0x309: {  	[tilespmem:v9+s6+$0x0] =	vst.idx.msk vm3, v55  }
0x30a: {  	v7 =	vld [tilespmem:s19+$0x20];
	_ =	sdelay $0x3  }
0x30b: {  	s12 =	sadd.s32 $0x6, s25  }
0x30c: {  	p1 =	slt.u32 s12, s7;
	vm3 =	vmmov vm0;
	v7 =	vxor.u32 $0x80000000, v7  }
0x30d: {  	vm3 =	vmneg @p1 vm3;
	vm8 =	vgt.s32 v7, v5  }
0x30e: {  	vm4 =	vmand vm3, vm8  }
0x30f: {  	vm9 =	veq.s32 v7, v5;
	v8 =	vsel vm4, $0x1, v0  }
0x310: {  	vm3 =	vmand vm3, vm9;
	(xrf0) =	vadd.scan.msk.s32 $0xffff, v8  }
0x311: {  	s17 =	spop (v2sf);
	v8 =	vsel vm3, $0x1, v0  }
0x312: {  	s1 =	sadd.s32 s1, s17;
	(xrf0) =	vadd.scan.msk.s32 $0xffff, v8  }
0x313: {  	s18 =	spop (v2sf);
	v8 =	vmov s1  }
0x314: {  	s0 =	sadd.s32 s0, s18;
	v8 =	vadd.s32 $0xFFFFFFFF, v8  }
0x315: {  	v56 =	vmov s0;
	v8 =	vbroadcast v8, $0x0  }
0x316: {  	v9 =	vadd.s32 $0xFFFFFFFF, v56;
	v57, _, _ =	vpop (xrf0)  }
0x317: {  	v9 =	vbroadcast v9, $0x0;
	v8 =	vadd.s32 v57, v8  }
0x318: {  	v58, _, _ =	vpop (xrf0);
	vm10 =	vlt.u32 v8, $0x80  }
0x319: {  	v9 =	vadd.s32 v58, v9;
	vm4 =	vmand vm4, vm10  }
0x31a: {  	vm11 =	vlt.u32 v9, $0x80  }
0x31b: {  	vm3 =	vmand vm3, vm11;
	_ =	sdelay $0x2  }
0x31c: {  	s5 =	sadd.s32 $0xFFFFFFF0, s21  }
0x31d: {  	[tilespmem:v8+s22+$0x0] =	vst.idx.msk vm4, v7;
	v7 =	vor.u32 s5, v1  }
0x31e: {  	[tilespmem:v8+s23+$0x0] =	vst.idx.msk vm4, v7  }
0x31f: {  	[tilespmem:v9+s6+$0x0] =	vst.idx.msk vm3, v7  }
0x320: {  	v7 =	vld [tilespmem:s19+$0x30];
	_ =	sdelay $0x1  }
0x321: {  	(v2sf) =	vpush v57, $0xF;
	_ =	sdelay $0x1  }
0x322: {  	s9 =	sadd.s32 $0x7, s25;
	(v2sf) =	vpush v58, $0xF  }
0x323: {  	p1 =	slt.u32 s9, s7;
	vm3 =	vmmov vm0;
	v7 =	vxor.u32 $0x80000000, v7  }
0x324: {  	vm3 =	vmneg @p1 vm3;
	vm12 =	vgt.s32 v7, v5  }
0x325: {  	vm13 =	veq.s32 v7, v5;
	vm4 =	vmand vm3, vm12  }
0x326: {  	vm3 =	vmand vm3, vm13;
	v8 =	vsel vm4, $0x1, v0  }
0x327: {  	(xrf0) =	vadd.scan.msk.s32 $0xffff, v8;
	v8 =	vsel vm3, $0x1, v0  }
0x328: {  	(xrf0) =	vadd.scan.msk.s32 $0xffff, v8;
	_ =	sdelay $0x4  }
0x329: {  	v8, _, _ =	vpop (xrf0)  }
0x32a: {  	(v2sf) =	vpush v8, $0xF;
	v59, _, _ =	vpop (xrf0)  }
0x32b: {  	s12 =	spop (v2sf);
	(v2sf) =	vpush v59, $0xF  }
0x32c: {  	s1 =	sadd.s32 s1, s12  }
0x32d: {  	s17 =	spop (v2sf);
	v60 =	vmov s1  }
0x32e: {  	s0 =	sadd.s32 s0, s17;
	v10 =	vadd.s32 $0xFFFFFFFF, v60  }
0x32f: {  	v61 =	vmov s0;
	v10 =	vbroadcast v10, $0x0  }
0x330: {  	v11 =	vadd.s32 $0xFFFFFFFF, v61  }
0x331: {  	v62 =	vbroadcast v11, $0x0;
	v8 =	vadd.s32 v8, v10  }
0x332: {  	vm14 =	vlt.u32 v8, $0x80  }
0x333: {  	v9 =	vadd.s32 v59, v62;
	vm4 =	vmand vm4, vm14  }
0x334: {  	vm15 =	vlt.u32 v9, $0x80  }
0x335: {  	vm3 =	vmand vm3, vm15  }
0x336: {  	p1 =	slt.u32 s25, $0x7B8  }
.Ltmp17:
0x337: {  	_ = 	snop;
	(pc) =	sbr.rel @p1 .LBB2_32-.Ltmp17, $4  }
0x338: {  	_ = 	snop  }
0x339: {  	v63 =	vor.u32 s21, v1;
	[tilespmem:v8+s22+$0x0] =	vst.idx.msk vm4, v7;
	s18 =	spop (v2sf)  }
0x33a: {  	s21 =	sadd.s32 $0x80, s21;
	s19 =	sadd.s32 $0x80, s19;
	[tilespmem:v8+s23+$0x0] =	vst.idx.msk vm4, v63;
	s5 =	spop (v2sf)  }
0x33b: {  	s25 =	sadd.s32 $0x8, s25;
	[tilespmem:v9+s6+$0x0] =	vst.idx.msk vm3, v63;
	s1 =	sadd.s32 s1, s18;
	s0 =	sadd.s32 s0, s5  }
0x33c: {  	[tilespmem:$0x10A90] =	vst v0  }
0x33d: {  	[tilespmem:$0x10AA0] =	vst v0  }
0x33e: {  	[tilespmem:$0x10AB0] =	vst v0  }
0x33f: {  	[tilespmem:$0x10AC0] =	vst v0  }
0x340: {  	p1 =	slt.s32 s0, $0x80;
	v7 =	vmov s1;
	[tilespmem:$0x10AD0] =	vst v0  }
0x341: {  	[tilespmem:$0x10AE0] =	vst v0;
	s0 =	simm.s32 @!p1 $0x80;
	v7 =	vnsel vm1, $0x0, v7  }
0x342: {  	[tilespmem:$0x10AF0] =	vst v0;
	v7 =	vsel vm2, s0, v7  }
0x343: {  	s17 =	rddreg [dreg:$0xd];
	s18 =	simm.s32 $0x10A80;
	[tilespmem:$0x10A80] =	vst v7  }
0x344: {  	[spmem:s17] =	stream.linear.scatter [tilespmem:s18], [sflag:$0x1], $0x80, $0x38;
	[tilespmem:$0x13680] =	vst v63  }
0x345: {  	_ =	swait.ge [sflag:s31], $0x80  }
0x346: {  	[sflag:s31] =	ssyncset.done $0x0  }
0x347: {  	s19 =	rddreg [dreg:$0xe];
	[sflag:s31] =	ssyncadd.s32 $0xFFFFFF80  }
0x348: {  	[spmem:s19] =	stream.linear.scatter [tilespmem:s22], [sflag:$0x1], $0x80, $0x38;
	[tilespmem:$0x13680] =	vst v63  }
0x349: {  	_ =	swait.ge [sflag:s31], $0x80  }
0x34a: {  	[sflag:s31] =	ssyncset.done $0x0  }
0x34b: {  	s21 =	rddreg [dreg:$0xf];
	[sflag:s31] =	ssyncadd.s32 $0xFFFFFF80  }
0x34c: {  	[spmem:s21] =	stream.linear.scatter [tilespmem:s23], [sflag:$0x1], $0x80, $0x38;
	[tilespmem:$0x13680] =	vst v63  }
0x34d: {  	_ =	swait.ge [sflag:s31], $0x80  }
0x34e: {  	[sflag:s31] =	ssyncset.done $0x0  }
0x34f: {  	s25 =	rddreg [dreg:$0x10];
	[sflag:s31] =	ssyncadd.s32 $0xFFFFFF80  }
0x350: {  	[spmem:s25] =	stream.linear.scatter [tilespmem:s6], [sflag:$0x1], $0x80, $0x38;
	[tilespmem:$0x13680] =	vst v63  }
.Ltmp18:
0x351: {  	_ =	swait.ge [sflag:s31], $0x80;
	(pc) =	sbr.rel @p0 .LBB2_41-.Ltmp18, $4  }
0x352: {  	[sflag:s31] =	ssyncset.done $0x0  }
0x353: {  	[sflag:s31] =	ssyncadd.s32 $0xFFFFFF80  }
0x354: {  	[bflag:$0x0] =	sbarrier.arrive $0xFFFF  }
0x355: {  	s1 =	rddreg [dreg:$0x15]  }
0x356: {  	v7 =	vmov s24  }
0x357: {  	vm3 =	vlt.s32 v7, v1  }
0x358: {  	v6 =	vnsel vm3, $0x0, v6  }
0x359: {  	(xrf0) =	vadd.scan.msk.s32 $0xffff, v6;
	_ =	sdelay $0x5  }
0x35a: {  	v6, _, _ =	vpop (xrf0)  }
0x35b: {  	(v2sf) =	vpush v6, $0xF;
	_ =	sdelay $0xc  }
0x35c: {  	s1 =	rddreg [dreg:$0x4];
	s3 =	simm.s32 $0x12300  }
0x35d: {  	[tilespmem:s3], [sflag:$0x1] =	stream.linear.gather [spmem:s1], $0x800, $0x38;
	[tilespmem:$0x13680] =	vst v63  }
0x35e: {  	s0 =	spop (v2sf)  }
0x35f: {  	_ =	swait.ge [sflag:s31], $0x800  }
0x360: {  	[sflag:s31] =	ssyncset.done $0x0  }
0x361: {  	[sflag:s31] =	ssyncadd.s32 $0xFFFFF800  }
0x362: {  	s19 =	simm.s32 $0x10B00;
	s21 =	rddreg [dreg:$0x1]  }
0x363: {  	[tilespmem:s19], [sflag:$0x1] =	stream.linear.gather [spmem:s21], $0x800, $0x38;
	[tilespmem:$0x13680] =	vst v63  }
0x364: {  	_ =	swait.ge [sflag:s31], $0x800  }
0x365: {  	[sflag:s31] =	ssyncset.done $0x0  }
0x366: {  	[sflag:s31] =	ssyncadd.s32 $0xFFFFF800  }
0x367: {  	s21 =	simm.s32 $0x11300;
	s24 =	rddreg [dreg:$0x2]  }
0x368: {  	[tilespmem:s21], [sflag:$0x1] =	stream.linear.gather [spmem:s24], $0x800, $0x38;
	[tilespmem:$0x13680] =	vst v63  }
0x369: {  	_ =	swait.ge [sflag:s31], $0x800  }
0x36a: {  	[sflag:s31] =	ssyncset.done $0x0  }
0x36b: {  	[sflag:s31] =	ssyncadd.s32 $0xFFFFF800  }
0x36c: {  	s3 =	simm.s32 $0x11B00;
	s25 =	rddreg [dreg:$0x3]  }
0x36d: {  	[tilespmem:s3], [sflag:$0x1] =	stream.linear.gather [spmem:s25], $0x800, $0x38;
	[tilespmem:$0x13680] =	vst v63  }
0x36e: {  	_ =	swait.ge [sflag:s31], $0x800  }
0x36f: {  	[sflag:s31] =	ssyncset.done $0x0  }
0x370: {  	[sflag:s31] =	ssyncadd.s32 $0xFFFFF800  }
0x371: {  	[tilespmem:$0x12B00] =	vst v3  }
0x372: {  	[tilespmem:$0x12B80] =	vst v4  }
0x373: {  	[tilespmem:$0x12B10] =	vst v3  }
0x374: {  	[tilespmem:$0x12B90] =	vst v4  }
0x375: {  	[tilespmem:$0x12B20] =	vst v3  }
0x376: {  	[tilespmem:$0x12BA0] =	vst v4  }
0x377: {  	[tilespmem:$0x12B30] =	vst v3  }
0x378: {  	[tilespmem:$0x12BB0] =	vst v4  }
0x379: {  	[tilespmem:$0x12B40] =	vst v3  }
0x37a: {  	[tilespmem:$0x12BC0] =	vst v4  }
0x37b: {  	[tilespmem:$0x12B50] =	vst v3  }
0x37c: {  	[tilespmem:$0x12BD0] =	vst v4  }
0x37d: {  	[tilespmem:$0x12B60] =	vst v3  }
0x37e: {  	s20 =	sadd.s32 s20, s0;
	[tilespmem:$0x12BE0] =	vst v4  }
0x37f: {  	s5 =	simm.s32 $0x0;
	s0 =	ssub.s32 $0x64, s20;
	[tilespmem:$0x12B70] =	vst v3  }
0x380: {  	s1 =	simm.s32 $0x0;
	v6 =	vmov s0;
	s0 =	simm.s32 $0x0;
	s25 =	simm.s32 $0x0;
	[tilespmem:$0x12BF0] =	vst v4  }
.LBB2_35:
0x381: {  	s9 =	sshll.u32 s1, $0x7  }
0x382: {  	v7 =	vld [tilespmem:s9+$0x12300];
	_ =	sdelay $0x4  }
0x383: {  	v9 =	vmov s0;
	v11 =	vor.u32 s25, v1;
	v8 =	vbroadcast v7, $0x0  }
0x384: {  	v10 =	vadd.s32 v9, v11  }
0x385: {  	vm4 =	vlt.u32 v10, $0x80;
	vm3 =	vlt.s32 v11, v8  }
0x386: {  	vm3 =	vmand vm3, vm4  }
0x387: {  	v12 =	vld [tilespmem:s19+$0x0]  }
0x388: {  	v13 =	vld [tilespmem:s21+$0x0]  }
0x389: {  	s24 =	simm.s32 $0x10  }
0x38a: {  	v14 =	vor.u32 s24, v1  }
0x38b: {  	s12 =	simm.s32 $0x20;
	s17 =	smov.u32 s19;
	s24 =	smov.u32 s21;
	v11 =	vadd.s32 v9, v14  }
.LBB2_36:
0x38c: {  	p1 =	seq.s32 s12, $0x70;
	vm4 =	vlt.s32 v14, v8;
	vm5 =	vlt.u32 v11, $0x80;
	[tilespmem:v10+s8+$0x0] =	vst.idx.msk vm3, v12  }
0x38d: {  	s17 =	sadd.s32 $0x10, s17;
	[tilespmem:v10+s15+$0x0] =	vst.idx.msk vm3, v13;
	vm3 =	vmand vm4, vm5;
	v10 =	vmov v11  }
.Ltmp19:
0x38e: {  	s24 =	sadd.s32 $0x10, s24;
	v12 =	vld [tilespmem:s17+$0x0];
	(pc) =	sbr.rel @!p1 .LBB2_36-.Ltmp19, $3  }
0x38f: {  	v13 =	vld [tilespmem:s24+$0x0];
	_ =	sdelay $0x1  }
0x390: {  	v14 =	vor.u32 s12, v1  }
0x391: {  	s12 =	sadd.s32 $0x10, s12;
	v11 =	vadd.s32 v9, v14  }
0x392: {  	_ =	sdelay $0x4  }
0x393: {  	vm4 =	vlt.s32 v14, v8;
	vm5 =	vlt.u32 v11, $0x80;
	[tilespmem:v10+s8+$0x0] =	vst.idx.msk vm3, v12  }
0x394: {  	s9 =	sadd.s32 $0x10, s17;
	vm4 =	vmand vm4, vm5;
	[tilespmem:v10+s15+$0x0] =	vst.idx.msk vm3, v13  }
0x395: {  	s17 =	sadd.s32 $0x10, s24;
	v8 =	vld [tilespmem:s9+$0x0]  }
0x396: {  	v9 =	vld [tilespmem:s17+$0x0];
	_ =	sdelay $0x3  }
0x397: {  	s12 =	simm.s32 $0x0;
	[tilespmem:v11+s8+$0x0] =	vst.idx.msk vm4, v8  }
0x398: {  	s18 =	sadd.s32 s20, s5;
	v10 =	vmov s5;
	v12 =	vor.u32 s12, v1;
	[tilespmem:v11+s15+$0x0] =	vst.idx.msk vm4, v9;
	v9 =	vbroadcast v7, $0x1  }
0x399: {  	v13 =	vadd.s32 v10, v12;
	v8 =	vmov s18  }
0x39a: {  	v11 =	vadd.s32 v8, v12;
	vm4 =	vlt.s32 v13, v6;
	vm3 =	vlt.s32 v12, v9  }
0x39b: {  	vm3 =	vmand vm3, vm4;
	vm4 =	vlt.u32 v11, $0x80  }
0x39c: {  	vm3 =	vmand vm3, vm4  }
0x39d: {  	v12 =	vld [tilespmem:s3+$0x0]  }
0x39e: {  	s24 =	simm.s32 $0x10  }
0x39f: {  	v13 =	vor.u32 s24, v1  }
0x3a0: {  	s12 =	simm.s32 $0x20;
	s24 =	smov.u32 s3;
	v14 =	vadd.s32 v10, v13  }
.LBB2_38:
0x3a1: {  	p1 =	sne.s32 s12, $0x70;
	v15 =	vadd.s32 v8, v13;
	vm4 =	vlt.s32 v13, v9;
	vm5 =	vlt.s32 v14, v6  }
0x3a2: {  	vm4 =	vmand vm4, vm5;
	vm5 =	vlt.u32 v15, $0x80;
	[tilespmem:v11+s15+$0x0] =	vst.idx.msk vm3, v12  }
.Ltmp20:
0x3a3: {  	s24 =	sadd.s32 $0x10, s24;
	[tilespmem:v11+s8+$0x0] =	vst.idx.msk vm3, v5;
	vm3 =	vmand vm4, vm5;
	v11 =	vmov v15;
	(pc) =	sbr.rel @p1 .LBB2_38-.Ltmp20, $3  }
0x3a4: {  	v12 =	vld [tilespmem:s24+$0x0];
	_ =	sdelay $0x1  }
0x3a5: {  	v13 =	vor.u32 s12, v1  }
0x3a6: {  	s12 =	sadd.s32 $0x10, s12;
	v14 =	vadd.s32 v10, v13  }
0x3a7: {  	(v2sf) =	vpush v7, $0x0  }
0x3a8: {  	(v2sf) =	vpush v7, $0x1;
	_ =	sdelay $0x6  }
0x3a9: {  	vm4 =	vlt.s32 v13, v9;
	vm5 =	vlt.s32 v14, v6;
	v7 =	vadd.s32 v8, v13  }
0x3aa: {  	vm4 =	vmand vm4, vm5;
	[tilespmem:v11+s15+$0x0] =	vst.idx.msk vm3, v12;
	vm15 =	vlt.u32 v7, $0x80  }
0x3ab: {  	s9 =	sadd.s32 $0x10, s24;
	[tilespmem:v11+s8+$0x0] =	vst.idx.msk vm3, v5;
	vm4 =	vmand vm4, vm15  }
0x3ac: {  	s1 =	sadd.s32 $0x1, s1;
	v8 =	vld [tilespmem:s9+$0x0]  }
0x3ad: {  	p1 =	sne.s32 s1, $0x10  }
.Ltmp21:
0x3ae: {  	_ = 	snop;
	(pc) =	sbr.rel @p1 .LBB2_35-.Ltmp21, $4  }
0x3af: {  	_ = 	snop  }
0x3b0: {  	s24 =	spop (v2sf)  }
0x3b1: {  	s19 =	sadd.s32 $0x80, s19;
	s21 =	sadd.s32 $0x80, s21;
	[tilespmem:v7+s15+$0x0] =	vst.idx.msk vm4, v8;
	s12 =	spop (v2sf)  }
0x3b2: {  	s3 =	sadd.s32 $0x80, s3;
	[tilespmem:v7+s8+$0x0] =	vst.idx.msk vm4, v5;
	s0 =	sadd.s32 s0, s24;
	s5 =	sadd.s32 s5, s12  }
0x3b3: {  	s0 =	simm.s32 $0x0;
	s1 =	rddreg [dreg:$0x11]  }
0x3b4: {  	[hbm4b:s1+s0] =	stream.linear.scatter [tilespmem:s8], [sflag:$0x1], $0x80, $0x38;
	[tilespmem:$0x13680] =	vst v63  }
0x3b5: {  	_ =	swait.ge [sflag:s31], $0x80  }
0x3b6: {  	[sflag:s31] =	ssyncset.done $0x0  }
.Ltmp22:
0x3b7: {  	s25 =	rddreg [dreg:$0x12];
	[sflag:s31] =	ssyncadd.s32 $0xFFFFFF80;
	(pc) =	sbr.rel .LBB2_41-.Ltmp22, $4  }
0x3b8: {  	[hbm4b:s25+s0] =	stream.linear.scatter [tilespmem:s15], [sflag:$0x1], $0x80, $0x38;
	[tilespmem:$0x13680] =	vst v63  }
0x3b9: {  	_ =	swait.ge [sflag:s31], $0x80  }
0x3ba: {  	[sflag:s31] =	ssyncset.done $0x0  }
0x3bb: {  	s1 =	rddreg [dreg:$0x15];
	[sflag:s31] =	ssyncadd.s32 $0xFFFFFF80  }
.LBB2_42:
0x3bc: {  	_ =	sfence.sel $0x180000  }
0x3bd: {  	[bflag:$0x0] =	sbarrier.arrive $0xFFFF  }
0x3be: {  	_ =	strace $0x90000047  }
0x3bf: {  	[bflag:$0x2] =	sbarrier.arrive $0xFFFF  }
0x3c0: {  	s0 =	rddreg [dreg:$0x7]  }
0x3c1: {  	s0 =	sadd.s32 @!p0 $0x100000, s0  }
0x3c2: {  	[sflag:s0] =	ssyncadd.tile.s32 @!p0 $0x1;
	_ =	shalt  }
.Lfunc_end2:
_tile_overlayer_lowered:
.L_overlay_start_2:
0x3c3: {  	(tag) =	ssettag $0x2  }
0x3c4: {  	s0 =	rddreg [dreg:$0x0];
	s2 =	stileid.u32  }
0x3c5: {  	s1 =	rddreg [dreg:$0x1];
	p0 =	sne.s32 s2, $0x0  }
0x3c6: {  	s3 =	rddreg [dreg:$0x2];
	[bflag:$0x3] =	sbarrier.arrive $0xFFFF;
	s2 =	simm.s32 @!p0 $0x1C01  }
0x3c7: {  	[timem:s3], [sflag:s2] =	dma.local @!p0 [hbm:s0], s1  }
0x3c8: {  	s0 =	simm.s32 @!p0 $0x1  }
0x3c9: {  	_ =	swait.ge @!p0 [sflag:s0], s1  }
0x3ca: {  	s1 =	ssub.s32 @!p0 $0x0, s1;
	[sflag:s0] =	ssyncset.done @!p0 $0x0  }
0x3cb: {  	[sflag:s0] =	ssyncadd.s32 @!p0 s1  }
0x3cc: {  	[bflag:$0x3] =	sbarrier.arrive $0xFFFF  }
0x3cd: {  	_ =	shalt  }

</sc_bundles>
